<compile_context>
chip_gen: v7x
topology: tpu7x:2x2x1
jax: 0.10.2.dev20260603
libtpu: 0.0.44.dev20260713+nightly
codegen_flags: <defaults>
</compile_context>

<pallas_src>
import jax
import jax.numpy as jnp
from jax.experimental import pallas as pl
from jax.experimental.pallas import tpu as pltpu

HID = 64
NV = HID // 2
NS = HID // 2
EV = HID // 2
ES = HID // 2
LAYERS = 2

_F32 = jnp.float32


def _gather_rows(onehot_t, x):
    return jax.lax.dot_general(
        onehot_t, x, (((0,), (0,)), ((), ())), preferred_element_type=_F32)


def _gvp(p, v, s, relu_s, sig_v):
    Wh = p['Wh']
    Ws = p['Ws']
    bs = p['bs']
    Wv = p['Wv']
    vh = [jnp.dot(vc, Wh, preferred_element_type=_F32) for vc in v]
    vn = jnp.sqrt(vh[0] * vh[0] + vh[1] * vh[1] + vh[2] * vh[2] + 1e-8)
    so = jnp.dot(jnp.concatenate([s, vn], axis=-1), Ws,
                 preferred_element_type=_F32) + bs
    if relu_s:
        so = jnp.maximum(so, 0.0)
    vo = [jnp.dot(vc, Wv, preferred_element_type=_F32) for vc in vh]
    if sig_v:
        g = jax.nn.sigmoid(
            jnp.sqrt(vo[0] * vo[0] + vo[1] * vo[1] + vo[2] * vo[2] + 1e-8))
        vo = [vc * g for vc in vo]
    return vo, so


def _g1_fused(p, oh_cat, srcs_v, srcs_s, loc_v, loc_s):
    Wh = p['Wh']
    Ws = p['Ws']
    bs = p['bs']
    Wv = p['Wv']
    ns = len(srcs_v) + 1
    vh = []
    for c in range(3):
        pcat = jnp.concatenate(
            [jnp.dot(sv[c], Wh[32 * i:32 * (i + 1)],
                     preferred_element_type=_F32)
             for i, sv in enumerate(srcs_v)], axis=0)
        vh.append(_gather_rows(oh_cat, pcat)
                  + jnp.dot(loc_v[c], Wh[32 * (ns - 1):32 * ns],
                            preferred_element_type=_F32))
    vn = jnp.sqrt(vh[0] * vh[0] + vh[1] * vh[1] + vh[2] * vh[2] + 1e-8)
    qcat = jnp.concatenate(
        [jnp.dot(ss, Ws[32 * i:32 * (i + 1)], preferred_element_type=_F32)
         for i, ss in enumerate(srcs_s)], axis=0)
    so = (_gather_rows(oh_cat, qcat)
          + jnp.dot(loc_s, Ws[32 * (ns - 1):32 * ns],
                    preferred_element_type=_F32)
          + jnp.dot(vn, Ws[32 * ns:], preferred_element_type=_F32) + bs)
    so = jnp.maximum(so, 0.0)
    vo = [jnp.dot(vc, Wv, preferred_element_type=_F32) for vc in vh]
    g = jax.nn.sigmoid(
        jnp.sqrt(vo[0] * vo[0] + vo[1] * vo[1] + vo[2] * vo[2] + 1e-8))
    return [vc * g for vc in vo], so


def _gvp_norm(v, s):
    vn2 = v[0] * v[0] + v[1] * v[1] + v[2] * v[2]
    sigma = jnp.sqrt(jnp.mean(vn2, axis=-1, keepdims=True) + 1e-8)
    v = [vc / sigma for vc in v]
    mu = jnp.mean(s, axis=-1, keepdims=True)
    var = jnp.mean((s - mu) * (s - mu), axis=-1, keepdims=True)
    s = (s - mu) / jnp.sqrt(var + 1e-8)
    return v, s


def _split_vs(x, nv):
    v = [x[:, i * nv:(i + 1) * nv] for i in range(3)]
    s = x[:, 3 * nv:]
    return v, s


def _merge_vs(v, s):
    return jnp.concatenate(v + [s], axis=-1)


def _term_kernel(N, K, metas, treedef, V_ref, E_ref, idx_ref, mask_ref,
                 pk_ref, hV_out, hE_out):
    NK = N * K
    leaves = [pk_ref[off:off + r, :c] for (off, r, c) in metas]
    p_ref = jax.tree_util.tree_unflatten(treedef, leaves)
    Vt = V_ref[0]
    Et = E_ref[0]
    idx = idx_ref[0]
    mask_col = mask_ref[0]

    src_iota = jax.lax.broadcasted_iota(jnp.int32, (N, NK), 0)
    edge_iota = jax.lax.broadcasted_iota(jnp.int32, (N, NK), 1)
    oh_j = (src_iota == idx).astype(_F32)
    oh_exp = (src_iota == edge_iota // K).astype(_F32)
    fsel = (jax.lax.broadcasted_iota(jnp.int32, (NK, N), 0) ==
            jax.lax.broadcasted_iota(jnp.int32, (NK, N), 1) * K).astype(_F32)
    oh_n0 = jnp.dot(oh_j, fsel, preferred_element_type=_F32)
    oh_i = jnp.dot(oh_n0, oh_exp, preferred_element_type=_F32)

    vV, sV = _split_vs(Vt, NV)
    hv_v, hv_s = _gvp(p_ref['W_v'], vV, sV, False, False)
    vE, sE = _split_vs(Et, EV)
    he_v, he_s = _gvp(p_ref['W_e'], vE, sE, False, False)

    mask_exp = _gather_rows(oh_exp, mask_col)
    ma = _gather_rows(oh_j, mask_col)
    mask_attend = mask_exp * ma

    oh3 = jnp.concatenate([oh_exp, oh_i, oh_j], axis=0)
    oh2 = oh3[N:]

    for li in range(LAYERS):
        pn = p_ref['node%d' % li]
        pe = p_ref['edge%d' % li]

        m_v, m_s = _g1_fused(pn['g1'], oh3, [hv_v] * 3, [hv_s] * 3,
                             he_v, he_s)
        m_v, m_s = _gvp(pn['g2'], m_v, m_s, True, True)
        m_v, m_s = _gvp(pn['g3'], m_v, m_s, False, False)
        m = _merge_vs(m_v, m_s) * mask_attend
        dh = jnp.dot(oh_exp, m, preferred_element_type=_F32) * (1.0 / K)
        dh_v, dh_s = _split_vs(dh, NV)
        hv_v = [hv_v[c] + dh_v[c] for c in range(3)]
        hv_s = hv_s + dh_s
        hv_v, hv_s = _gvp_norm(hv_v, hv_s)
        d_v, d_s = _gvp(pn['ff1'], hv_v, hv_s, True, True)
        d_v, d_s = _gvp(pn['ff2'], d_v, d_s, False, False)
        hv_v = [hv_v[c] + d_v[c] for c in range(3)]
        hv_s = hv_s + d_s
        hv_v, hv_s = _gvp_norm(hv_v, hv_s)
        hv_v = [vc * mask_col for vc in hv_v]
        hv_s = hv_s * mask_col

        m_v, m_s = _g1_fused(pe['g1'], oh2, [hv_v] * 2, [hv_s] * 2,
                             he_v, he_s)
        m_v, m_s = _gvp(pe['g2'], m_v, m_s, True, True)
        m_v, m_s = _gvp(pe['g3'], m_v, m_s, False, False)
        he_v = [he_v[c] + m_v[c] * mask_attend for c in range(3)]
        he_s = he_s + m_s * mask_attend
        he_v, he_s = _gvp_norm(he_v, he_s)
        d_v, d_s = _gvp(pe['ff1'], he_v, he_s, True, True)
        d_v, d_s = _gvp(pe['ff2'], d_v, d_s, False, False)
        he_v = [he_v[c] + d_v[c] for c in range(3)]
        he_s = he_s + d_s
        he_v, he_s = _gvp_norm(he_v, he_s)
        he_v = [vc * mask_attend for vc in he_v]
        he_s = he_s * mask_attend

    ho_v, ho_s = _gvp(p_ref['W_out'], he_v, he_s, False, False)
    hV_out[0] = _merge_vs(hv_v, hv_s)
    hE_out[0] = _merge_vs(ho_v, ho_s)


def kernel(V, E, E_idx, mask, params):
    B, T, N, K = E_idx.shape
    BT = B * T
    CV = V.shape[-1]
    CE = E.shape[-1]
    NK = N * K

    Vr = V.reshape(BT, N, CV)
    Er = E.reshape(BT, NK, CE)
    idxr = E_idx.reshape(BT, 1, NK).astype(jnp.int32)
    maskr = mask.reshape(BT, N, 1).astype(_F32)

    p2 = jax.tree_util.tree_map(
        lambda a: a.reshape(1, -1) if a.ndim == 1 else a, params)
    leaves, treedef = jax.tree_util.tree_flatten(p2)
    metas = []
    chunks = []
    off = 0
    for a in leaves:
        r, c = a.shape
        rp = -(-r // 8) * 8
        metas.append((off, r, c))
        pad = jnp.zeros((rp, 128), _F32)
        chunks.append(pad.at[:r, :c].set(a.astype(_F32)))
        off += rp
    packed = jnp.concatenate(chunks, axis=0)

    import functools
    body = functools.partial(_term_kernel, N, K, tuple(metas), treedef)

    hV, hE = pl.pallas_call(
        body,
        grid=(BT,),
        in_specs=[
            pl.BlockSpec((1, N, CV), lambda i: (i, 0, 0)),
            pl.BlockSpec((1, NK, CE), lambda i: (i, 0, 0)),
            pl.BlockSpec((1, 1, NK), lambda i: (i, 0, 0)),
            pl.BlockSpec((1, N, 1), lambda i: (i, 0, 0)),
            pl.BlockSpec(packed.shape, lambda i: (0, 0)),
        ],
        out_specs=[
            pl.BlockSpec((1, N, 3 * NV + NS), lambda i: (i, 0, 0)),
            pl.BlockSpec((1, NK, 3 * EV + ES), lambda i: (i, 0, 0)),
        ],
        out_shape=[
            jax.ShapeDtypeStruct((BT, N, 3 * NV + NS), _F32),
            jax.ShapeDtypeStruct((BT, NK, 3 * EV + ES), _F32),
        ],
    )(Vr, Er, idxr, maskr, packed)

    return (hV.reshape(B, T, N, 3 * NV + NS),
            hE.reshape(B, T, N, K, 3 * EV + ES))

# --- scband reference (transcript-rebuilt; emitter-appended) ---
"""Pipeline reference for scband-termgraph-gvpencoder-79817672229198 (READ-ONLY COPY).

The authoritative reference and input builder live on the scoring server;
editing this copy changes nothing except your own understanding.
"""

import jax, jax.numpy as jnp
import numpy as np

HID = 64
NV = HID // 2
NS = HID // 2
EV = HID // 2
ES = HID // 2
LAYERS = 2


def vs_split(x, nv):
    v = x[..., :3 * nv].reshape(x.shape[:-1] + (3, nv))
    s = x[..., 3 * nv:]
    return v, s


def vs_merge(v, s):
    vf = v.reshape(v.shape[:-2] + (v.shape[-2] * v.shape[-1],))
    return jnp.concatenate([vf, s], axis=-1)


def vs_concat(x1, x2, nv1, nv2):
    v1, s1 = vs_split(x1, nv1)
    v2, s2 = vs_split(x2, nv2)
    return vs_merge(jnp.concatenate([v1, v2], axis=-1), jnp.concatenate([s1, s2], axis=-1))


def gvp_params(key, vi, si, vo, so):
    h = max(vi, vo)
    k1, k2, k3 = jax.random.split(key, 3)
    return {
        'Wh': jax.random.normal(k1, (vi, h), jnp.float32) / np.sqrt(vi),
        'Ws': jax.random.normal(k2, (h + si, so), jnp.float32) / np.sqrt(h + si),
        'bs': jnp.zeros((so,), jnp.float32),
        'Wv': jax.random.normal(k3, (h, vo), jnp.float32) / np.sqrt(h),
    }


def gvp(p, x, nv_in, nls=None, nlv=None):
    v, s = vs_split(x, nv_in)
    vh = jnp.einsum('...ik,kh->...ih', v, p['Wh'])
    vn = jnp.sqrt(jnp.sum(vh * vh, axis=-2) + 1e-8)
    so = jnp.concatenate([s, vn], axis=-1) @ p['Ws'] + p['bs']
    if nls is not None:
        so = nls(so)
    vo = jnp.einsum('...ih,ho->...io', vh, p['Wv'])
    if nlv is not None:
        g = nlv(jnp.sqrt(jnp.sum(vo * vo, axis=-2, keepdims=True) + 1e-8))
        vo = vo * g
    return vs_merge(vo, so)


def gvp_norm(x, nv):
    v, s = vs_split(x, nv)
    vn2 = jnp.sum(v * v, axis=-2, keepdims=True)
    sigma = jnp.sqrt(jnp.mean(vn2, axis=-1, keepdims=True) + 1e-8)
    v = v / sigma
    mu = jnp.mean(s, axis=-1, keepdims=True)
    var = jnp.var(s, axis=-1, keepdims=True)
    s = (s - mu) / jnp.sqrt(var + 1e-8)
    return vs_merge(v, s)


def gather_term_nodes(nodes, neighbor_idx):
    B, T, N, K = neighbor_idx.shape
    C = nodes.shape[-1]
    flat = neighbor_idx.reshape(B, T, N * K)
    idx = jnp.broadcast_to(flat[..., None], (B, T, N * K, C))
    g = jnp.take_along_axis(nodes, idx, axis=2)
    return g.reshape(B, T, N, K, C)


def cat_term_edge_endpoints(h_E, h_V, E_idx, n_node, n_edge):
    B, T, N, K = E_idx.shape
    h_i_idx = jnp.broadcast_to(E_idx[:, :, :, 0:1], (B, T, N, K))
    h_i = gather_term_nodes(h_V, h_i_idx)
    h_j = gather_term_nodes(h_V, E_idx)
    return vs_concat(vs_concat(h_i, h_j, n_node, n_node), h_E, 2 * n_node, n_edge)


def node_layer(p, h_V, h_EV, mask_V, mask_attend):
    h_V_exp = jnp.broadcast_to(h_V[..., None, :], h_EV.shape[:-1] + (h_V.shape[-1],))
    h = vs_concat(h_V_exp, h_EV, NV, 2 * NV + EV)
    m = gvp(p['g1'], h, 3 * NV + EV, jax.nn.relu, jax.nn.sigmoid)
    m = gvp(p['g2'], m, NV, jax.nn.relu, jax.nn.sigmoid)
    m = gvp(p['g3'], m, NV, None, None)
    m = m * mask_attend[..., None]
    dh = jnp.mean(m, axis=-2)
    h_V = gvp_norm(h_V + dh, NV)
    d = gvp(p['ff1'], h_V, NV, jax.nn.relu, jax.nn.sigmoid)
    d = gvp(p['ff2'], d, NV, None, None)
    h_V = gvp_norm(h_V + d, NV)
    h_V = h_V * mask_V[..., None]
    return h_V


def edge_layer(p, h_E, h_EV, mask_E, mask_attend):
    m = gvp(p['g1'], h_EV, 2 * NV + EV, jax.nn.relu, jax.nn.sigmoid)
    m = gvp(p['g2'], m, EV, jax.nn.relu, jax.nn.sigmoid)
    m = gvp(p['g3'], m, EV, None, None)
    m = m * mask_attend[..., None]
    h_E = gvp_norm(h_E + m, EV)
    d = gvp(p['ff1'], h_E, EV, jax.nn.relu, jax.nn.sigmoid)
    d = gvp(p['ff2'], d, EV, None, None)
    h_E = gvp_norm(h_E + d, EV)
    h_E = h_E * mask_E[..., None]
    return h_E


def make_params(key):
    keys = jax.random.split(key, 3 + 10 * LAYERS)
    params = {
        'W_v': gvp_params(keys[0], NV, NS + HID, NV, NS),
        'W_e': gvp_params(keys[1], EV, ES, NV, NS),
        'W_out': gvp_params(keys[2], EV, NS, EV, NS),
    }
    ki = 3
    for i in range(LAYERS):
        params['node%d' % i] = {
            'g1': gvp_params(keys[ki + 0], 3 * NV + EV, 3 * NS + ES, NV, NS),
            'g2': gvp_params(keys[ki + 1], NV, NS, NV, NS),
            'g3': gvp_params(keys[ki + 2], NV, NS, NV, NS),
            'ff1': gvp_params(keys[ki + 3], NV, NS, NV, NS),
            'ff2': gvp_params(keys[ki + 4], NV, NS, NV, NS),
        }
        params['edge%d' % i] = {
            'g1': gvp_params(keys[ki + 5], 2 * NV + EV, 2 * NS + ES, EV, ES),
            'g2': gvp_params(keys[ki + 6], EV, ES, EV, ES),
            'g3': gvp_params(keys[ki + 7], EV, ES, EV, ES),
            'ff1': gvp_params(keys[ki + 8], EV, ES, EV, ES),
            'ff2': gvp_params(keys[ki + 9], EV, ES, EV, ES),
        }
        ki += 10
    return params


def setup_inputs(seed: int = 0):
    key = jax.random.key(seed)
    B, T, N, K = 2, 50, 40, 20
    k1, k2, k3, k4 = jax.random.split(key, 4)
    V = jax.random.normal(k1, (B, T, N, 3 * NV + NS + HID), jnp.float32)
    E = jax.random.normal(k2, (B, T, N, K, 3 * EV + ES), jnp.float32)
    E_idx = jax.random.randint(k3, (B, T, N, K), 0, N)
    mask = jnp.ones((B, T, N), jnp.float32)
    params = make_params(k4)
    return {'V': V, 'E': E, 'E_idx': E_idx, 'mask': mask, 'params': params}


def reference(V, E, E_idx, mask, params):
    h_V = gvp(params['W_v'], V, NV, None, None)
    h_E = gvp(params['W_e'], E, EV, None, None)
    ma = gather_term_nodes(mask[..., None], E_idx)[..., 0]
    mask_attend = mask[..., None] * ma
    for i in range(LAYERS):
        h_EV_nodes = cat_term_edge_endpoints(h_E, h_V, E_idx, NV, EV)
        h_V = node_layer(params['node%d' % i], h_V, h_EV_nodes, mask, mask_attend)
        h_EV_edges = cat_term_edge_endpoints(h_E, h_V, E_idx, NV, EV)
        h_E = edge_layer(params['edge%d' % i], h_E, h_EV_edges, mask_attend, mask_attend)
    h_E = gvp(params['W_out'], h_E, EV, None, None)
    return (h_V, h_E)

if __name__ == "__main__":
    import jax
    _d = setup_inputs()
    print(jax.jit(kernel)(*tuple(_d.values())))

</pallas_src>

<mosaic_0001>
module attributes {stable_mosaic.version = 14 : i64} {
  func.func @_term_kernel(%arg0: i32, %arg1: memref<1x40x192xf32, #tpu.memory_space<vmem>>, %arg2: memref<1x800x128xf32, #tpu.memory_space<vmem>>, %arg3: memref<1x1x800xi32, #tpu.memory_space<vmem>>, %arg4: memref<1x40x1xf32, #tpu.memory_space<vmem>>, %arg5: memref<4472x128xf32, #tpu.memory_space<vmem>>, %arg6: memref<1x40x128xf32, #tpu.memory_space<vmem>>, %arg7: memref<1x800x128xf32, #tpu.memory_space<vmem>>) attributes {dimension_semantics = [#tpu.dimension_semantics<arbitrary>], iteration_bounds = array<i64: 100>, scalar_prefetch = 0 : i64, scratch_operands = 0 : i64, tpu.core_type = #tpu.core_type<tc>, window_params = [{transform_indices = @transform_0, window_bounds = array<i64: 1, 40, 192>}, {transform_indices = @transform_1, window_bounds = array<i64: 1, 800, 128>}, {transform_indices = @transform_2, window_bounds = array<i64: 1, 1, 800>}, {transform_indices = @transform_3, window_bounds = array<i64: 1, 40, 1>}, {pipeline_mode = #tpu.pipeline_mode<synchronous>, transform_indices = @transform_4, window_bounds = array<i64: 4472, 128>}, {transform_indices = @transform_5, window_bounds = array<i64: 1, 40, 128>}, {transform_indices = @transform_6, window_bounds = array<i64: 1, 800, 128>}]} {
    %get3A = arith.constant 0 : index
    %get3A_0 = arith.constant 0 : index
    %get3A_1 = vector.load %arg5[%get3A, %get3A_0] : memref<4472x128xf32, #tpu.memory_space<vmem>>, vector<32x32xf32>
    %get3A_2 = arith.constant 32 : index
    %get3A_3 = arith.constant 0 : index
    %get3A_4 = vector.load %arg5[%get3A_2, %get3A_3] : memref<4472x128xf32, #tpu.memory_space<vmem>>, vector<64x32xf32>
    %get3A_5 = arith.constant 96 : index
    %get3A_6 = arith.constant 0 : index
    %get3A_7 = vector.load %arg5[%get3A_5, %get3A_6] : memref<4472x128xf32, #tpu.memory_space<vmem>>, vector<32x32xf32>
    %get3A_8 = arith.constant 128 : index
    %get3A_9 = arith.constant 0 : index
    %get3A_10 = vector.load %arg5[%get3A_8, %get3A_9] : memref<4472x128xf32, #tpu.memory_space<vmem>>, vector<1x32xf32>
    %get3A_11 = arith.constant 136 : index
    %get3A_12 = arith.constant 0 : index
    %get3A_13 = vector.load %arg5[%get3A_11, %get3A_12] : memref<4472x128xf32, #tpu.memory_space<vmem>>, vector<32x32xf32>
    %get3A_14 = arith.constant 168 : index
    %get3A_15 = arith.constant 0 : index
    %get3A_16 = vector.load %arg5[%get3A_14, %get3A_15] : memref<4472x128xf32, #tpu.memory_space<vmem>>, vector<64x32xf32>
    %get3A_17 = arith.constant 232 : index
    %get3A_18 = arith.constant 0 : index
    %get3A_19 = vector.load %arg5[%get3A_17, %get3A_18] : memref<4472x128xf32, #tpu.memory_space<vmem>>, vector<32x32xf32>
    %get3A_20 = arith.constant 264 : index
    %get3A_21 = arith.constant 0 : index
    %get3A_22 = vector.load %arg5[%get3A_20, %get3A_21] : memref<4472x128xf32, #tpu.memory_space<vmem>>, vector<1x32xf32>
    %get3A_23 = arith.constant 272 : index
    %get3A_24 = arith.constant 0 : index
    %get3A_25 = vector.load %arg5[%get3A_23, %get3A_24] : memref<4472x128xf32, #tpu.memory_space<vmem>>, vector<32x32xf32>
    %get3A_26 = arith.constant 304 : index
    %get3A_27 = arith.constant 0 : index
    %get3A_28 = vector.load %arg5[%get3A_26, %get3A_27] : memref<4472x128xf32, #tpu.memory_space<vmem>>, vector<128x32xf32>
    %get3A_29 = arith.constant 432 : index
    %get3A_30 = arith.constant 0 : index
    %get3A_31 = vector.load %arg5[%get3A_29, %get3A_30] : memref<4472x128xf32, #tpu.memory_space<vmem>>, vector<32x32xf32>
    %get3A_32 = arith.constant 464 : index
    %get3A_33 = arith.constant 0 : index
    %get3A_34 = vector.load %arg5[%get3A_32, %get3A_33] : memref<4472x128xf32, #tpu.memory_space<vmem>>, vector<1x32xf32>
    %get3A_35 = arith.constant 472 : index
    %get3A_36 = arith.constant 0 : index
    %get3A_37 = vector.load %arg5[%get3A_35, %get3A_36] : memref<4472x128xf32, #tpu.memory_space<vmem>>, vector<32x32xf32>
    %get3A_38 = arith.constant 504 : index
    %get3A_39 = arith.constant 0 : index
    %get3A_40 = vector.load %arg5[%get3A_38, %get3A_39] : memref<4472x128xf32, #tpu.memory_space<vmem>>, vector<64x32xf32>
    %get3A_41 = arith.constant 568 : index
    %get3A_42 = arith.constant 0 : index
    %get3A_43 = vector.load %arg5[%get3A_41, %get3A_42] : memref<4472x128xf32, #tpu.memory_space<vmem>>, vector<32x32xf32>
    %get3A_44 = arith.constant 600 : index
    %get3A_45 = arith.constant 0 : index
    %get3A_46 = vector.load %arg5[%get3A_44, %get3A_45] : memref<4472x128xf32, #tpu.memory_space<vmem>>, vector<1x32xf32>
    %get3A_47 = arith.constant 608 : index
    %get3A_48 = arith.constant 0 : index
    %get3A_49 = vector.load %arg5[%get3A_47, %get3A_48] : memref<4472x128xf32, #tpu.memory_space<vmem>>, vector<32x32xf32>
    %get3A_50 = arith.constant 640 : index
    %get3A_51 = arith.constant 0 : index
    %get3A_52 = vector.load %arg5[%get3A_50, %get3A_51] : memref<4472x128xf32, #tpu.memory_space<vmem>>, vector<64x32xf32>
    %get3A_53 = arith.constant 704 : index
    %get3A_54 = arith.constant 0 : index
    %get3A_55 = vector.load %arg5[%get3A_53, %get3A_54] : memref<4472x128xf32, #tpu.memory_space<vmem>>, vector<32x32xf32>
    %get3A_56 = arith.constant 736 : index
    %get3A_57 = arith.constant 0 : index
    %get3A_58 = vector.load %arg5[%get3A_56, %get3A_57] : memref<4472x128xf32, #tpu.memory_space<vmem>>, vector<1x32xf32>
    %get3A_59 = arith.constant 744 : index
    %get3A_60 = arith.constant 0 : index
    %get3A_61 = vector.load %arg5[%get3A_59, %get3A_60] : memref<4472x128xf32, #tpu.memory_space<vmem>>, vector<96x96xf32>
    %get3A_62 = arith.constant 840 : index
    %get3A_63 = arith.constant 0 : index
    %get3A_64 = vector.load %arg5[%get3A_62, %get3A_63] : memref<4472x128xf32, #tpu.memory_space<vmem>>, vector<192x32xf32>
    %get3A_65 = arith.constant 1032 : index
    %get3A_66 = arith.constant 0 : index
    %get3A_67 = vector.load %arg5[%get3A_65, %get3A_66] : memref<4472x128xf32, #tpu.memory_space<vmem>>, vector<96x32xf32>
    %get3A_68 = arith.constant 1128 : index
    %get3A_69 = arith.constant 0 : index
    %get3A_70 = vector.load %arg5[%get3A_68, %get3A_69] : memref<4472x128xf32, #tpu.memory_space<vmem>>, vector<1x32xf32>
    %get3A_71 = arith.constant 1136 : index
    %get3A_72 = arith.constant 0 : index
    %get3A_73 = vector.load %arg5[%get3A_71, %get3A_72] : memref<4472x128xf32, #tpu.memory_space<vmem>>, vector<32x32xf32>
    %get3A_74 = arith.constant 1168 : index
    %get3A_75 = arith.constant 0 : index
    %get3A_76 = vector.load %arg5[%get3A_74, %get3A_75] : memref<4472x128xf32, #tpu.memory_space<vmem>>, vector<64x32xf32>
    %get3A_77 = arith.constant 1232 : index
    %get3A_78 = arith.constant 0 : index
    %get3A_79 = vector.load %arg5[%get3A_77, %get3A_78] : memref<4472x128xf32, #tpu.memory_space<vmem>>, vector<32x32xf32>
    %get3A_80 = arith.constant 1264 : index
    %get3A_81 = arith.constant 0 : index
    %get3A_82 = vector.load %arg5[%get3A_80, %get3A_81] : memref<4472x128xf32, #tpu.memory_space<vmem>>, vector<1x32xf32>
    %get3A_83 = arith.constant 1272 : index
    %get3A_84 = arith.constant 0 : index
    %get3A_85 = vector.load %arg5[%get3A_83, %get3A_84] : memref<4472x128xf32, #tpu.memory_space<vmem>>, vector<32x32xf32>
    %get3A_86 = arith.constant 1304 : index
    %get3A_87 = arith.constant 0 : index
    %get3A_88 = vector.load %arg5[%get3A_86, %get3A_87] : memref<4472x128xf32, #tpu.memory_space<vmem>>, vector<64x32xf32>
    %get3A_89 = arith.constant 1368 : index
    %get3A_90 = arith.constant 0 : index
    %get3A_91 = vector.load %arg5[%get3A_89, %get3A_90] : memref<4472x128xf32, #tpu.memory_space<vmem>>, vector<32x32xf32>
    %get3A_92 = arith.constant 1400 : index
    %get3A_93 = arith.constant 0 : index
    %get3A_94 = vector.load %arg5[%get3A_92, %get3A_93] : memref<4472x128xf32, #tpu.memory_space<vmem>>, vector<1x32xf32>
    %get3A_95 = arith.constant 1408 : index
    %get3A_96 = arith.constant 0 : index
    %get3A_97 = vector.load %arg5[%get3A_95, %get3A_96] : memref<4472x128xf32, #tpu.memory_space<vmem>>, vector<32x32xf32>
    %get3A_98 = arith.constant 1440 : index
    %get3A_99 = arith.constant 0 : index
    %get3A_100 = vector.load %arg5[%get3A_98, %get3A_99] : memref<4472x128xf32, #tpu.memory_space<vmem>>, vector<64x32xf32>
    %get3A_101 = arith.constant 1504 : index
    %get3A_102 = arith.constant 0 : index
    %get3A_103 = vector.load %arg5[%get3A_101, %get3A_102] : memref<4472x128xf32, #tpu.memory_space<vmem>>, vector<32x32xf32>
    %get3A_104 = arith.constant 1536 : index
    %get3A_105 = arith.constant 0 : index
    %get3A_106 = vector.load %arg5[%get3A_104, %get3A_105] : memref<4472x128xf32, #tpu.memory_space<vmem>>, vector<1x32xf32>
    %get3A_107 = arith.constant 1544 : index
    %get3A_108 = arith.constant 0 : index
    %get3A_109 = vector.load %arg5[%get3A_107, %get3A_108] : memref<4472x128xf32, #tpu.memory_space<vmem>>, vector<32x32xf32>
    %get3A_110 = arith.constant 1576 : index
    %get3A_111 = arith.constant 0 : index
    %get3A_112 = vector.load %arg5[%get3A_110, %get3A_111] : memref<4472x128xf32, #tpu.memory_space<vmem>>, vector<64x32xf32>
    %get3A_113 = arith.constant 1640 : index
    %get3A_114 = arith.constant 0 : index
    %get3A_115 = vector.load %arg5[%get3A_113, %get3A_114] : memref<4472x128xf32, #tpu.memory_space<vmem>>, vector<32x32xf32>
    %get3A_116 = arith.constant 1672 : index
    %get3A_117 = arith.constant 0 : index
    %get3A_118 = vector.load %arg5[%get3A_116, %get3A_117] : memref<4472x128xf32, #tpu.memory_space<vmem>>, vector<1x32xf32>
    %get3A_119 = arith.constant 1680 : index
    %get3A_120 = arith.constant 0 : index
    %get3A_121 = vector.load %arg5[%get3A_119, %get3A_120] : memref<4472x128xf32, #tpu.memory_space<vmem>>, vector<96x96xf32>
    %get3A_122 = arith.constant 1776 : index
    %get3A_123 = arith.constant 0 : index
    %get3A_124 = vector.load %arg5[%get3A_122, %get3A_123] : memref<4472x128xf32, #tpu.memory_space<vmem>>, vector<192x32xf32>
    %get3A_125 = arith.constant 1968 : index
    %get3A_126 = arith.constant 0 : index
    %get3A_127 = vector.load %arg5[%get3A_125, %get3A_126] : memref<4472x128xf32, #tpu.memory_space<vmem>>, vector<96x32xf32>
    %get3A_128 = arith.constant 2064 : index
    %get3A_129 = arith.constant 0 : index
    %get3A_130 = vector.load %arg5[%get3A_128, %get3A_129] : memref<4472x128xf32, #tpu.memory_space<vmem>>, vector<1x32xf32>
    %get3A_131 = arith.constant 2072 : index
    %get3A_132 = arith.constant 0 : index
    %get3A_133 = vector.load %arg5[%get3A_131, %get3A_132] : memref<4472x128xf32, #tpu.memory_space<vmem>>, vector<32x32xf32>
    %get3A_134 = arith.constant 2104 : index
    %get3A_135 = arith.constant 0 : index
    %get3A_136 = vector.load %arg5[%get3A_134, %get3A_135] : memref<4472x128xf32, #tpu.memory_space<vmem>>, vector<64x32xf32>
    %get3A_137 = arith.constant 2168 : index
    %get3A_138 = arith.constant 0 : index
    %get3A_139 = vector.load %arg5[%get3A_137, %get3A_138] : memref<4472x128xf32, #tpu.memory_space<vmem>>, vector<32x32xf32>
    %get3A_140 = arith.constant 2200 : index
    %get3A_141 = arith.constant 0 : index
    %get3A_142 = vector.load %arg5[%get3A_140, %get3A_141] : memref<4472x128xf32, #tpu.memory_space<vmem>>, vector<1x32xf32>
    %get3A_143 = arith.constant 2208 : index
    %get3A_144 = arith.constant 0 : index
    %get3A_145 = vector.load %arg5[%get3A_143, %get3A_144] : memref<4472x128xf32, #tpu.memory_space<vmem>>, vector<32x32xf32>
    %get3A_146 = arith.constant 2240 : index
    %get3A_147 = arith.constant 0 : index
    %get3A_148 = vector.load %arg5[%get3A_146, %get3A_147] : memref<4472x128xf32, #tpu.memory_space<vmem>>, vector<64x32xf32>
    %get3A_149 = arith.constant 2304 : index
    %get3A_150 = arith.constant 0 : index
    %get3A_151 = vector.load %arg5[%get3A_149, %get3A_150] : memref<4472x128xf32, #tpu.memory_space<vmem>>, vector<32x32xf32>
    %get3A_152 = arith.constant 2336 : index
    %get3A_153 = arith.constant 0 : index
    %get3A_154 = vector.load %arg5[%get3A_152, %get3A_153] : memref<4472x128xf32, #tpu.memory_space<vmem>>, vector<1x32xf32>
    %get3A_155 = arith.constant 2344 : index
    %get3A_156 = arith.constant 0 : index
    %get3A_157 = vector.load %arg5[%get3A_155, %get3A_156] : memref<4472x128xf32, #tpu.memory_space<vmem>>, vector<32x32xf32>
    %get3A_158 = arith.constant 2376 : index
    %get3A_159 = arith.constant 0 : index
    %get3A_160 = vector.load %arg5[%get3A_158, %get3A_159] : memref<4472x128xf32, #tpu.memory_space<vmem>>, vector<64x32xf32>
    %get3A_161 = arith.constant 2440 : index
    %get3A_162 = arith.constant 0 : index
    %get3A_163 = vector.load %arg5[%get3A_161, %get3A_162] : memref<4472x128xf32, #tpu.memory_space<vmem>>, vector<32x32xf32>
    %get3A_164 = arith.constant 2472 : index
    %get3A_165 = arith.constant 0 : index
    %get3A_166 = vector.load %arg5[%get3A_164, %get3A_165] : memref<4472x128xf32, #tpu.memory_space<vmem>>, vector<1x32xf32>
    %get3A_167 = arith.constant 2480 : index
    %get3A_168 = arith.constant 0 : index
    %get3A_169 = vector.load %arg5[%get3A_167, %get3A_168] : memref<4472x128xf32, #tpu.memory_space<vmem>>, vector<32x32xf32>
    %get3A_170 = arith.constant 2512 : index
    %get3A_171 = arith.constant 0 : index
    %get3A_172 = vector.load %arg5[%get3A_170, %get3A_171] : memref<4472x128xf32, #tpu.memory_space<vmem>>, vector<64x32xf32>
    %get3A_173 = arith.constant 2576 : index
    %get3A_174 = arith.constant 0 : index
    %get3A_175 = vector.load %arg5[%get3A_173, %get3A_174] : memref<4472x128xf32, #tpu.memory_space<vmem>>, vector<32x32xf32>
    %get3A_176 = arith.constant 2608 : index
    %get3A_177 = arith.constant 0 : index
    %get3A_178 = vector.load %arg5[%get3A_176, %get3A_177] : memref<4472x128xf32, #tpu.memory_space<vmem>>, vector<1x32xf32>
    %get3A_179 = arith.constant 2616 : index
    %get3A_180 = arith.constant 0 : index
    %get3A_181 = vector.load %arg5[%get3A_179, %get3A_180] : memref<4472x128xf32, #tpu.memory_space<vmem>>, vector<128x128xf32>
    %get3A_182 = arith.constant 2744 : index
    %get3A_183 = arith.constant 0 : index
    %get3A_184 = vector.load %arg5[%get3A_182, %get3A_183] : memref<4472x128xf32, #tpu.memory_space<vmem>>, vector<256x32xf32>
    %get3A_185 = arith.constant 3000 : index
    %get3A_186 = arith.constant 0 : index
    %get3A_187 = vector.load %arg5[%get3A_185, %get3A_186] : memref<4472x128xf32, #tpu.memory_space<vmem>>, vector<128x32xf32>
    %get3A_188 = arith.constant 3128 : index
    %get3A_189 = arith.constant 0 : index
    %get3A_190 = vector.load %arg5[%get3A_188, %get3A_189] : memref<4472x128xf32, #tpu.memory_space<vmem>>, vector<1x32xf32>
    %get3A_191 = arith.constant 3136 : index
    %get3A_192 = arith.constant 0 : index
    %get3A_193 = vector.load %arg5[%get3A_191, %get3A_192] : memref<4472x128xf32, #tpu.memory_space<vmem>>, vector<32x32xf32>
    %get3A_194 = arith.constant 3168 : index
    %get3A_195 = arith.constant 0 : index
    %get3A_196 = vector.load %arg5[%get3A_194, %get3A_195] : memref<4472x128xf32, #tpu.memory_space<vmem>>, vector<64x32xf32>
    %get3A_197 = arith.constant 3232 : index
    %get3A_198 = arith.constant 0 : index
    %get3A_199 = vector.load %arg5[%get3A_197, %get3A_198] : memref<4472x128xf32, #tpu.memory_space<vmem>>, vector<32x32xf32>
    %get3A_200 = arith.constant 3264 : index
    %get3A_201 = arith.constant 0 : index
    %get3A_202 = vector.load %arg5[%get3A_200, %get3A_201] : memref<4472x128xf32, #tpu.memory_space<vmem>>, vector<1x32xf32>
    %get3A_203 = arith.constant 3272 : index
    %get3A_204 = arith.constant 0 : index
    %get3A_205 = vector.load %arg5[%get3A_203, %get3A_204] : memref<4472x128xf32, #tpu.memory_space<vmem>>, vector<32x32xf32>
    %get3A_206 = arith.constant 3304 : index
    %get3A_207 = arith.constant 0 : index
    %get3A_208 = vector.load %arg5[%get3A_206, %get3A_207] : memref<4472x128xf32, #tpu.memory_space<vmem>>, vector<64x32xf32>
    %get3A_209 = arith.constant 3368 : index
    %get3A_210 = arith.constant 0 : index
    %get3A_211 = vector.load %arg5[%get3A_209, %get3A_210] : memref<4472x128xf32, #tpu.memory_space<vmem>>, vector<32x32xf32>
    %get3A_212 = arith.constant 3400 : index
    %get3A_213 = arith.constant 0 : index
    %get3A_214 = vector.load %arg5[%get3A_212, %get3A_213] : memref<4472x128xf32, #tpu.memory_space<vmem>>, vector<1x32xf32>
    %get3A_215 = arith.constant 3408 : index
    %get3A_216 = arith.constant 0 : index
    %get3A_217 = vector.load %arg5[%get3A_215, %get3A_216] : memref<4472x128xf32, #tpu.memory_space<vmem>>, vector<32x32xf32>
    %get3A_218 = arith.constant 3440 : index
    %get3A_219 = arith.constant 0 : index
    %get3A_220 = vector.load %arg5[%get3A_218, %get3A_219] : memref<4472x128xf32, #tpu.memory_space<vmem>>, vector<64x32xf32>
    %get3A_221 = arith.constant 3504 : index
    %get3A_222 = arith.constant 0 : index
    %get3A_223 = vector.load %arg5[%get3A_221, %get3A_222] : memref<4472x128xf32, #tpu.memory_space<vmem>>, vector<32x32xf32>
    %get3A_224 = arith.constant 3536 : index
    %get3A_225 = arith.constant 0 : index
    %get3A_226 = vector.load %arg5[%get3A_224, %get3A_225] : memref<4472x128xf32, #tpu.memory_space<vmem>>, vector<1x32xf32>
    %get3A_227 = arith.constant 3544 : index
    %get3A_228 = arith.constant 0 : index
    %get3A_229 = vector.load %arg5[%get3A_227, %get3A_228] : memref<4472x128xf32, #tpu.memory_space<vmem>>, vector<32x32xf32>
    %get3A_230 = arith.constant 3576 : index
    %get3A_231 = arith.constant 0 : index
    %get3A_232 = vector.load %arg5[%get3A_230, %get3A_231] : memref<4472x128xf32, #tpu.memory_space<vmem>>, vector<64x32xf32>
    %get3A_233 = arith.constant 3640 : index
    %get3A_234 = arith.constant 0 : index
    %get3A_235 = vector.load %arg5[%get3A_233, %get3A_234] : memref<4472x128xf32, #tpu.memory_space<vmem>>, vector<32x32xf32>
    %get3A_236 = arith.constant 3672 : index
    %get3A_237 = arith.constant 0 : index
    %get3A_238 = vector.load %arg5[%get3A_236, %get3A_237] : memref<4472x128xf32, #tpu.memory_space<vmem>>, vector<1x32xf32>
    %get3A_239 = arith.constant 3680 : index
    %get3A_240 = arith.constant 0 : index
    %get3A_241 = vector.load %arg5[%get3A_239, %get3A_240] : memref<4472x128xf32, #tpu.memory_space<vmem>>, vector<128x128xf32>
    %get3A_242 = arith.constant 3808 : index
    %get3A_243 = arith.constant 0 : index
    %get3A_244 = vector.load %arg5[%get3A_242, %get3A_243] : memref<4472x128xf32, #tpu.memory_space<vmem>>, vector<256x32xf32>
    %get3A_245 = arith.constant 4064 : index
    %get3A_246 = arith.constant 0 : index
    %get3A_247 = vector.load %arg5[%get3A_245, %get3A_246] : memref<4472x128xf32, #tpu.memory_space<vmem>>, vector<128x32xf32>
    %get3A_248 = arith.constant 4192 : index
    %get3A_249 = arith.constant 0 : index
    %get3A_250 = vector.load %arg5[%get3A_248, %get3A_249] : memref<4472x128xf32, #tpu.memory_space<vmem>>, vector<1x32xf32>
    %get3A_251 = arith.constant 4200 : index
    %get3A_252 = arith.constant 0 : index
    %get3A_253 = vector.load %arg5[%get3A_251, %get3A_252] : memref<4472x128xf32, #tpu.memory_space<vmem>>, vector<32x32xf32>
    %get3A_254 = arith.constant 4232 : index
    %get3A_255 = arith.constant 0 : index
    %get3A_256 = vector.load %arg5[%get3A_254, %get3A_255] : memref<4472x128xf32, #tpu.memory_space<vmem>>, vector<64x32xf32>
    %get3A_257 = arith.constant 4296 : index
    %get3A_258 = arith.constant 0 : index
    %get3A_259 = vector.load %arg5[%get3A_257, %get3A_258] : memref<4472x128xf32, #tpu.memory_space<vmem>>, vector<32x32xf32>
    %get3A_260 = arith.constant 4328 : index
    %get3A_261 = arith.constant 0 : index
    %get3A_262 = vector.load %arg5[%get3A_260, %get3A_261] : memref<4472x128xf32, #tpu.memory_space<vmem>>, vector<1x32xf32>
    %get3A_263 = arith.constant 4336 : index
    %get3A_264 = arith.constant 0 : index
    %get3A_265 = vector.load %arg5[%get3A_263, %get3A_264] : memref<4472x128xf32, #tpu.memory_space<vmem>>, vector<32x32xf32>
    %get3A_266 = arith.constant 4368 : index
    %get3A_267 = arith.constant 0 : index
    %get3A_268 = vector.load %arg5[%get3A_266, %get3A_267] : memref<4472x128xf32, #tpu.memory_space<vmem>>, vector<64x32xf32>
    %get3A_269 = arith.constant 4432 : index
    %get3A_270 = arith.constant 0 : index
    %get3A_271 = vector.load %arg5[%get3A_269, %get3A_270] : memref<4472x128xf32, #tpu.memory_space<vmem>>, vector<32x32xf32>
    %get3A_272 = arith.constant 4464 : index
    %get3A_273 = arith.constant 0 : index
    %get3A_274 = vector.load %arg5[%get3A_272, %get3A_273] : memref<4472x128xf32, #tpu.memory_space<vmem>>, vector<1x32xf32>
    %get3A_275 = arith.constant 0 : index
    %get3A_276 = arith.constant 0 : index
    %get3A_277 = arith.constant 0 : index
    %get3A_278 = vector.load %arg1[%get3A_275, %get3A_276, %get3A_277] : memref<1x40x192xf32, #tpu.memory_space<vmem>>, vector<1x40x192xf32>
    %get3A_279 = vector.shape_cast %get3A_278 : vector<1x40x192xf32> to vector<40x192xf32>
    %get3A_280 = arith.constant 0 : index
    %get3A_281 = arith.constant 0 : index
    %get3A_282 = arith.constant 0 : index
    %get3A_283 = vector.load %arg2[%get3A_280, %get3A_281, %get3A_282] : memref<1x800x128xf32, #tpu.memory_space<vmem>>, vector<1x800x128xf32>
    %get3A_284 = vector.shape_cast %get3A_283 : vector<1x800x128xf32> to vector<800x128xf32>
    %get3A_285 = arith.constant 0 : index
    %get3A_286 = arith.constant 0 : index
    %get3A_287 = arith.constant 0 : index
    %get3A_288 = vector.load %arg3[%get3A_285, %get3A_286, %get3A_287] : memref<1x1x800xi32, #tpu.memory_space<vmem>>, vector<1x1x800xi32>
    %get3A_289 = vector.shape_cast %get3A_288 : vector<1x1x800xi32> to vector<1x800xi32>
    %get3A_290 = arith.constant 0 : index
    %get3A_291 = arith.constant 0 : index
    %get3A_292 = arith.constant 0 : index
    %get3A_293 = vector.load %arg4[%get3A_290, %get3A_291, %get3A_292] : memref<1x40x1xf32, #tpu.memory_space<vmem>>, vector<1x40x1xf32>
    %get3A_294 = vector.shape_cast %get3A_293 : vector<1x40x1xf32> to vector<40x1xf32>
    %iota3A = tpu.iota {dimensions = array<i32: 0>} : vector<40x800xi32>
    %iota3A_295 = tpu.iota {dimensions = array<i32: 1>} : vector<40x800xi32>
    %eq3A = vector.broadcast %get3A_289 : vector<1x800xi32> to vector<40x800xi32>
    %eq3A_296 = arith.cmpi eq, %iota3A, %eq3A : vector<40x800xi32>
    %convert_element_type3A = arith.extui %eq3A_296 : vector<40x800xi1> to vector<40x800xi32>
    %convert_element_type3A_297 = arith.sitofp %convert_element_type3A : vector<40x800xi32> to vector<40x800xf32>
    %jit3A = arith.constant 20 : i32
    %div3A = vector.broadcast %jit3A : i32 to vector<40x800xi32>
    %div3A_298 = arith.divsi %iota3A_295, %div3A : vector<40x800xi32>
    %sign3A = arith.constant 0 : i32
    %sign3A_299 = vector.broadcast %sign3A : i32 to vector<40x800xi32>
    %sign3A_300 = arith.cmpi sgt, %iota3A_295, %sign3A_299 : vector<40x800xi32>
    %sign3A_301 = arith.extui %sign3A_300 : vector<40x800xi1> to vector<40x800xi32>
    %sign3A_302 = arith.constant 0 : i32
    %sign3A_303 = vector.broadcast %sign3A_302 : i32 to vector<40x800xi32>
    %sign3A_304 = arith.cmpi slt, %iota3A_295, %sign3A_303 : vector<40x800xi32>
    %sign3A_305 = arith.extui %sign3A_304 : vector<40x800xi1> to vector<40x800xi32>
    %sign3A_306 = arith.subi %sign3A_301, %sign3A_305 : vector<40x800xi32>
    %sign3A_307 = arith.constant 0 : i32
    %sign3A_308 = arith.cmpi sgt, %jit3A, %sign3A_307 : i32
    %sign3A_309 = arith.extui %sign3A_308 : i1 to i32
    %sign3A_310 = arith.constant 0 : i32
    %sign3A_311 = arith.cmpi slt, %jit3A, %sign3A_310 : i32
    %sign3A_312 = arith.extui %sign3A_311 : i1 to i32
    %sign3A_313 = arith.subi %sign3A_309, %sign3A_312 : i32
    %ne3A = vector.broadcast %sign3A_313 : i32 to vector<40x800xi32>
    %ne3A_314 = arith.cmpi ne, %sign3A_306, %ne3A : vector<40x800xi32>
    %rem3A = vector.broadcast %jit3A : i32 to vector<40x800xi32>
    %rem3A_315 = arith.remsi %iota3A_295, %rem3A : vector<40x800xi32>
    %ne3A_316 = arith.constant 0 : i32
    %ne3A_317 = vector.broadcast %ne3A_316 : i32 to vector<40x800xi32>
    %ne3A_318 = arith.cmpi ne, %rem3A_315, %ne3A_317 : vector<40x800xi32>
    %and3A = arith.andi %ne3A_314, %ne3A_318 : vector<40x800xi1>
    %sub3A = arith.constant 1 : i32
    %sub3A_319 = vector.broadcast %sub3A : i32 to vector<40x800xi32>
    %sub3A_320 = arith.subi %div3A_298, %sub3A_319 : vector<40x800xi32>
    %select_n3A = arith.select %and3A, %sub3A_320, %div3A_298 : vector<40x800xi1>, vector<40x800xi32>
    %eq3A_321 = arith.cmpi eq, %iota3A, %select_n3A : vector<40x800xi32>
    %convert_element_type3A_322 = arith.extui %eq3A_321 : vector<40x800xi1> to vector<40x800xi32>
    %convert_element_type3A_323 = arith.sitofp %convert_element_type3A_322 : vector<40x800xi32> to vector<40x800xf32>
    %iota3A_324 = tpu.iota {dimensions = array<i32: 0>} : vector<800x40xi32>
    %iota3A_325 = tpu.iota {dimensions = array<i32: 1>} : vector<800x40xi32>
    %mul3A = arith.constant 20 : i32
    %mul3A_326 = vector.broadcast %mul3A : i32 to vector<800x40xi32>
    %mul3A_327 = arith.muli %iota3A_325, %mul3A_326 : vector<800x40xi32>
    %eq3A_328 = arith.cmpi eq, %iota3A_324, %mul3A_327 : vector<800x40xi32>
    %convert_element_type3A_329 = arith.extui %eq3A_328 : vector<800x40xi1> to vector<800x40xi32>
    %convert_element_type3A_330 = arith.sitofp %convert_element_type3A_329 : vector<800x40xi32> to vector<800x40xf32>
    %dot_general3A = arith.constant dense<0.000000e+00> : vector<40x40xf32>
    %dot_general3A_331 = tpu.matmul %convert_element_type3A_297, %convert_element_type3A_330, %dot_general3A {dimension_numbers = #tpu.dot_dimension_numbers<[1], [0], [0], [1], [0, 0, 1, 1], [], []>, transpose_lhs_hint = false} : vector<40x800xf32>, vector<800x40xf32>, vector<40x40xf32> -> vector<40x40xf32>
    %dot_general3A_332 = arith.constant dense<0.000000e+00> : vector<40x800xf32>
    %dot_general3A_333 = tpu.matmul %dot_general3A_331, %convert_element_type3A_323, %dot_general3A_332 {dimension_numbers = #tpu.dot_dimension_numbers<[1], [0], [0], [1], [0, 0, 1, 1], [], []>, transpose_lhs_hint = false} : vector<40x40xf32>, vector<40x800xf32>, vector<40x800xf32> -> vector<40x800xf32>
    %slice3A = vector.extract_strided_slice %get3A_279 {offsets = [0, 0], sizes = [40, 32], strides = [1, 1]} : vector<40x192xf32> to vector<40x32xf32>
    %slice3A_334 = vector.extract_strided_slice %get3A_279 {offsets = [0, 32], sizes = [40, 32], strides = [1, 1]} : vector<40x192xf32> to vector<40x32xf32>
    %slice3A_335 = vector.extract_strided_slice %get3A_279 {offsets = [0, 64], sizes = [40, 32], strides = [1, 1]} : vector<40x192xf32> to vector<40x32xf32>
    %slice3A_336 = vector.extract_strided_slice %get3A_279 {offsets = [0, 96], sizes = [40, 96], strides = [1, 1]} : vector<40x192xf32> to vector<40x96xf32>
    %dot_general3A_337 = arith.constant dense<0.000000e+00> : vector<40x32xf32>
    %dot_general3A_338 = tpu.matmul %slice3A, %get3A_25, %dot_general3A_337 {dimension_numbers = #tpu.dot_dimension_numbers<[1], [0], [0], [1], [0, 0, 1, 1], [], []>, transpose_lhs_hint = false} : vector<40x32xf32>, vector<32x32xf32>, vector<40x32xf32> -> vector<40x32xf32>
    %dot_general3A_339 = arith.constant dense<0.000000e+00> : vector<40x32xf32>
    %dot_general3A_340 = tpu.matmul %slice3A_334, %get3A_25, %dot_general3A_339 {dimension_numbers = #tpu.dot_dimension_numbers<[1], [0], [0], [1], [0, 0, 1, 1], [], []>, transpose_lhs_hint = false} : vector<40x32xf32>, vector<32x32xf32>, vector<40x32xf32> -> vector<40x32xf32>
    %dot_general3A_341 = arith.constant dense<0.000000e+00> : vector<40x32xf32>
    %dot_general3A_342 = tpu.matmul %slice3A_335, %get3A_25, %dot_general3A_341 {dimension_numbers = #tpu.dot_dimension_numbers<[1], [0], [0], [1], [0, 0, 1, 1], [], []>, transpose_lhs_hint = false} : vector<40x32xf32>, vector<32x32xf32>, vector<40x32xf32> -> vector<40x32xf32>
    %mul3A_343 = arith.mulf %dot_general3A_338, %dot_general3A_338 : vector<40x32xf32>
    %mul3A_344 = arith.mulf %dot_general3A_340, %dot_general3A_340 : vector<40x32xf32>
    %add3A = arith.addf %mul3A_343, %mul3A_344 : vector<40x32xf32>
    %mul3A_345 = arith.mulf %dot_general3A_342, %dot_general3A_342 : vector<40x32xf32>
    %add3A_346 = arith.addf %add3A, %mul3A_345 : vector<40x32xf32>
    %add3A_347 = arith.constant 9.99999993E-9 : f32
    %add3A_348 = vector.broadcast %add3A_347 : f32 to vector<40x32xf32>
    %add3A_349 = arith.addf %add3A_346, %add3A_348 : vector<40x32xf32>
    %sqrt3A = math.sqrt %add3A_349 : vector<40x32xf32>
    %concatenate3A = tpu.concatenate %slice3A_336, %sqrt3A in 1 : vector<40x96xf32>, vector<40x32xf32> -> vector<40x128xf32>
    %dot_general3A_350 = arith.constant dense<0.000000e+00> : vector<40x32xf32>
    %dot_general3A_351 = tpu.matmul %concatenate3A, %get3A_28, %dot_general3A_350 {dimension_numbers = #tpu.dot_dimension_numbers<[1], [0], [0], [1], [0, 0, 1, 1], [], []>, transpose_lhs_hint = false} : vector<40x128xf32>, vector<128x32xf32>, vector<40x32xf32> -> vector<40x32xf32>
    %add3A_352 = vector.broadcast %get3A_34 : vector<1x32xf32> to vector<40x32xf32>
    %add3A_353 = arith.addf %dot_general3A_351, %add3A_352 : vector<40x32xf32>
    %dot_general3A_354 = arith.constant dense<0.000000e+00> : vector<40x32xf32>
    %dot_general3A_355 = tpu.matmul %dot_general3A_338, %get3A_31, %dot_general3A_354 {dimension_numbers = #tpu.dot_dimension_numbers<[1], [0], [0], [1], [0, 0, 1, 1], [], []>, transpose_lhs_hint = false} : vector<40x32xf32>, vector<32x32xf32>, vector<40x32xf32> -> vector<40x32xf32>
    %dot_general3A_356 = arith.constant dense<0.000000e+00> : vector<40x32xf32>
    %dot_general3A_357 = tpu.matmul %dot_general3A_340, %get3A_31, %dot_general3A_356 {dimension_numbers = #tpu.dot_dimension_numbers<[1], [0], [0], [1], [0, 0, 1, 1], [], []>, transpose_lhs_hint = false} : vector<40x32xf32>, vector<32x32xf32>, vector<40x32xf32> -> vector<40x32xf32>
    %dot_general3A_358 = arith.constant dense<0.000000e+00> : vector<40x32xf32>
    %dot_general3A_359 = tpu.matmul %dot_general3A_342, %get3A_31, %dot_general3A_358 {dimension_numbers = #tpu.dot_dimension_numbers<[1], [0], [0], [1], [0, 0, 1, 1], [], []>, transpose_lhs_hint = false} : vector<40x32xf32>, vector<32x32xf32>, vector<40x32xf32> -> vector<40x32xf32>
    %slice3A_360 = vector.extract_strided_slice %get3A_284 {offsets = [0, 0], sizes = [800, 32], strides = [1, 1]} : vector<800x128xf32> to vector<800x32xf32>
    %slice3A_361 = vector.extract_strided_slice %get3A_284 {offsets = [0, 32], sizes = [800, 32], strides = [1, 1]} : vector<800x128xf32> to vector<800x32xf32>
    %slice3A_362 = vector.extract_strided_slice %get3A_284 {offsets = [0, 64], sizes = [800, 32], strides = [1, 1]} : vector<800x128xf32> to vector<800x32xf32>
    %slice3A_363 = vector.extract_strided_slice %get3A_284 {offsets = [0, 96], sizes = [800, 32], strides = [1, 1]} : vector<800x128xf32> to vector<800x32xf32>
    %dot_general3A_364 = arith.constant dense<0.000000e+00> : vector<800x32xf32>
    %dot_general3A_365 = tpu.matmul %slice3A_360, %get3A_1, %dot_general3A_364 {dimension_numbers = #tpu.dot_dimension_numbers<[1], [0], [0], [1], [0, 0, 1, 1], [], []>, transpose_lhs_hint = false} : vector<800x32xf32>, vector<32x32xf32>, vector<800x32xf32> -> vector<800x32xf32>
    %dot_general3A_366 = arith.constant dense<0.000000e+00> : vector<800x32xf32>
    %dot_general3A_367 = tpu.matmul %slice3A_361, %get3A_1, %dot_general3A_366 {dimension_numbers = #tpu.dot_dimension_numbers<[1], [0], [0], [1], [0, 0, 1, 1], [], []>, transpose_lhs_hint = false} : vector<800x32xf32>, vector<32x32xf32>, vector<800x32xf32> -> vector<800x32xf32>
    %dot_general3A_368 = arith.constant dense<0.000000e+00> : vector<800x32xf32>
    %dot_general3A_369 = tpu.matmul %slice3A_362, %get3A_1, %dot_general3A_368 {dimension_numbers = #tpu.dot_dimension_numbers<[1], [0], [0], [1], [0, 0, 1, 1], [], []>, transpose_lhs_hint = false} : vector<800x32xf32>, vector<32x32xf32>, vector<800x32xf32> -> vector<800x32xf32>
    %mul3A_370 = arith.mulf %dot_general3A_365, %dot_general3A_365 : vector<800x32xf32>
    %mul3A_371 = arith.mulf %dot_general3A_367, %dot_general3A_367 : vector<800x32xf32>
    %add3A_372 = arith.addf %mul3A_370, %mul3A_371 : vector<800x32xf32>
    %mul3A_373 = arith.mulf %dot_general3A_369, %dot_general3A_369 : vector<800x32xf32>
    %add3A_374 = arith.addf %add3A_372, %mul3A_373 : vector<800x32xf32>
    %add3A_375 = arith.constant 9.99999993E-9 : f32
    %add3A_376 = vector.broadcast %add3A_375 : f32 to vector<800x32xf32>
    %add3A_377 = arith.addf %add3A_374, %add3A_376 : vector<800x32xf32>
    %sqrt3A_378 = math.sqrt %add3A_377 : vector<800x32xf32>
    %concatenate3A_379 = tpu.concatenate %slice3A_363, %sqrt3A_378 in 1 : vector<800x32xf32>, vector<800x32xf32> -> vector<800x64xf32>
    %dot_general3A_380 = arith.constant dense<0.000000e+00> : vector<800x32xf32>
    %dot_general3A_381 = tpu.matmul %concatenate3A_379, %get3A_4, %dot_general3A_380 {dimension_numbers = #tpu.dot_dimension_numbers<[1], [0], [0], [1], [0, 0, 1, 1], [], []>, transpose_lhs_hint = false} : vector<800x64xf32>, vector<64x32xf32>, vector<800x32xf32> -> vector<800x32xf32>
    %add3A_382 = vector.broadcast %get3A_10 : vector<1x32xf32> to vector<800x32xf32>
    %add3A_383 = arith.addf %dot_general3A_381, %add3A_382 : vector<800x32xf32>
    %dot_general3A_384 = arith.constant dense<0.000000e+00> : vector<800x32xf32>
    %dot_general3A_385 = tpu.matmul %dot_general3A_365, %get3A_7, %dot_general3A_384 {dimension_numbers = #tpu.dot_dimension_numbers<[1], [0], [0], [1], [0, 0, 1, 1], [], []>, transpose_lhs_hint = false} : vector<800x32xf32>, vector<32x32xf32>, vector<800x32xf32> -> vector<800x32xf32>
    %dot_general3A_386 = arith.constant dense<0.000000e+00> : vector<800x32xf32>
    %dot_general3A_387 = tpu.matmul %dot_general3A_367, %get3A_7, %dot_general3A_386 {dimension_numbers = #tpu.dot_dimension_numbers<[1], [0], [0], [1], [0, 0, 1, 1], [], []>, transpose_lhs_hint = false} : vector<800x32xf32>, vector<32x32xf32>, vector<800x32xf32> -> vector<800x32xf32>
    %dot_general3A_388 = arith.constant dense<0.000000e+00> : vector<800x32xf32>
    %dot_general3A_389 = tpu.matmul %dot_general3A_369, %get3A_7, %dot_general3A_388 {dimension_numbers = #tpu.dot_dimension_numbers<[1], [0], [0], [1], [0, 0, 1, 1], [], []>, transpose_lhs_hint = false} : vector<800x32xf32>, vector<32x32xf32>, vector<800x32xf32> -> vector<800x32xf32>
    %dot_general3A_390 = arith.constant dense<0.000000e+00> : vector<800x1xf32>
    %dot_general3A_391 = tpu.matmul %convert_element_type3A_323, %get3A_294, %dot_general3A_390 {dimension_numbers = #tpu.dot_dimension_numbers<[0], [0], [1], [1], [0, 1, 1, 1], [], []>, transpose_lhs_hint = false} : vector<40x800xf32>, vector<40x1xf32>, vector<800x1xf32> -> vector<800x1xf32>
    %dot_general3A_392 = arith.constant dense<0.000000e+00> : vector<800x1xf32>
    %dot_general3A_393 = tpu.matmul %convert_element_type3A_297, %get3A_294, %dot_general3A_392 {dimension_numbers = #tpu.dot_dimension_numbers<[0], [0], [1], [1], [0, 1, 1, 1], [], []>, transpose_lhs_hint = false} : vector<40x800xf32>, vector<40x1xf32>, vector<800x1xf32> -> vector<800x1xf32>
    %mul3A_394 = arith.mulf %dot_general3A_391, %dot_general3A_393 : vector<800x1xf32>
    %concatenate3A_395 = tpu.concatenate %convert_element_type3A_323, %dot_general3A_333, %convert_element_type3A_297 in 0 : vector<40x800xf32>, vector<40x800xf32>, vector<40x800xf32> -> vector<120x800xf32>
    %slice3A_396 = vector.extract_strided_slice %concatenate3A_395 {offsets = [40, 0], sizes = [80, 800], strides = [1, 1]} : vector<120x800xf32> to vector<80x800xf32>
    %slice3A_397 = vector.extract_strided_slice %get3A_181 {offsets = [0, 0], sizes = [32, 128], strides = [1, 1]} : vector<128x128xf32> to vector<32x128xf32>
    %dot_general3A_398 = arith.constant dense<0.000000e+00> : vector<40x128xf32>
    %dot_general3A_399 = tpu.matmul %dot_general3A_355, %slice3A_397, %dot_general3A_398 {dimension_numbers = #tpu.dot_dimension_numbers<[1], [0], [0], [1], [0, 0, 1, 1], [], []>, transpose_lhs_hint = false} : vector<40x32xf32>, vector<32x128xf32>, vector<40x128xf32> -> vector<40x128xf32>
    %slice3A_400 = vector.extract_strided_slice %get3A_181 {offsets = [32, 0], sizes = [32, 128], strides = [1, 1]} : vector<128x128xf32> to vector<32x128xf32>
    %dot_general3A_401 = arith.constant dense<0.000000e+00> : vector<40x128xf32>
    %dot_general3A_402 = tpu.matmul %dot_general3A_355, %slice3A_400, %dot_general3A_401 {dimension_numbers = #tpu.dot_dimension_numbers<[1], [0], [0], [1], [0, 0, 1, 1], [], []>, transpose_lhs_hint = false} : vector<40x32xf32>, vector<32x128xf32>, vector<40x128xf32> -> vector<40x128xf32>
    %slice3A_403 = vector.extract_strided_slice %get3A_181 {offsets = [64, 0], sizes = [32, 128], strides = [1, 1]} : vector<128x128xf32> to vector<32x128xf32>
    %dot_general3A_404 = arith.constant dense<0.000000e+00> : vector<40x128xf32>
    %dot_general3A_405 = tpu.matmul %dot_general3A_355, %slice3A_403, %dot_general3A_404 {dimension_numbers = #tpu.dot_dimension_numbers<[1], [0], [0], [1], [0, 0, 1, 1], [], []>, transpose_lhs_hint = false} : vector<40x32xf32>, vector<32x128xf32>, vector<40x128xf32> -> vector<40x128xf32>
    %concatenate3A_406 = tpu.concatenate %dot_general3A_399, %dot_general3A_402, %dot_general3A_405 in 0 : vector<40x128xf32>, vector<40x128xf32>, vector<40x128xf32> -> vector<120x128xf32>
    %dot_general3A_407 = arith.constant dense<0.000000e+00> : vector<800x128xf32>
    %dot_general3A_408 = tpu.matmul %concatenate3A_395, %concatenate3A_406, %dot_general3A_407 {dimension_numbers = #tpu.dot_dimension_numbers<[0], [0], [1], [1], [0, 1, 1, 1], [], []>, transpose_lhs_hint = false} : vector<120x800xf32>, vector<120x128xf32>, vector<800x128xf32> -> vector<800x128xf32>
    %slice3A_409 = vector.extract_strided_slice %get3A_181 {offsets = [96, 0], sizes = [32, 128], strides = [1, 1]} : vector<128x128xf32> to vector<32x128xf32>
    %dot_general3A_410 = arith.constant dense<0.000000e+00> : vector<800x128xf32>
    %dot_general3A_411 = tpu.matmul %dot_general3A_385, %slice3A_409, %dot_general3A_410 {dimension_numbers = #tpu.dot_dimension_numbers<[1], [0], [0], [1], [0, 0, 1, 1], [], []>, transpose_lhs_hint = false} : vector<800x32xf32>, vector<32x128xf32>, vector<800x128xf32> -> vector<800x128xf32>
    %add3A_412 = arith.addf %dot_general3A_408, %dot_general3A_411 : vector<800x128xf32>
    %slice3A_413 = vector.extract_strided_slice %get3A_181 {offsets = [0, 0], sizes = [32, 128], strides = [1, 1]} : vector<128x128xf32> to vector<32x128xf32>
    %dot_general3A_414 = arith.constant dense<0.000000e+00> : vector<40x128xf32>
    %dot_general3A_415 = tpu.matmul %dot_general3A_357, %slice3A_413, %dot_general3A_414 {dimension_numbers = #tpu.dot_dimension_numbers<[1], [0], [0], [1], [0, 0, 1, 1], [], []>, transpose_lhs_hint = false} : vector<40x32xf32>, vector<32x128xf32>, vector<40x128xf32> -> vector<40x128xf32>
    %slice3A_416 = vector.extract_strided_slice %get3A_181 {offsets = [32, 0], sizes = [32, 128], strides = [1, 1]} : vector<128x128xf32> to vector<32x128xf32>
    %dot_general3A_417 = arith.constant dense<0.000000e+00> : vector<40x128xf32>
    %dot_general3A_418 = tpu.matmul %dot_general3A_357, %slice3A_416, %dot_general3A_417 {dimension_numbers = #tpu.dot_dimension_numbers<[1], [0], [0], [1], [0, 0, 1, 1], [], []>, transpose_lhs_hint = false} : vector<40x32xf32>, vector<32x128xf32>, vector<40x128xf32> -> vector<40x128xf32>
    %slice3A_419 = vector.extract_strided_slice %get3A_181 {offsets = [64, 0], sizes = [32, 128], strides = [1, 1]} : vector<128x128xf32> to vector<32x128xf32>
    %dot_general3A_420 = arith.constant dense<0.000000e+00> : vector<40x128xf32>
    %dot_general3A_421 = tpu.matmul %dot_general3A_357, %slice3A_419, %dot_general3A_420 {dimension_numbers = #tpu.dot_dimension_numbers<[1], [0], [0], [1], [0, 0, 1, 1], [], []>, transpose_lhs_hint = false} : vector<40x32xf32>, vector<32x128xf32>, vector<40x128xf32> -> vector<40x128xf32>
    %concatenate3A_422 = tpu.concatenate %dot_general3A_415, %dot_general3A_418, %dot_general3A_421 in 0 : vector<40x128xf32>, vector<40x128xf32>, vector<40x128xf32> -> vector<120x128xf32>
    %dot_general3A_423 = arith.constant dense<0.000000e+00> : vector<800x128xf32>
    %dot_general3A_424 = tpu.matmul %concatenate3A_395, %concatenate3A_422, %dot_general3A_423 {dimension_numbers = #tpu.dot_dimension_numbers<[0], [0], [1], [1], [0, 1, 1, 1], [], []>, transpose_lhs_hint = false} : vector<120x800xf32>, vector<120x128xf32>, vector<800x128xf32> -> vector<800x128xf32>
    %slice3A_425 = vector.extract_strided_slice %get3A_181 {offsets = [96, 0], sizes = [32, 128], strides = [1, 1]} : vector<128x128xf32> to vector<32x128xf32>
    %dot_general3A_426 = arith.constant dense<0.000000e+00> : vector<800x128xf32>
    %dot_general3A_427 = tpu.matmul %dot_general3A_387, %slice3A_425, %dot_general3A_426 {dimension_numbers = #tpu.dot_dimension_numbers<[1], [0], [0], [1], [0, 0, 1, 1], [], []>, transpose_lhs_hint = false} : vector<800x32xf32>, vector<32x128xf32>, vector<800x128xf32> -> vector<800x128xf32>
    %add3A_428 = arith.addf %dot_general3A_424, %dot_general3A_427 : vector<800x128xf32>
    %slice3A_429 = vector.extract_strided_slice %get3A_181 {offsets = [0, 0], sizes = [32, 128], strides = [1, 1]} : vector<128x128xf32> to vector<32x128xf32>
    %dot_general3A_430 = arith.constant dense<0.000000e+00> : vector<40x128xf32>
    %dot_general3A_431 = tpu.matmul %dot_general3A_359, %slice3A_429, %dot_general3A_430 {dimension_numbers = #tpu.dot_dimension_numbers<[1], [0], [0], [1], [0, 0, 1, 1], [], []>, transpose_lhs_hint = false} : vector<40x32xf32>, vector<32x128xf32>, vector<40x128xf32> -> vector<40x128xf32>
    %slice3A_432 = vector.extract_strided_slice %get3A_181 {offsets = [32, 0], sizes = [32, 128], strides = [1, 1]} : vector<128x128xf32> to vector<32x128xf32>
    %dot_general3A_433 = arith.constant dense<0.000000e+00> : vector<40x128xf32>
    %dot_general3A_434 = tpu.matmul %dot_general3A_359, %slice3A_432, %dot_general3A_433 {dimension_numbers = #tpu.dot_dimension_numbers<[1], [0], [0], [1], [0, 0, 1, 1], [], []>, transpose_lhs_hint = false} : vector<40x32xf32>, vector<32x128xf32>, vector<40x128xf32> -> vector<40x128xf32>
    %slice3A_435 = vector.extract_strided_slice %get3A_181 {offsets = [64, 0], sizes = [32, 128], strides = [1, 1]} : vector<128x128xf32> to vector<32x128xf32>
    %dot_general3A_436 = arith.constant dense<0.000000e+00> : vector<40x128xf32>
    %dot_general3A_437 = tpu.matmul %dot_general3A_359, %slice3A_435, %dot_general3A_436 {dimension_numbers = #tpu.dot_dimension_numbers<[1], [0], [0], [1], [0, 0, 1, 1], [], []>, transpose_lhs_hint = false} : vector<40x32xf32>, vector<32x128xf32>, vector<40x128xf32> -> vector<40x128xf32>
    %concatenate3A_438 = tpu.concatenate %dot_general3A_431, %dot_general3A_434, %dot_general3A_437 in 0 : vector<40x128xf32>, vector<40x128xf32>, vector<40x128xf32> -> vector<120x128xf32>
    %dot_general3A_439 = arith.constant dense<0.000000e+00> : vector<800x128xf32>
    %dot_general3A_440 = tpu.matmul %concatenate3A_395, %concatenate3A_438, %dot_general3A_439 {dimension_numbers = #tpu.dot_dimension_numbers<[0], [0], [1], [1], [0, 1, 1, 1], [], []>, transpose_lhs_hint = false} : vector<120x800xf32>, vector<120x128xf32>, vector<800x128xf32> -> vector<800x128xf32>
    %slice3A_441 = vector.extract_strided_slice %get3A_181 {offsets = [96, 0], sizes = [32, 128], strides = [1, 1]} : vector<128x128xf32> to vector<32x128xf32>
    %dot_general3A_442 = arith.constant dense<0.000000e+00> : vector<800x128xf32>
    %dot_general3A_443 = tpu.matmul %dot_general3A_389, %slice3A_441, %dot_general3A_442 {dimension_numbers = #tpu.dot_dimension_numbers<[1], [0], [0], [1], [0, 0, 1, 1], [], []>, transpose_lhs_hint = false} : vector<800x32xf32>, vector<32x128xf32>, vector<800x128xf32> -> vector<800x128xf32>
    %add3A_444 = arith.addf %dot_general3A_440, %dot_general3A_443 : vector<800x128xf32>
    %mul3A_445 = arith.mulf %add3A_412, %add3A_412 : vector<800x128xf32>
    %mul3A_446 = arith.mulf %add3A_428, %add3A_428 : vector<800x128xf32>
    %add3A_447 = arith.addf %mul3A_445, %mul3A_446 : vector<800x128xf32>
    %mul3A_448 = arith.mulf %add3A_444, %add3A_444 : vector<800x128xf32>
    %add3A_449 = arith.addf %add3A_447, %mul3A_448 : vector<800x128xf32>
    %add3A_450 = arith.constant 9.99999993E-9 : f32
    %add3A_451 = vector.broadcast %add3A_450 : f32 to vector<800x128xf32>
    %add3A_452 = arith.addf %add3A_449, %add3A_451 : vector<800x128xf32>
    %sqrt3A_453 = math.sqrt %add3A_452 : vector<800x128xf32>
    %slice3A_454 = vector.extract_strided_slice %get3A_184 {offsets = [0, 0], sizes = [32, 32], strides = [1, 1]} : vector<256x32xf32> to vector<32x32xf32>
    %dot_general3A_455 = arith.constant dense<0.000000e+00> : vector<40x32xf32>
    %dot_general3A_456 = tpu.matmul %add3A_353, %slice3A_454, %dot_general3A_455 {dimension_numbers = #tpu.dot_dimension_numbers<[1], [0], [0], [1], [0, 0, 1, 1], [], []>, transpose_lhs_hint = false} : vector<40x32xf32>, vector<32x32xf32>, vector<40x32xf32> -> vector<40x32xf32>
    %slice3A_457 = vector.extract_strided_slice %get3A_184 {offsets = [32, 0], sizes = [32, 32], strides = [1, 1]} : vector<256x32xf32> to vector<32x32xf32>
    %dot_general3A_458 = arith.constant dense<0.000000e+00> : vector<40x32xf32>
    %dot_general3A_459 = tpu.matmul %add3A_353, %slice3A_457, %dot_general3A_458 {dimension_numbers = #tpu.dot_dimension_numbers<[1], [0], [0], [1], [0, 0, 1, 1], [], []>, transpose_lhs_hint = false} : vector<40x32xf32>, vector<32x32xf32>, vector<40x32xf32> -> vector<40x32xf32>
    %slice3A_460 = vector.extract_strided_slice %get3A_184 {offsets = [64, 0], sizes = [32, 32], strides = [1, 1]} : vector<256x32xf32> to vector<32x32xf32>
    %dot_general3A_461 = arith.constant dense<0.000000e+00> : vector<40x32xf32>
    %dot_general3A_462 = tpu.matmul %add3A_353, %slice3A_460, %dot_general3A_461 {dimension_numbers = #tpu.dot_dimension_numbers<[1], [0], [0], [1], [0, 0, 1, 1], [], []>, transpose_lhs_hint = false} : vector<40x32xf32>, vector<32x32xf32>, vector<40x32xf32> -> vector<40x32xf32>
    %concatenate3A_463 = tpu.concatenate %dot_general3A_456, %dot_general3A_459, %dot_general3A_462 in 0 : vector<40x32xf32>, vector<40x32xf32>, vector<40x32xf32> -> vector<120x32xf32>
    %dot_general3A_464 = arith.constant dense<0.000000e+00> : vector<800x32xf32>
    %dot_general3A_465 = tpu.matmul %concatenate3A_395, %concatenate3A_463, %dot_general3A_464 {dimension_numbers = #tpu.dot_dimension_numbers<[0], [0], [1], [1], [0, 1, 1, 1], [], []>, transpose_lhs_hint = false} : vector<120x800xf32>, vector<120x32xf32>, vector<800x32xf32> -> vector<800x32xf32>
    %slice3A_466 = vector.extract_strided_slice %get3A_184 {offsets = [96, 0], sizes = [32, 32], strides = [1, 1]} : vector<256x32xf32> to vector<32x32xf32>
    %dot_general3A_467 = arith.constant dense<0.000000e+00> : vector<800x32xf32>
    %dot_general3A_468 = tpu.matmul %add3A_383, %slice3A_466, %dot_general3A_467 {dimension_numbers = #tpu.dot_dimension_numbers<[1], [0], [0], [1], [0, 0, 1, 1], [], []>, transpose_lhs_hint = false} : vector<800x32xf32>, vector<32x32xf32>, vector<800x32xf32> -> vector<800x32xf32>
    %add3A_469 = arith.addf %dot_general3A_465, %dot_general3A_468 : vector<800x32xf32>
    %slice3A_470 = vector.extract_strided_slice %get3A_184 {offsets = [128, 0], sizes = [128, 32], strides = [1, 1]} : vector<256x32xf32> to vector<128x32xf32>
    %dot_general3A_471 = arith.constant dense<0.000000e+00> : vector<800x32xf32>
    %dot_general3A_472 = tpu.matmul %sqrt3A_453, %slice3A_470, %dot_general3A_471 {dimension_numbers = #tpu.dot_dimension_numbers<[1], [0], [0], [1], [0, 0, 1, 1], [], []>, transpose_lhs_hint = false} : vector<800x128xf32>, vector<128x32xf32>, vector<800x32xf32> -> vector<800x32xf32>
    %add3A_473 = arith.addf %add3A_469, %dot_general3A_472 : vector<800x32xf32>
    %add3A_474 = vector.broadcast %get3A_190 : vector<1x32xf32> to vector<800x32xf32>
    %add3A_475 = arith.addf %add3A_473, %add3A_474 : vector<800x32xf32>
    %max3A = arith.constant 0.000000e+00 : f32
    %max3A_476 = vector.broadcast %max3A : f32 to vector<800x32xf32>
    %max3A_477 = arith.maximumf %add3A_475, %max3A_476 : vector<800x32xf32>
    %dot_general3A_478 = arith.constant dense<0.000000e+00> : vector<800x32xf32>
    %dot_general3A_479 = tpu.matmul %add3A_412, %get3A_187, %dot_general3A_478 {dimension_numbers = #tpu.dot_dimension_numbers<[1], [0], [0], [1], [0, 0, 1, 1], [], []>, transpose_lhs_hint = false} : vector<800x128xf32>, vector<128x32xf32>, vector<800x32xf32> -> vector<800x32xf32>
    %dot_general3A_480 = arith.constant dense<0.000000e+00> : vector<800x32xf32>
    %dot_general3A_481 = tpu.matmul %add3A_428, %get3A_187, %dot_general3A_480 {dimension_numbers = #tpu.dot_dimension_numbers<[1], [0], [0], [1], [0, 0, 1, 1], [], []>, transpose_lhs_hint = false} : vector<800x128xf32>, vector<128x32xf32>, vector<800x32xf32> -> vector<800x32xf32>
    %dot_general3A_482 = arith.constant dense<0.000000e+00> : vector<800x32xf32>
    %dot_general3A_483 = tpu.matmul %add3A_444, %get3A_187, %dot_general3A_482 {dimension_numbers = #tpu.dot_dimension_numbers<[1], [0], [0], [1], [0, 0, 1, 1], [], []>, transpose_lhs_hint = false} : vector<800x128xf32>, vector<128x32xf32>, vector<800x32xf32> -> vector<800x32xf32>
    %mul3A_484 = arith.mulf %dot_general3A_479, %dot_general3A_479 : vector<800x32xf32>
    %mul3A_485 = arith.mulf %dot_general3A_481, %dot_general3A_481 : vector<800x32xf32>
    %add3A_486 = arith.addf %mul3A_484, %mul3A_485 : vector<800x32xf32>
    %mul3A_487 = arith.mulf %dot_general3A_483, %dot_general3A_483 : vector<800x32xf32>
    %add3A_488 = arith.addf %add3A_486, %mul3A_487 : vector<800x32xf32>
    %add3A_489 = arith.constant 9.99999993E-9 : f32
    %add3A_490 = vector.broadcast %add3A_489 : f32 to vector<800x32xf32>
    %add3A_491 = arith.addf %add3A_488, %add3A_490 : vector<800x32xf32>
    %sqrt3A_492 = math.sqrt %add3A_491 : vector<800x32xf32>
    %logistic3A = arith.negf %sqrt3A_492 : vector<800x32xf32>
    %logistic3A_493 = math.exp %logistic3A : vector<800x32xf32>
    %logistic3A_494 = arith.constant 1.000000e+00 : f32
    %logistic3A_495 = vector.broadcast %logistic3A_494 : f32 to vector<800x32xf32>
    %logistic3A_496 = arith.addf %logistic3A_495, %logistic3A_493 : vector<800x32xf32>
    %logistic3A_497 = arith.divf %logistic3A_495, %logistic3A_496 : vector<800x32xf32>
    %mul3A_498 = arith.mulf %dot_general3A_479, %logistic3A_497 : vector<800x32xf32>
    %mul3A_499 = arith.mulf %dot_general3A_481, %logistic3A_497 : vector<800x32xf32>
    %mul3A_500 = arith.mulf %dot_general3A_483, %logistic3A_497 : vector<800x32xf32>
    %dot_general3A_501 = arith.constant dense<0.000000e+00> : vector<800x32xf32>
    %dot_general3A_502 = tpu.matmul %mul3A_498, %get3A_193, %dot_general3A_501 {dimension_numbers = #tpu.dot_dimension_numbers<[1], [0], [0], [1], [0, 0, 1, 1], [], []>, transpose_lhs_hint = false} : vector<800x32xf32>, vector<32x32xf32>, vector<800x32xf32> -> vector<800x32xf32>
    %dot_general3A_503 = arith.constant dense<0.000000e+00> : vector<800x32xf32>
    %dot_general3A_504 = tpu.matmul %mul3A_499, %get3A_193, %dot_general3A_503 {dimension_numbers = #tpu.dot_dimension_numbers<[1], [0], [0], [1], [0, 0, 1, 1], [], []>, transpose_lhs_hint = false} : vector<800x32xf32>, vector<32x32xf32>, vector<800x32xf32> -> vector<800x32xf32>
    %dot_general3A_505 = arith.constant dense<0.000000e+00> : vector<800x32xf32>
    %dot_general3A_506 = tpu.matmul %mul3A_500, %get3A_193, %dot_general3A_505 {dimension_numbers = #tpu.dot_dimension_numbers<[1], [0], [0], [1], [0, 0, 1, 1], [], []>, transpose_lhs_hint = false} : vector<800x32xf32>, vector<32x32xf32>, vector<800x32xf32> -> vector<800x32xf32>
    %mul3A_507 = arith.mulf %dot_general3A_502, %dot_general3A_502 : vector<800x32xf32>
    %mul3A_508 = arith.mulf %dot_general3A_504, %dot_general3A_504 : vector<800x32xf32>
    %add3A_509 = arith.addf %mul3A_507, %mul3A_508 : vector<800x32xf32>
    %mul3A_510 = arith.mulf %dot_general3A_506, %dot_general3A_506 : vector<800x32xf32>
    %add3A_511 = arith.addf %add3A_509, %mul3A_510 : vector<800x32xf32>
    %add3A_512 = arith.constant 9.99999993E-9 : f32
    %add3A_513 = vector.broadcast %add3A_512 : f32 to vector<800x32xf32>
    %add3A_514 = arith.addf %add3A_511, %add3A_513 : vector<800x32xf32>
    %sqrt3A_515 = math.sqrt %add3A_514 : vector<800x32xf32>
    %concatenate3A_516 = tpu.concatenate %max3A_477, %sqrt3A_515 in 1 : vector<800x32xf32>, vector<800x32xf32> -> vector<800x64xf32>
    %dot_general3A_517 = arith.constant dense<0.000000e+00> : vector<800x32xf32>
    %dot_general3A_518 = tpu.matmul %concatenate3A_516, %get3A_196, %dot_general3A_517 {dimension_numbers = #tpu.dot_dimension_numbers<[1], [0], [0], [1], [0, 0, 1, 1], [], []>, transpose_lhs_hint = false} : vector<800x64xf32>, vector<64x32xf32>, vector<800x32xf32> -> vector<800x32xf32>
    %add3A_519 = vector.broadcast %get3A_202 : vector<1x32xf32> to vector<800x32xf32>
    %add3A_520 = arith.addf %dot_general3A_518, %add3A_519 : vector<800x32xf32>
    %max3A_521 = arith.constant 0.000000e+00 : f32
    %max3A_522 = vector.broadcast %max3A_521 : f32 to vector<800x32xf32>
    %max3A_523 = arith.maximumf %add3A_520, %max3A_522 : vector<800x32xf32>
    %dot_general3A_524 = arith.constant dense<0.000000e+00> : vector<800x32xf32>
    %dot_general3A_525 = tpu.matmul %dot_general3A_502, %get3A_199, %dot_general3A_524 {dimension_numbers = #tpu.dot_dimension_numbers<[1], [0], [0], [1], [0, 0, 1, 1], [], []>, transpose_lhs_hint = false} : vector<800x32xf32>, vector<32x32xf32>, vector<800x32xf32> -> vector<800x32xf32>
    %dot_general3A_526 = arith.constant dense<0.000000e+00> : vector<800x32xf32>
    %dot_general3A_527 = tpu.matmul %dot_general3A_504, %get3A_199, %dot_general3A_526 {dimension_numbers = #tpu.dot_dimension_numbers<[1], [0], [0], [1], [0, 0, 1, 1], [], []>, transpose_lhs_hint = false} : vector<800x32xf32>, vector<32x32xf32>, vector<800x32xf32> -> vector<800x32xf32>
    %dot_general3A_528 = arith.constant dense<0.000000e+00> : vector<800x32xf32>
    %dot_general3A_529 = tpu.matmul %dot_general3A_506, %get3A_199, %dot_general3A_528 {dimension_numbers = #tpu.dot_dimension_numbers<[1], [0], [0], [1], [0, 0, 1, 1], [], []>, transpose_lhs_hint = false} : vector<800x32xf32>, vector<32x32xf32>, vector<800x32xf32> -> vector<800x32xf32>
    %mul3A_530 = arith.mulf %dot_general3A_525, %dot_general3A_525 : vector<800x32xf32>
    %mul3A_531 = arith.mulf %dot_general3A_527, %dot_general3A_527 : vector<800x32xf32>
    %add3A_532 = arith.addf %mul3A_530, %mul3A_531 : vector<800x32xf32>
    %mul3A_533 = arith.mulf %dot_general3A_529, %dot_general3A_529 : vector<800x32xf32>
    %add3A_534 = arith.addf %add3A_532, %mul3A_533 : vector<800x32xf32>
    %add3A_535 = arith.constant 9.99999993E-9 : f32
    %add3A_536 = vector.broadcast %add3A_535 : f32 to vector<800x32xf32>
    %add3A_537 = arith.addf %add3A_534, %add3A_536 : vector<800x32xf32>
    %sqrt3A_538 = math.sqrt %add3A_537 : vector<800x32xf32>
    %logistic3A_539 = arith.negf %sqrt3A_538 : vector<800x32xf32>
    %logistic3A_540 = math.exp %logistic3A_539 : vector<800x32xf32>
    %logistic3A_541 = arith.constant 1.000000e+00 : f32
    %logistic3A_542 = vector.broadcast %logistic3A_541 : f32 to vector<800x32xf32>
    %logistic3A_543 = arith.addf %logistic3A_542, %logistic3A_540 : vector<800x32xf32>
    %logistic3A_544 = arith.divf %logistic3A_542, %logistic3A_543 : vector<800x32xf32>
    %mul3A_545 = arith.mulf %dot_general3A_525, %logistic3A_544 : vector<800x32xf32>
    %mul3A_546 = arith.mulf %dot_general3A_527, %logistic3A_544 : vector<800x32xf32>
    %mul3A_547 = arith.mulf %dot_general3A_529, %logistic3A_544 : vector<800x32xf32>
    %dot_general3A_548 = arith.constant dense<0.000000e+00> : vector<800x32xf32>
    %dot_general3A_549 = tpu.matmul %mul3A_545, %get3A_205, %dot_general3A_548 {dimension_numbers = #tpu.dot_dimension_numbers<[1], [0], [0], [1], [0, 0, 1, 1], [], []>, transpose_lhs_hint = false} : vector<800x32xf32>, vector<32x32xf32>, vector<800x32xf32> -> vector<800x32xf32>
    %dot_general3A_550 = arith.constant dense<0.000000e+00> : vector<800x32xf32>
    %dot_general3A_551 = tpu.matmul %mul3A_546, %get3A_205, %dot_general3A_550 {dimension_numbers = #tpu.dot_dimension_numbers<[1], [0], [0], [1], [0, 0, 1, 1], [], []>, transpose_lhs_hint = false} : vector<800x32xf32>, vector<32x32xf32>, vector<800x32xf32> -> vector<800x32xf32>
    %dot_general3A_552 = arith.constant dense<0.000000e+00> : vector<800x32xf32>
    %dot_general3A_553 = tpu.matmul %mul3A_547, %get3A_205, %dot_general3A_552 {dimension_numbers = #tpu.dot_dimension_numbers<[1], [0], [0], [1], [0, 0, 1, 1], [], []>, transpose_lhs_hint = false} : vector<800x32xf32>, vector<32x32xf32>, vector<800x32xf32> -> vector<800x32xf32>
    %mul3A_554 = arith.mulf %dot_general3A_549, %dot_general3A_549 : vector<800x32xf32>
    %mul3A_555 = arith.mulf %dot_general3A_551, %dot_general3A_551 : vector<800x32xf32>
    %add3A_556 = arith.addf %mul3A_554, %mul3A_555 : vector<800x32xf32>
    %mul3A_557 = arith.mulf %dot_general3A_553, %dot_general3A_553 : vector<800x32xf32>
    %add3A_558 = arith.addf %add3A_556, %mul3A_557 : vector<800x32xf32>
    %add3A_559 = arith.constant 9.99999993E-9 : f32
    %add3A_560 = vector.broadcast %add3A_559 : f32 to vector<800x32xf32>
    %add3A_561 = arith.addf %add3A_558, %add3A_560 : vector<800x32xf32>
    %sqrt3A_562 = math.sqrt %add3A_561 : vector<800x32xf32>
    %concatenate3A_563 = tpu.concatenate %max3A_523, %sqrt3A_562 in 1 : vector<800x32xf32>, vector<800x32xf32> -> vector<800x64xf32>
    %dot_general3A_564 = arith.constant dense<0.000000e+00> : vector<800x32xf32>
    %dot_general3A_565 = tpu.matmul %concatenate3A_563, %get3A_208, %dot_general3A_564 {dimension_numbers = #tpu.dot_dimension_numbers<[1], [0], [0], [1], [0, 0, 1, 1], [], []>, transpose_lhs_hint = false} : vector<800x64xf32>, vector<64x32xf32>, vector<800x32xf32> -> vector<800x32xf32>
    %add3A_566 = vector.broadcast %get3A_214 : vector<1x32xf32> to vector<800x32xf32>
    %add3A_567 = arith.addf %dot_general3A_565, %add3A_566 : vector<800x32xf32>
    %dot_general3A_568 = arith.constant dense<0.000000e+00> : vector<800x32xf32>
    %dot_general3A_569 = tpu.matmul %dot_general3A_549, %get3A_211, %dot_general3A_568 {dimension_numbers = #tpu.dot_dimension_numbers<[1], [0], [0], [1], [0, 0, 1, 1], [], []>, transpose_lhs_hint = false} : vector<800x32xf32>, vector<32x32xf32>, vector<800x32xf32> -> vector<800x32xf32>
    %dot_general3A_570 = arith.constant dense<0.000000e+00> : vector<800x32xf32>
    %dot_general3A_571 = tpu.matmul %dot_general3A_551, %get3A_211, %dot_general3A_570 {dimension_numbers = #tpu.dot_dimension_numbers<[1], [0], [0], [1], [0, 0, 1, 1], [], []>, transpose_lhs_hint = false} : vector<800x32xf32>, vector<32x32xf32>, vector<800x32xf32> -> vector<800x32xf32>
    %dot_general3A_572 = arith.constant dense<0.000000e+00> : vector<800x32xf32>
    %dot_general3A_573 = tpu.matmul %dot_general3A_553, %get3A_211, %dot_general3A_572 {dimension_numbers = #tpu.dot_dimension_numbers<[1], [0], [0], [1], [0, 0, 1, 1], [], []>, transpose_lhs_hint = false} : vector<800x32xf32>, vector<32x32xf32>, vector<800x32xf32> -> vector<800x32xf32>
    %concatenate3A_574 = tpu.concatenate %dot_general3A_569, %dot_general3A_571, %dot_general3A_573, %add3A_567 in 1 : vector<800x32xf32>, vector<800x32xf32>, vector<800x32xf32>, vector<800x32xf32> -> vector<800x128xf32>
    %mul3A_575 = vector.broadcast %mul3A_394 : vector<800x1xf32> to vector<800x128xf32>
    %mul3A_576 = arith.mulf %concatenate3A_574, %mul3A_575 : vector<800x128xf32>
    %dot_general3A_577 = arith.constant dense<0.000000e+00> : vector<40x128xf32>
    %dot_general3A_578 = tpu.matmul %convert_element_type3A_323, %mul3A_576, %dot_general3A_577 {dimension_numbers = #tpu.dot_dimension_numbers<[1], [0], [0], [1], [0, 0, 1, 1], [], []>, transpose_lhs_hint = false} : vector<40x800xf32>, vector<800x128xf32>, vector<40x128xf32> -> vector<40x128xf32>
    %mul3A_579 = arith.constant 5.000000e-02 : f32
    %mul3A_580 = vector.broadcast %mul3A_579 : f32 to vector<40x128xf32>
    %mul3A_581 = arith.mulf %dot_general3A_578, %mul3A_580 : vector<40x128xf32>
    %slice3A_582 = vector.extract_strided_slice %mul3A_581 {offsets = [0, 0], sizes = [40, 32], strides = [1, 1]} : vector<40x128xf32> to vector<40x32xf32>
    %slice3A_583 = vector.extract_strided_slice %mul3A_581 {offsets = [0, 32], sizes = [40, 32], strides = [1, 1]} : vector<40x128xf32> to vector<40x32xf32>
    %slice3A_584 = vector.extract_strided_slice %mul3A_581 {offsets = [0, 64], sizes = [40, 32], strides = [1, 1]} : vector<40x128xf32> to vector<40x32xf32>
    %slice3A_585 = vector.extract_strided_slice %mul3A_581 {offsets = [0, 96], sizes = [40, 32], strides = [1, 1]} : vector<40x128xf32> to vector<40x32xf32>
    %add3A_586 = arith.addf %dot_general3A_355, %slice3A_582 : vector<40x32xf32>
    %add3A_587 = arith.addf %dot_general3A_357, %slice3A_583 : vector<40x32xf32>
    %add3A_588 = arith.addf %dot_general3A_359, %slice3A_584 : vector<40x32xf32>
    %add3A_589 = arith.addf %add3A_353, %slice3A_585 : vector<40x32xf32>
    %mul3A_590 = arith.mulf %add3A_586, %add3A_586 : vector<40x32xf32>
    %mul3A_591 = arith.mulf %add3A_587, %add3A_587 : vector<40x32xf32>
    %add3A_592 = arith.addf %mul3A_590, %mul3A_591 : vector<40x32xf32>
    %mul3A_593 = arith.mulf %add3A_588, %add3A_588 : vector<40x32xf32>
    %add3A_594 = arith.addf %add3A_592, %mul3A_593 : vector<40x32xf32>
    %reduce_sum3A = arith.constant dense<0.000000e+00> : vector<40xf32>
    %reduce_sum3A_595 = vector.multi_reduction <add>, %add3A_594, %reduce_sum3A [1] : vector<40x32xf32> to vector<40xf32>
    %broadcast_in_dim3A = vector.shape_cast %reduce_sum3A_595 : vector<40xf32> to vector<40x1xf32>
    %div3A_596 = arith.constant 3.200000e+01 : f32
    %div3A_597 = vector.broadcast %div3A_596 : f32 to vector<40x1xf32>
    %div3A_598 = arith.divf %broadcast_in_dim3A, %div3A_597 : vector<40x1xf32>
    %add3A_599 = arith.constant 9.99999993E-9 : f32
    %add3A_600 = vector.broadcast %add3A_599 : f32 to vector<40x1xf32>
    %add3A_601 = arith.addf %div3A_598, %add3A_600 : vector<40x1xf32>
    %sqrt3A_602 = math.sqrt %add3A_601 : vector<40x1xf32>
    %div3A_603 = vector.broadcast %sqrt3A_602 : vector<40x1xf32> to vector<40x32xf32>
    %div3A_604 = arith.divf %add3A_586, %div3A_603 : vector<40x32xf32>
    %div3A_605 = vector.broadcast %sqrt3A_602 : vector<40x1xf32> to vector<40x32xf32>
    %div3A_606 = arith.divf %add3A_587, %div3A_605 : vector<40x32xf32>
    %div3A_607 = vector.broadcast %sqrt3A_602 : vector<40x1xf32> to vector<40x32xf32>
    %div3A_608 = arith.divf %add3A_588, %div3A_607 : vector<40x32xf32>
    %reduce_sum3A_609 = arith.constant dense<0.000000e+00> : vector<40xf32>
    %reduce_sum3A_610 = vector.multi_reduction <add>, %add3A_589, %reduce_sum3A_609 [1] : vector<40x32xf32> to vector<40xf32>
    %broadcast_in_dim3A_611 = vector.shape_cast %reduce_sum3A_610 : vector<40xf32> to vector<40x1xf32>
    %div3A_612 = arith.constant 3.200000e+01 : f32
    %div3A_613 = vector.broadcast %div3A_612 : f32 to vector<40x1xf32>
    %div3A_614 = arith.divf %broadcast_in_dim3A_611, %div3A_613 : vector<40x1xf32>
    %sub3A_615 = vector.broadcast %div3A_614 : vector<40x1xf32> to vector<40x32xf32>
    %sub3A_616 = arith.subf %add3A_589, %sub3A_615 : vector<40x32xf32>
    %sub3A_617 = vector.broadcast %div3A_614 : vector<40x1xf32> to vector<40x32xf32>
    %sub3A_618 = arith.subf %add3A_589, %sub3A_617 : vector<40x32xf32>
    %mul3A_619 = arith.mulf %sub3A_616, %sub3A_618 : vector<40x32xf32>
    %reduce_sum3A_620 = arith.constant dense<0.000000e+00> : vector<40xf32>
    %reduce_sum3A_621 = vector.multi_reduction <add>, %mul3A_619, %reduce_sum3A_620 [1] : vector<40x32xf32> to vector<40xf32>
    %broadcast_in_dim3A_622 = vector.shape_cast %reduce_sum3A_621 : vector<40xf32> to vector<40x1xf32>
    %div3A_623 = arith.constant 3.200000e+01 : f32
    %div3A_624 = vector.broadcast %div3A_623 : f32 to vector<40x1xf32>
    %div3A_625 = arith.divf %broadcast_in_dim3A_622, %div3A_624 : vector<40x1xf32>
    %sub3A_626 = vector.broadcast %div3A_614 : vector<40x1xf32> to vector<40x32xf32>
    %sub3A_627 = arith.subf %add3A_589, %sub3A_626 : vector<40x32xf32>
    %add3A_628 = arith.constant 9.99999993E-9 : f32
    %add3A_629 = vector.broadcast %add3A_628 : f32 to vector<40x1xf32>
    %add3A_630 = arith.addf %div3A_625, %add3A_629 : vector<40x1xf32>
    %sqrt3A_631 = math.sqrt %add3A_630 : vector<40x1xf32>
    %div3A_632 = vector.broadcast %sqrt3A_631 : vector<40x1xf32> to vector<40x32xf32>
    %div3A_633 = arith.divf %sub3A_627, %div3A_632 : vector<40x32xf32>
    %dot_general3A_634 = arith.constant dense<0.000000e+00> : vector<40x32xf32>
    %dot_general3A_635 = tpu.matmul %div3A_604, %get3A_157, %dot_general3A_634 {dimension_numbers = #tpu.dot_dimension_numbers<[1], [0], [0], [1], [0, 0, 1, 1], [], []>, transpose_lhs_hint = false} : vector<40x32xf32>, vector<32x32xf32>, vector<40x32xf32> -> vector<40x32xf32>
    %dot_general3A_636 = arith.constant dense<0.000000e+00> : vector<40x32xf32>
    %dot_general3A_637 = tpu.matmul %div3A_606, %get3A_157, %dot_general3A_636 {dimension_numbers = #tpu.dot_dimension_numbers<[1], [0], [0], [1], [0, 0, 1, 1], [], []>, transpose_lhs_hint = false} : vector<40x32xf32>, vector<32x32xf32>, vector<40x32xf32> -> vector<40x32xf32>
    %dot_general3A_638 = arith.constant dense<0.000000e+00> : vector<40x32xf32>
    %dot_general3A_639 = tpu.matmul %div3A_608, %get3A_157, %dot_general3A_638 {dimension_numbers = #tpu.dot_dimension_numbers<[1], [0], [0], [1], [0, 0, 1, 1], [], []>, transpose_lhs_hint = false} : vector<40x32xf32>, vector<32x32xf32>, vector<40x32xf32> -> vector<40x32xf32>
    %mul3A_640 = arith.mulf %dot_general3A_635, %dot_general3A_635 : vector<40x32xf32>
    %mul3A_641 = arith.mulf %dot_general3A_637, %dot_general3A_637 : vector<40x32xf32>
    %add3A_642 = arith.addf %mul3A_640, %mul3A_641 : vector<40x32xf32>
    %mul3A_643 = arith.mulf %dot_general3A_639, %dot_general3A_639 : vector<40x32xf32>
    %add3A_644 = arith.addf %add3A_642, %mul3A_643 : vector<40x32xf32>
    %add3A_645 = arith.constant 9.99999993E-9 : f32
    %add3A_646 = vector.broadcast %add3A_645 : f32 to vector<40x32xf32>
    %add3A_647 = arith.addf %add3A_644, %add3A_646 : vector<40x32xf32>
    %sqrt3A_648 = math.sqrt %add3A_647 : vector<40x32xf32>
    %concatenate3A_649 = tpu.concatenate %div3A_633, %sqrt3A_648 in 1 : vector<40x32xf32>, vector<40x32xf32> -> vector<40x64xf32>
    %dot_general3A_650 = arith.constant dense<0.000000e+00> : vector<40x32xf32>
    %dot_general3A_651 = tpu.matmul %concatenate3A_649, %get3A_160, %dot_general3A_650 {dimension_numbers = #tpu.dot_dimension_numbers<[1], [0], [0], [1], [0, 0, 1, 1], [], []>, transpose_lhs_hint = false} : vector<40x64xf32>, vector<64x32xf32>, vector<40x32xf32> -> vector<40x32xf32>
    %add3A_652 = vector.broadcast %get3A_166 : vector<1x32xf32> to vector<40x32xf32>
    %add3A_653 = arith.addf %dot_general3A_651, %add3A_652 : vector<40x32xf32>
    %max3A_654 = arith.constant 0.000000e+00 : f32
    %max3A_655 = vector.broadcast %max3A_654 : f32 to vector<40x32xf32>
    %max3A_656 = arith.maximumf %add3A_653, %max3A_655 : vector<40x32xf32>
    %dot_general3A_657 = arith.constant dense<0.000000e+00> : vector<40x32xf32>
    %dot_general3A_658 = tpu.matmul %dot_general3A_635, %get3A_163, %dot_general3A_657 {dimension_numbers = #tpu.dot_dimension_numbers<[1], [0], [0], [1], [0, 0, 1, 1], [], []>, transpose_lhs_hint = false} : vector<40x32xf32>, vector<32x32xf32>, vector<40x32xf32> -> vector<40x32xf32>
    %dot_general3A_659 = arith.constant dense<0.000000e+00> : vector<40x32xf32>
    %dot_general3A_660 = tpu.matmul %dot_general3A_637, %get3A_163, %dot_general3A_659 {dimension_numbers = #tpu.dot_dimension_numbers<[1], [0], [0], [1], [0, 0, 1, 1], [], []>, transpose_lhs_hint = false} : vector<40x32xf32>, vector<32x32xf32>, vector<40x32xf32> -> vector<40x32xf32>
    %dot_general3A_661 = arith.constant dense<0.000000e+00> : vector<40x32xf32>
    %dot_general3A_662 = tpu.matmul %dot_general3A_639, %get3A_163, %dot_general3A_661 {dimension_numbers = #tpu.dot_dimension_numbers<[1], [0], [0], [1], [0, 0, 1, 1], [], []>, transpose_lhs_hint = false} : vector<40x32xf32>, vector<32x32xf32>, vector<40x32xf32> -> vector<40x32xf32>
    %mul3A_663 = arith.mulf %dot_general3A_658, %dot_general3A_658 : vector<40x32xf32>
    %mul3A_664 = arith.mulf %dot_general3A_660, %dot_general3A_660 : vector<40x32xf32>
    %add3A_665 = arith.addf %mul3A_663, %mul3A_664 : vector<40x32xf32>
    %mul3A_666 = arith.mulf %dot_general3A_662, %dot_general3A_662 : vector<40x32xf32>
    %add3A_667 = arith.addf %add3A_665, %mul3A_666 : vector<40x32xf32>
    %add3A_668 = arith.constant 9.99999993E-9 : f32
    %add3A_669 = vector.broadcast %add3A_668 : f32 to vector<40x32xf32>
    %add3A_670 = arith.addf %add3A_667, %add3A_669 : vector<40x32xf32>
    %sqrt3A_671 = math.sqrt %add3A_670 : vector<40x32xf32>
    %logistic3A_672 = arith.negf %sqrt3A_671 : vector<40x32xf32>
    %logistic3A_673 = math.exp %logistic3A_672 : vector<40x32xf32>
    %logistic3A_674 = arith.constant 1.000000e+00 : f32
    %logistic3A_675 = vector.broadcast %logistic3A_674 : f32 to vector<40x32xf32>
    %logistic3A_676 = arith.addf %logistic3A_675, %logistic3A_673 : vector<40x32xf32>
    %logistic3A_677 = arith.divf %logistic3A_675, %logistic3A_676 : vector<40x32xf32>
    %mul3A_678 = arith.mulf %dot_general3A_658, %logistic3A_677 : vector<40x32xf32>
    %mul3A_679 = arith.mulf %dot_general3A_660, %logistic3A_677 : vector<40x32xf32>
    %mul3A_680 = arith.mulf %dot_general3A_662, %logistic3A_677 : vector<40x32xf32>
    %dot_general3A_681 = arith.constant dense<0.000000e+00> : vector<40x32xf32>
    %dot_general3A_682 = tpu.matmul %mul3A_678, %get3A_169, %dot_general3A_681 {dimension_numbers = #tpu.dot_dimension_numbers<[1], [0], [0], [1], [0, 0, 1, 1], [], []>, transpose_lhs_hint = false} : vector<40x32xf32>, vector<32x32xf32>, vector<40x32xf32> -> vector<40x32xf32>
    %dot_general3A_683 = arith.constant dense<0.000000e+00> : vector<40x32xf32>
    %dot_general3A_684 = tpu.matmul %mul3A_679, %get3A_169, %dot_general3A_683 {dimension_numbers = #tpu.dot_dimension_numbers<[1], [0], [0], [1], [0, 0, 1, 1], [], []>, transpose_lhs_hint = false} : vector<40x32xf32>, vector<32x32xf32>, vector<40x32xf32> -> vector<40x32xf32>
    %dot_general3A_685 = arith.constant dense<0.000000e+00> : vector<40x32xf32>
    %dot_general3A_686 = tpu.matmul %mul3A_680, %get3A_169, %dot_general3A_685 {dimension_numbers = #tpu.dot_dimension_numbers<[1], [0], [0], [1], [0, 0, 1, 1], [], []>, transpose_lhs_hint = false} : vector<40x32xf32>, vector<32x32xf32>, vector<40x32xf32> -> vector<40x32xf32>
    %mul3A_687 = arith.mulf %dot_general3A_682, %dot_general3A_682 : vector<40x32xf32>
    %mul3A_688 = arith.mulf %dot_general3A_684, %dot_general3A_684 : vector<40x32xf32>
    %add3A_689 = arith.addf %mul3A_687, %mul3A_688 : vector<40x32xf32>
    %mul3A_690 = arith.mulf %dot_general3A_686, %dot_general3A_686 : vector<40x32xf32>
    %add3A_691 = arith.addf %add3A_689, %mul3A_690 : vector<40x32xf32>
    %add3A_692 = arith.constant 9.99999993E-9 : f32
    %add3A_693 = vector.broadcast %add3A_692 : f32 to vector<40x32xf32>
    %add3A_694 = arith.addf %add3A_691, %add3A_693 : vector<40x32xf32>
    %sqrt3A_695 = math.sqrt %add3A_694 : vector<40x32xf32>
    %concatenate3A_696 = tpu.concatenate %max3A_656, %sqrt3A_695 in 1 : vector<40x32xf32>, vector<40x32xf32> -> vector<40x64xf32>
    %dot_general3A_697 = arith.constant dense<0.000000e+00> : vector<40x32xf32>
    %dot_general3A_698 = tpu.matmul %concatenate3A_696, %get3A_172, %dot_general3A_697 {dimension_numbers = #tpu.dot_dimension_numbers<[1], [0], [0], [1], [0, 0, 1, 1], [], []>, transpose_lhs_hint = false} : vector<40x64xf32>, vector<64x32xf32>, vector<40x32xf32> -> vector<40x32xf32>
    %add3A_699 = vector.broadcast %get3A_178 : vector<1x32xf32> to vector<40x32xf32>
    %add3A_700 = arith.addf %dot_general3A_698, %add3A_699 : vector<40x32xf32>
    %dot_general3A_701 = arith.constant dense<0.000000e+00> : vector<40x32xf32>
    %dot_general3A_702 = tpu.matmul %dot_general3A_682, %get3A_175, %dot_general3A_701 {dimension_numbers = #tpu.dot_dimension_numbers<[1], [0], [0], [1], [0, 0, 1, 1], [], []>, transpose_lhs_hint = false} : vector<40x32xf32>, vector<32x32xf32>, vector<40x32xf32> -> vector<40x32xf32>
    %dot_general3A_703 = arith.constant dense<0.000000e+00> : vector<40x32xf32>
    %dot_general3A_704 = tpu.matmul %dot_general3A_684, %get3A_175, %dot_general3A_703 {dimension_numbers = #tpu.dot_dimension_numbers<[1], [0], [0], [1], [0, 0, 1, 1], [], []>, transpose_lhs_hint = false} : vector<40x32xf32>, vector<32x32xf32>, vector<40x32xf32> -> vector<40x32xf32>
    %dot_general3A_705 = arith.constant dense<0.000000e+00> : vector<40x32xf32>
    %dot_general3A_706 = tpu.matmul %dot_general3A_686, %get3A_175, %dot_general3A_705 {dimension_numbers = #tpu.dot_dimension_numbers<[1], [0], [0], [1], [0, 0, 1, 1], [], []>, transpose_lhs_hint = false} : vector<40x32xf32>, vector<32x32xf32>, vector<40x32xf32> -> vector<40x32xf32>
    %add3A_707 = arith.addf %div3A_604, %dot_general3A_702 : vector<40x32xf32>
    %add3A_708 = arith.addf %div3A_606, %dot_general3A_704 : vector<40x32xf32>
    %add3A_709 = arith.addf %div3A_608, %dot_general3A_706 : vector<40x32xf32>
    %add3A_710 = arith.addf %div3A_633, %add3A_700 : vector<40x32xf32>
    %mul3A_711 = arith.mulf %add3A_707, %add3A_707 : vector<40x32xf32>
    %mul3A_712 = arith.mulf %add3A_708, %add3A_708 : vector<40x32xf32>
    %add3A_713 = arith.addf %mul3A_711, %mul3A_712 : vector<40x32xf32>
    %mul3A_714 = arith.mulf %add3A_709, %add3A_709 : vector<40x32xf32>
    %add3A_715 = arith.addf %add3A_713, %mul3A_714 : vector<40x32xf32>
    %reduce_sum3A_716 = arith.constant dense<0.000000e+00> : vector<40xf32>
    %reduce_sum3A_717 = vector.multi_reduction <add>, %add3A_715, %reduce_sum3A_716 [1] : vector<40x32xf32> to vector<40xf32>
    %broadcast_in_dim3A_718 = vector.shape_cast %reduce_sum3A_717 : vector<40xf32> to vector<40x1xf32>
    %div3A_719 = arith.constant 3.200000e+01 : f32
    %div3A_720 = vector.broadcast %div3A_719 : f32 to vector<40x1xf32>
    %div3A_721 = arith.divf %broadcast_in_dim3A_718, %div3A_720 : vector<40x1xf32>
    %add3A_722 = arith.constant 9.99999993E-9 : f32
    %add3A_723 = vector.broadcast %add3A_722 : f32 to vector<40x1xf32>
    %add3A_724 = arith.addf %div3A_721, %add3A_723 : vector<40x1xf32>
    %sqrt3A_725 = math.sqrt %add3A_724 : vector<40x1xf32>
    %div3A_726 = vector.broadcast %sqrt3A_725 : vector<40x1xf32> to vector<40x32xf32>
    %div3A_727 = arith.divf %add3A_707, %div3A_726 : vector<40x32xf32>
    %div3A_728 = vector.broadcast %sqrt3A_725 : vector<40x1xf32> to vector<40x32xf32>
    %div3A_729 = arith.divf %add3A_708, %div3A_728 : vector<40x32xf32>
    %div3A_730 = vector.broadcast %sqrt3A_725 : vector<40x1xf32> to vector<40x32xf32>
    %div3A_731 = arith.divf %add3A_709, %div3A_730 : vector<40x32xf32>
    %reduce_sum3A_732 = arith.constant dense<0.000000e+00> : vector<40xf32>
    %reduce_sum3A_733 = vector.multi_reduction <add>, %add3A_710, %reduce_sum3A_732 [1] : vector<40x32xf32> to vector<40xf32>
    %broadcast_in_dim3A_734 = vector.shape_cast %reduce_sum3A_733 : vector<40xf32> to vector<40x1xf32>
    %div3A_735 = arith.constant 3.200000e+01 : f32
    %div3A_736 = vector.broadcast %div3A_735 : f32 to vector<40x1xf32>
    %div3A_737 = arith.divf %broadcast_in_dim3A_734, %div3A_736 : vector<40x1xf32>
    %sub3A_738 = vector.broadcast %div3A_737 : vector<40x1xf32> to vector<40x32xf32>
    %sub3A_739 = arith.subf %add3A_710, %sub3A_738 : vector<40x32xf32>
    %sub3A_740 = vector.broadcast %div3A_737 : vector<40x1xf32> to vector<40x32xf32>
    %sub3A_741 = arith.subf %add3A_710, %sub3A_740 : vector<40x32xf32>
    %mul3A_742 = arith.mulf %sub3A_739, %sub3A_741 : vector<40x32xf32>
    %reduce_sum3A_743 = arith.constant dense<0.000000e+00> : vector<40xf32>
    %reduce_sum3A_744 = vector.multi_reduction <add>, %mul3A_742, %reduce_sum3A_743 [1] : vector<40x32xf32> to vector<40xf32>
    %broadcast_in_dim3A_745 = vector.shape_cast %reduce_sum3A_744 : vector<40xf32> to vector<40x1xf32>
    %div3A_746 = arith.constant 3.200000e+01 : f32
    %div3A_747 = vector.broadcast %div3A_746 : f32 to vector<40x1xf32>
    %div3A_748 = arith.divf %broadcast_in_dim3A_745, %div3A_747 : vector<40x1xf32>
    %sub3A_749 = vector.broadcast %div3A_737 : vector<40x1xf32> to vector<40x32xf32>
    %sub3A_750 = arith.subf %add3A_710, %sub3A_749 : vector<40x32xf32>
    %add3A_751 = arith.constant 9.99999993E-9 : f32
    %add3A_752 = vector.broadcast %add3A_751 : f32 to vector<40x1xf32>
    %add3A_753 = arith.addf %div3A_748, %add3A_752 : vector<40x1xf32>
    %sqrt3A_754 = math.sqrt %add3A_753 : vector<40x1xf32>
    %div3A_755 = vector.broadcast %sqrt3A_754 : vector<40x1xf32> to vector<40x32xf32>
    %div3A_756 = arith.divf %sub3A_750, %div3A_755 : vector<40x32xf32>
    %mul3A_757 = vector.broadcast %get3A_294 : vector<40x1xf32> to vector<40x32xf32>
    %mul3A_758 = arith.mulf %div3A_727, %mul3A_757 : vector<40x32xf32>
    %mul3A_759 = vector.broadcast %get3A_294 : vector<40x1xf32> to vector<40x32xf32>
    %mul3A_760 = arith.mulf %div3A_729, %mul3A_759 : vector<40x32xf32>
    %mul3A_761 = vector.broadcast %get3A_294 : vector<40x1xf32> to vector<40x32xf32>
    %mul3A_762 = arith.mulf %div3A_731, %mul3A_761 : vector<40x32xf32>
    %mul3A_763 = vector.broadcast %get3A_294 : vector<40x1xf32> to vector<40x32xf32>
    %mul3A_764 = arith.mulf %div3A_756, %mul3A_763 : vector<40x32xf32>
    %slice3A_765 = vector.extract_strided_slice %get3A_61 {offsets = [0, 0], sizes = [32, 96], strides = [1, 1]} : vector<96x96xf32> to vector<32x96xf32>
    %dot_general3A_766 = arith.constant dense<0.000000e+00> : vector<40x96xf32>
    %dot_general3A_767 = tpu.matmul %mul3A_758, %slice3A_765, %dot_general3A_766 {dimension_numbers = #tpu.dot_dimension_numbers<[1], [0], [0], [1], [0, 0, 1, 1], [], []>, transpose_lhs_hint = false} : vector<40x32xf32>, vector<32x96xf32>, vector<40x96xf32> -> vector<40x96xf32>
    %slice3A_768 = vector.extract_strided_slice %get3A_61 {offsets = [32, 0], sizes = [32, 96], strides = [1, 1]} : vector<96x96xf32> to vector<32x96xf32>
    %dot_general3A_769 = arith.constant dense<0.000000e+00> : vector<40x96xf32>
    %dot_general3A_770 = tpu.matmul %mul3A_758, %slice3A_768, %dot_general3A_769 {dimension_numbers = #tpu.dot_dimension_numbers<[1], [0], [0], [1], [0, 0, 1, 1], [], []>, transpose_lhs_hint = false} : vector<40x32xf32>, vector<32x96xf32>, vector<40x96xf32> -> vector<40x96xf32>
    %concatenate3A_771 = tpu.concatenate %dot_general3A_767, %dot_general3A_770 in 0 : vector<40x96xf32>, vector<40x96xf32> -> vector<80x96xf32>
    %dot_general3A_772 = arith.constant dense<0.000000e+00> : vector<800x96xf32>
    %dot_general3A_773 = tpu.matmul %slice3A_396, %concatenate3A_771, %dot_general3A_772 {dimension_numbers = #tpu.dot_dimension_numbers<[0], [0], [1], [1], [0, 1, 1, 1], [], []>, transpose_lhs_hint = false} : vector<80x800xf32>, vector<80x96xf32>, vector<800x96xf32> -> vector<800x96xf32>
    %slice3A_774 = vector.extract_strided_slice %get3A_61 {offsets = [64, 0], sizes = [32, 96], strides = [1, 1]} : vector<96x96xf32> to vector<32x96xf32>
    %dot_general3A_775 = arith.constant dense<0.000000e+00> : vector<800x96xf32>
    %dot_general3A_776 = tpu.matmul %dot_general3A_385, %slice3A_774, %dot_general3A_775 {dimension_numbers = #tpu.dot_dimension_numbers<[1], [0], [0], [1], [0, 0, 1, 1], [], []>, transpose_lhs_hint = false} : vector<800x32xf32>, vector<32x96xf32>, vector<800x96xf32> -> vector<800x96xf32>
    %add3A_777 = arith.addf %dot_general3A_773, %dot_general3A_776 : vector<800x96xf32>
    %slice3A_778 = vector.extract_strided_slice %get3A_61 {offsets = [0, 0], sizes = [32, 96], strides = [1, 1]} : vector<96x96xf32> to vector<32x96xf32>
    %dot_general3A_779 = arith.constant dense<0.000000e+00> : vector<40x96xf32>
    %dot_general3A_780 = tpu.matmul %mul3A_760, %slice3A_778, %dot_general3A_779 {dimension_numbers = #tpu.dot_dimension_numbers<[1], [0], [0], [1], [0, 0, 1, 1], [], []>, transpose_lhs_hint = false} : vector<40x32xf32>, vector<32x96xf32>, vector<40x96xf32> -> vector<40x96xf32>
    %slice3A_781 = vector.extract_strided_slice %get3A_61 {offsets = [32, 0], sizes = [32, 96], strides = [1, 1]} : vector<96x96xf32> to vector<32x96xf32>
    %dot_general3A_782 = arith.constant dense<0.000000e+00> : vector<40x96xf32>
    %dot_general3A_783 = tpu.matmul %mul3A_760, %slice3A_781, %dot_general3A_782 {dimension_numbers = #tpu.dot_dimension_numbers<[1], [0], [0], [1], [0, 0, 1, 1], [], []>, transpose_lhs_hint = false} : vector<40x32xf32>, vector<32x96xf32>, vector<40x96xf32> -> vector<40x96xf32>
    %concatenate3A_784 = tpu.concatenate %dot_general3A_780, %dot_general3A_783 in 0 : vector<40x96xf32>, vector<40x96xf32> -> vector<80x96xf32>
    %dot_general3A_785 = arith.constant dense<0.000000e+00> : vector<800x96xf32>
    %dot_general3A_786 = tpu.matmul %slice3A_396, %concatenate3A_784, %dot_general3A_785 {dimension_numbers = #tpu.dot_dimension_numbers<[0], [0], [1], [1], [0, 1, 1, 1], [], []>, transpose_lhs_hint = false} : vector<80x800xf32>, vector<80x96xf32>, vector<800x96xf32> -> vector<800x96xf32>
    %slice3A_787 = vector.extract_strided_slice %get3A_61 {offsets = [64, 0], sizes = [32, 96], strides = [1, 1]} : vector<96x96xf32> to vector<32x96xf32>
    %dot_general3A_788 = arith.constant dense<0.000000e+00> : vector<800x96xf32>
    %dot_general3A_789 = tpu.matmul %dot_general3A_387, %slice3A_787, %dot_general3A_788 {dimension_numbers = #tpu.dot_dimension_numbers<[1], [0], [0], [1], [0, 0, 1, 1], [], []>, transpose_lhs_hint = false} : vector<800x32xf32>, vector<32x96xf32>, vector<800x96xf32> -> vector<800x96xf32>
    %add3A_790 = arith.addf %dot_general3A_786, %dot_general3A_789 : vector<800x96xf32>
    %slice3A_791 = vector.extract_strided_slice %get3A_61 {offsets = [0, 0], sizes = [32, 96], strides = [1, 1]} : vector<96x96xf32> to vector<32x96xf32>
    %dot_general3A_792 = arith.constant dense<0.000000e+00> : vector<40x96xf32>
    %dot_general3A_793 = tpu.matmul %mul3A_762, %slice3A_791, %dot_general3A_792 {dimension_numbers = #tpu.dot_dimension_numbers<[1], [0], [0], [1], [0, 0, 1, 1], [], []>, transpose_lhs_hint = false} : vector<40x32xf32>, vector<32x96xf32>, vector<40x96xf32> -> vector<40x96xf32>
    %slice3A_794 = vector.extract_strided_slice %get3A_61 {offsets = [32, 0], sizes = [32, 96], strides = [1, 1]} : vector<96x96xf32> to vector<32x96xf32>
    %dot_general3A_795 = arith.constant dense<0.000000e+00> : vector<40x96xf32>
    %dot_general3A_796 = tpu.matmul %mul3A_762, %slice3A_794, %dot_general3A_795 {dimension_numbers = #tpu.dot_dimension_numbers<[1], [0], [0], [1], [0, 0, 1, 1], [], []>, transpose_lhs_hint = false} : vector<40x32xf32>, vector<32x96xf32>, vector<40x96xf32> -> vector<40x96xf32>
    %concatenate3A_797 = tpu.concatenate %dot_general3A_793, %dot_general3A_796 in 0 : vector<40x96xf32>, vector<40x96xf32> -> vector<80x96xf32>
    %dot_general3A_798 = arith.constant dense<0.000000e+00> : vector<800x96xf32>
    %dot_general3A_799 = tpu.matmul %slice3A_396, %concatenate3A_797, %dot_general3A_798 {dimension_numbers = #tpu.dot_dimension_numbers<[0], [0], [1], [1], [0, 1, 1, 1], [], []>, transpose_lhs_hint = false} : vector<80x800xf32>, vector<80x96xf32>, vector<800x96xf32> -> vector<800x96xf32>
    %slice3A_800 = vector.extract_strided_slice %get3A_61 {offsets = [64, 0], sizes = [32, 96], strides = [1, 1]} : vector<96x96xf32> to vector<32x96xf32>
    %dot_general3A_801 = arith.constant dense<0.000000e+00> : vector<800x96xf32>
    %dot_general3A_802 = tpu.matmul %dot_general3A_389, %slice3A_800, %dot_general3A_801 {dimension_numbers = #tpu.dot_dimension_numbers<[1], [0], [0], [1], [0, 0, 1, 1], [], []>, transpose_lhs_hint = false} : vector<800x32xf32>, vector<32x96xf32>, vector<800x96xf32> -> vector<800x96xf32>
    %add3A_803 = arith.addf %dot_general3A_799, %dot_general3A_802 : vector<800x96xf32>
    %mul3A_804 = arith.mulf %add3A_777, %add3A_777 : vector<800x96xf32>
    %mul3A_805 = arith.mulf %add3A_790, %add3A_790 : vector<800x96xf32>
    %add3A_806 = arith.addf %mul3A_804, %mul3A_805 : vector<800x96xf32>
    %mul3A_807 = arith.mulf %add3A_803, %add3A_803 : vector<800x96xf32>
    %add3A_808 = arith.addf %add3A_806, %mul3A_807 : vector<800x96xf32>
    %add3A_809 = arith.constant 9.99999993E-9 : f32
    %add3A_810 = vector.broadcast %add3A_809 : f32 to vector<800x96xf32>
    %add3A_811 = arith.addf %add3A_808, %add3A_810 : vector<800x96xf32>
    %sqrt3A_812 = math.sqrt %add3A_811 : vector<800x96xf32>
    %slice3A_813 = vector.extract_strided_slice %get3A_64 {offsets = [0, 0], sizes = [32, 32], strides = [1, 1]} : vector<192x32xf32> to vector<32x32xf32>
    %dot_general3A_814 = arith.constant dense<0.000000e+00> : vector<40x32xf32>
    %dot_general3A_815 = tpu.matmul %mul3A_764, %slice3A_813, %dot_general3A_814 {dimension_numbers = #tpu.dot_dimension_numbers<[1], [0], [0], [1], [0, 0, 1, 1], [], []>, transpose_lhs_hint = false} : vector<40x32xf32>, vector<32x32xf32>, vector<40x32xf32> -> vector<40x32xf32>
    %slice3A_816 = vector.extract_strided_slice %get3A_64 {offsets = [32, 0], sizes = [32, 32], strides = [1, 1]} : vector<192x32xf32> to vector<32x32xf32>
    %dot_general3A_817 = arith.constant dense<0.000000e+00> : vector<40x32xf32>
    %dot_general3A_818 = tpu.matmul %mul3A_764, %slice3A_816, %dot_general3A_817 {dimension_numbers = #tpu.dot_dimension_numbers<[1], [0], [0], [1], [0, 0, 1, 1], [], []>, transpose_lhs_hint = false} : vector<40x32xf32>, vector<32x32xf32>, vector<40x32xf32> -> vector<40x32xf32>
    %concatenate3A_819 = tpu.concatenate %dot_general3A_815, %dot_general3A_818 in 0 : vector<40x32xf32>, vector<40x32xf32> -> vector<80x32xf32>
    %dot_general3A_820 = arith.constant dense<0.000000e+00> : vector<800x32xf32>
    %dot_general3A_821 = tpu.matmul %slice3A_396, %concatenate3A_819, %dot_general3A_820 {dimension_numbers = #tpu.dot_dimension_numbers<[0], [0], [1], [1], [0, 1, 1, 1], [], []>, transpose_lhs_hint = false} : vector<80x800xf32>, vector<80x32xf32>, vector<800x32xf32> -> vector<800x32xf32>
    %slice3A_822 = vector.extract_strided_slice %get3A_64 {offsets = [64, 0], sizes = [32, 32], strides = [1, 1]} : vector<192x32xf32> to vector<32x32xf32>
    %dot_general3A_823 = arith.constant dense<0.000000e+00> : vector<800x32xf32>
    %dot_general3A_824 = tpu.matmul %add3A_383, %slice3A_822, %dot_general3A_823 {dimension_numbers = #tpu.dot_dimension_numbers<[1], [0], [0], [1], [0, 0, 1, 1], [], []>, transpose_lhs_hint = false} : vector<800x32xf32>, vector<32x32xf32>, vector<800x32xf32> -> vector<800x32xf32>
    %add3A_825 = arith.addf %dot_general3A_821, %dot_general3A_824 : vector<800x32xf32>
    %slice3A_826 = vector.extract_strided_slice %get3A_64 {offsets = [96, 0], sizes = [96, 32], strides = [1, 1]} : vector<192x32xf32> to vector<96x32xf32>
    %dot_general3A_827 = arith.constant dense<0.000000e+00> : vector<800x32xf32>
    %dot_general3A_828 = tpu.matmul %sqrt3A_812, %slice3A_826, %dot_general3A_827 {dimension_numbers = #tpu.dot_dimension_numbers<[1], [0], [0], [1], [0, 0, 1, 1], [], []>, transpose_lhs_hint = false} : vector<800x96xf32>, vector<96x32xf32>, vector<800x32xf32> -> vector<800x32xf32>
    %add3A_829 = arith.addf %add3A_825, %dot_general3A_828 : vector<800x32xf32>
    %add3A_830 = vector.broadcast %get3A_70 : vector<1x32xf32> to vector<800x32xf32>
    %add3A_831 = arith.addf %add3A_829, %add3A_830 : vector<800x32xf32>
    %max3A_832 = arith.constant 0.000000e+00 : f32
    %max3A_833 = vector.broadcast %max3A_832 : f32 to vector<800x32xf32>
    %max3A_834 = arith.maximumf %add3A_831, %max3A_833 : vector<800x32xf32>
    %dot_general3A_835 = arith.constant dense<0.000000e+00> : vector<800x32xf32>
    %dot_general3A_836 = tpu.matmul %add3A_777, %get3A_67, %dot_general3A_835 {dimension_numbers = #tpu.dot_dimension_numbers<[1], [0], [0], [1], [0, 0, 1, 1], [], []>, transpose_lhs_hint = false} : vector<800x96xf32>, vector<96x32xf32>, vector<800x32xf32> -> vector<800x32xf32>
    %dot_general3A_837 = arith.constant dense<0.000000e+00> : vector<800x32xf32>
    %dot_general3A_838 = tpu.matmul %add3A_790, %get3A_67, %dot_general3A_837 {dimension_numbers = #tpu.dot_dimension_numbers<[1], [0], [0], [1], [0, 0, 1, 1], [], []>, transpose_lhs_hint = false} : vector<800x96xf32>, vector<96x32xf32>, vector<800x32xf32> -> vector<800x32xf32>
    %dot_general3A_839 = arith.constant dense<0.000000e+00> : vector<800x32xf32>
    %dot_general3A_840 = tpu.matmul %add3A_803, %get3A_67, %dot_general3A_839 {dimension_numbers = #tpu.dot_dimension_numbers<[1], [0], [0], [1], [0, 0, 1, 1], [], []>, transpose_lhs_hint = false} : vector<800x96xf32>, vector<96x32xf32>, vector<800x32xf32> -> vector<800x32xf32>
    %mul3A_841 = arith.mulf %dot_general3A_836, %dot_general3A_836 : vector<800x32xf32>
    %mul3A_842 = arith.mulf %dot_general3A_838, %dot_general3A_838 : vector<800x32xf32>
    %add3A_843 = arith.addf %mul3A_841, %mul3A_842 : vector<800x32xf32>
    %mul3A_844 = arith.mulf %dot_general3A_840, %dot_general3A_840 : vector<800x32xf32>
    %add3A_845 = arith.addf %add3A_843, %mul3A_844 : vector<800x32xf32>
    %add3A_846 = arith.constant 9.99999993E-9 : f32
    %add3A_847 = vector.broadcast %add3A_846 : f32 to vector<800x32xf32>
    %add3A_848 = arith.addf %add3A_845, %add3A_847 : vector<800x32xf32>
    %sqrt3A_849 = math.sqrt %add3A_848 : vector<800x32xf32>
    %logistic3A_850 = arith.negf %sqrt3A_849 : vector<800x32xf32>
    %logistic3A_851 = math.exp %logistic3A_850 : vector<800x32xf32>
    %logistic3A_852 = arith.constant 1.000000e+00 : f32
    %logistic3A_853 = vector.broadcast %logistic3A_852 : f32 to vector<800x32xf32>
    %logistic3A_854 = arith.addf %logistic3A_853, %logistic3A_851 : vector<800x32xf32>
    %logistic3A_855 = arith.divf %logistic3A_853, %logistic3A_854 : vector<800x32xf32>
    %mul3A_856 = arith.mulf %dot_general3A_836, %logistic3A_855 : vector<800x32xf32>
    %mul3A_857 = arith.mulf %dot_general3A_838, %logistic3A_855 : vector<800x32xf32>
    %mul3A_858 = arith.mulf %dot_general3A_840, %logistic3A_855 : vector<800x32xf32>
    %dot_general3A_859 = arith.constant dense<0.000000e+00> : vector<800x32xf32>
    %dot_general3A_860 = tpu.matmul %mul3A_856, %get3A_73, %dot_general3A_859 {dimension_numbers = #tpu.dot_dimension_numbers<[1], [0], [0], [1], [0, 0, 1, 1], [], []>, transpose_lhs_hint = false} : vector<800x32xf32>, vector<32x32xf32>, vector<800x32xf32> -> vector<800x32xf32>
    %dot_general3A_861 = arith.constant dense<0.000000e+00> : vector<800x32xf32>
    %dot_general3A_862 = tpu.matmul %mul3A_857, %get3A_73, %dot_general3A_861 {dimension_numbers = #tpu.dot_dimension_numbers<[1], [0], [0], [1], [0, 0, 1, 1], [], []>, transpose_lhs_hint = false} : vector<800x32xf32>, vector<32x32xf32>, vector<800x32xf32> -> vector<800x32xf32>
    %dot_general3A_863 = arith.constant dense<0.000000e+00> : vector<800x32xf32>
    %dot_general3A_864 = tpu.matmul %mul3A_858, %get3A_73, %dot_general3A_863 {dimension_numbers = #tpu.dot_dimension_numbers<[1], [0], [0], [1], [0, 0, 1, 1], [], []>, transpose_lhs_hint = false} : vector<800x32xf32>, vector<32x32xf32>, vector<800x32xf32> -> vector<800x32xf32>
    %mul3A_865 = arith.mulf %dot_general3A_860, %dot_general3A_860 : vector<800x32xf32>
    %mul3A_866 = arith.mulf %dot_general3A_862, %dot_general3A_862 : vector<800x32xf32>
    %add3A_867 = arith.addf %mul3A_865, %mul3A_866 : vector<800x32xf32>
    %mul3A_868 = arith.mulf %dot_general3A_864, %dot_general3A_864 : vector<800x32xf32>
    %add3A_869 = arith.addf %add3A_867, %mul3A_868 : vector<800x32xf32>
    %add3A_870 = arith.constant 9.99999993E-9 : f32
    %add3A_871 = vector.broadcast %add3A_870 : f32 to vector<800x32xf32>
    %add3A_872 = arith.addf %add3A_869, %add3A_871 : vector<800x32xf32>
    %sqrt3A_873 = math.sqrt %add3A_872 : vector<800x32xf32>
    %concatenate3A_874 = tpu.concatenate %max3A_834, %sqrt3A_873 in 1 : vector<800x32xf32>, vector<800x32xf32> -> vector<800x64xf32>
    %dot_general3A_875 = arith.constant dense<0.000000e+00> : vector<800x32xf32>
    %dot_general3A_876 = tpu.matmul %concatenate3A_874, %get3A_76, %dot_general3A_875 {dimension_numbers = #tpu.dot_dimension_numbers<[1], [0], [0], [1], [0, 0, 1, 1], [], []>, transpose_lhs_hint = false} : vector<800x64xf32>, vector<64x32xf32>, vector<800x32xf32> -> vector<800x32xf32>
    %add3A_877 = vector.broadcast %get3A_82 : vector<1x32xf32> to vector<800x32xf32>
    %add3A_878 = arith.addf %dot_general3A_876, %add3A_877 : vector<800x32xf32>
    %max3A_879 = arith.constant 0.000000e+00 : f32
    %max3A_880 = vector.broadcast %max3A_879 : f32 to vector<800x32xf32>
    %max3A_881 = arith.maximumf %add3A_878, %max3A_880 : vector<800x32xf32>
    %dot_general3A_882 = arith.constant dense<0.000000e+00> : vector<800x32xf32>
    %dot_general3A_883 = tpu.matmul %dot_general3A_860, %get3A_79, %dot_general3A_882 {dimension_numbers = #tpu.dot_dimension_numbers<[1], [0], [0], [1], [0, 0, 1, 1], [], []>, transpose_lhs_hint = false} : vector<800x32xf32>, vector<32x32xf32>, vector<800x32xf32> -> vector<800x32xf32>
    %dot_general3A_884 = arith.constant dense<0.000000e+00> : vector<800x32xf32>
    %dot_general3A_885 = tpu.matmul %dot_general3A_862, %get3A_79, %dot_general3A_884 {dimension_numbers = #tpu.dot_dimension_numbers<[1], [0], [0], [1], [0, 0, 1, 1], [], []>, transpose_lhs_hint = false} : vector<800x32xf32>, vector<32x32xf32>, vector<800x32xf32> -> vector<800x32xf32>
    %dot_general3A_886 = arith.constant dense<0.000000e+00> : vector<800x32xf32>
    %dot_general3A_887 = tpu.matmul %dot_general3A_864, %get3A_79, %dot_general3A_886 {dimension_numbers = #tpu.dot_dimension_numbers<[1], [0], [0], [1], [0, 0, 1, 1], [], []>, transpose_lhs_hint = false} : vector<800x32xf32>, vector<32x32xf32>, vector<800x32xf32> -> vector<800x32xf32>
    %mul3A_888 = arith.mulf %dot_general3A_883, %dot_general3A_883 : vector<800x32xf32>
    %mul3A_889 = arith.mulf %dot_general3A_885, %dot_general3A_885 : vector<800x32xf32>
    %add3A_890 = arith.addf %mul3A_888, %mul3A_889 : vector<800x32xf32>
    %mul3A_891 = arith.mulf %dot_general3A_887, %dot_general3A_887 : vector<800x32xf32>
    %add3A_892 = arith.addf %add3A_890, %mul3A_891 : vector<800x32xf32>
    %add3A_893 = arith.constant 9.99999993E-9 : f32
    %add3A_894 = vector.broadcast %add3A_893 : f32 to vector<800x32xf32>
    %add3A_895 = arith.addf %add3A_892, %add3A_894 : vector<800x32xf32>
    %sqrt3A_896 = math.sqrt %add3A_895 : vector<800x32xf32>
    %logistic3A_897 = arith.negf %sqrt3A_896 : vector<800x32xf32>
    %logistic3A_898 = math.exp %logistic3A_897 : vector<800x32xf32>
    %logistic3A_899 = arith.constant 1.000000e+00 : f32
    %logistic3A_900 = vector.broadcast %logistic3A_899 : f32 to vector<800x32xf32>
    %logistic3A_901 = arith.addf %logistic3A_900, %logistic3A_898 : vector<800x32xf32>
    %logistic3A_902 = arith.divf %logistic3A_900, %logistic3A_901 : vector<800x32xf32>
    %mul3A_903 = arith.mulf %dot_general3A_883, %logistic3A_902 : vector<800x32xf32>
    %mul3A_904 = arith.mulf %dot_general3A_885, %logistic3A_902 : vector<800x32xf32>
    %mul3A_905 = arith.mulf %dot_general3A_887, %logistic3A_902 : vector<800x32xf32>
    %dot_general3A_906 = arith.constant dense<0.000000e+00> : vector<800x32xf32>
    %dot_general3A_907 = tpu.matmul %mul3A_903, %get3A_85, %dot_general3A_906 {dimension_numbers = #tpu.dot_dimension_numbers<[1], [0], [0], [1], [0, 0, 1, 1], [], []>, transpose_lhs_hint = false} : vector<800x32xf32>, vector<32x32xf32>, vector<800x32xf32> -> vector<800x32xf32>
    %dot_general3A_908 = arith.constant dense<0.000000e+00> : vector<800x32xf32>
    %dot_general3A_909 = tpu.matmul %mul3A_904, %get3A_85, %dot_general3A_908 {dimension_numbers = #tpu.dot_dimension_numbers<[1], [0], [0], [1], [0, 0, 1, 1], [], []>, transpose_lhs_hint = false} : vector<800x32xf32>, vector<32x32xf32>, vector<800x32xf32> -> vector<800x32xf32>
    %dot_general3A_910 = arith.constant dense<0.000000e+00> : vector<800x32xf32>
    %dot_general3A_911 = tpu.matmul %mul3A_905, %get3A_85, %dot_general3A_910 {dimension_numbers = #tpu.dot_dimension_numbers<[1], [0], [0], [1], [0, 0, 1, 1], [], []>, transpose_lhs_hint = false} : vector<800x32xf32>, vector<32x32xf32>, vector<800x32xf32> -> vector<800x32xf32>
    %mul3A_912 = arith.mulf %dot_general3A_907, %dot_general3A_907 : vector<800x32xf32>
    %mul3A_913 = arith.mulf %dot_general3A_909, %dot_general3A_909 : vector<800x32xf32>
    %add3A_914 = arith.addf %mul3A_912, %mul3A_913 : vector<800x32xf32>
    %mul3A_915 = arith.mulf %dot_general3A_911, %dot_general3A_911 : vector<800x32xf32>
    %add3A_916 = arith.addf %add3A_914, %mul3A_915 : vector<800x32xf32>
    %add3A_917 = arith.constant 9.99999993E-9 : f32
    %add3A_918 = vector.broadcast %add3A_917 : f32 to vector<800x32xf32>
    %add3A_919 = arith.addf %add3A_916, %add3A_918 : vector<800x32xf32>
    %sqrt3A_920 = math.sqrt %add3A_919 : vector<800x32xf32>
    %concatenate3A_921 = tpu.concatenate %max3A_881, %sqrt3A_920 in 1 : vector<800x32xf32>, vector<800x32xf32> -> vector<800x64xf32>
    %dot_general3A_922 = arith.constant dense<0.000000e+00> : vector<800x32xf32>
    %dot_general3A_923 = tpu.matmul %concatenate3A_921, %get3A_88, %dot_general3A_922 {dimension_numbers = #tpu.dot_dimension_numbers<[1], [0], [0], [1], [0, 0, 1, 1], [], []>, transpose_lhs_hint = false} : vector<800x64xf32>, vector<64x32xf32>, vector<800x32xf32> -> vector<800x32xf32>
    %add3A_924 = vector.broadcast %get3A_94 : vector<1x32xf32> to vector<800x32xf32>
    %add3A_925 = arith.addf %dot_general3A_923, %add3A_924 : vector<800x32xf32>
    %dot_general3A_926 = arith.constant dense<0.000000e+00> : vector<800x32xf32>
    %dot_general3A_927 = tpu.matmul %dot_general3A_907, %get3A_91, %dot_general3A_926 {dimension_numbers = #tpu.dot_dimension_numbers<[1], [0], [0], [1], [0, 0, 1, 1], [], []>, transpose_lhs_hint = false} : vector<800x32xf32>, vector<32x32xf32>, vector<800x32xf32> -> vector<800x32xf32>
    %dot_general3A_928 = arith.constant dense<0.000000e+00> : vector<800x32xf32>
    %dot_general3A_929 = tpu.matmul %dot_general3A_909, %get3A_91, %dot_general3A_928 {dimension_numbers = #tpu.dot_dimension_numbers<[1], [0], [0], [1], [0, 0, 1, 1], [], []>, transpose_lhs_hint = false} : vector<800x32xf32>, vector<32x32xf32>, vector<800x32xf32> -> vector<800x32xf32>
    %dot_general3A_930 = arith.constant dense<0.000000e+00> : vector<800x32xf32>
    %dot_general3A_931 = tpu.matmul %dot_general3A_911, %get3A_91, %dot_general3A_930 {dimension_numbers = #tpu.dot_dimension_numbers<[1], [0], [0], [1], [0, 0, 1, 1], [], []>, transpose_lhs_hint = false} : vector<800x32xf32>, vector<32x32xf32>, vector<800x32xf32> -> vector<800x32xf32>
    %mul3A_932 = vector.broadcast %mul3A_394 : vector<800x1xf32> to vector<800x32xf32>
    %mul3A_933 = arith.mulf %dot_general3A_927, %mul3A_932 : vector<800x32xf32>
    %add3A_934 = arith.addf %dot_general3A_385, %mul3A_933 : vector<800x32xf32>
    %mul3A_935 = vector.broadcast %mul3A_394 : vector<800x1xf32> to vector<800x32xf32>
    %mul3A_936 = arith.mulf %dot_general3A_929, %mul3A_935 : vector<800x32xf32>
    %add3A_937 = arith.addf %dot_general3A_387, %mul3A_936 : vector<800x32xf32>
    %mul3A_938 = vector.broadcast %mul3A_394 : vector<800x1xf32> to vector<800x32xf32>
    %mul3A_939 = arith.mulf %dot_general3A_931, %mul3A_938 : vector<800x32xf32>
    %add3A_940 = arith.addf %dot_general3A_389, %mul3A_939 : vector<800x32xf32>
    %mul3A_941 = vector.broadcast %mul3A_394 : vector<800x1xf32> to vector<800x32xf32>
    %mul3A_942 = arith.mulf %add3A_925, %mul3A_941 : vector<800x32xf32>
    %add3A_943 = arith.addf %add3A_383, %mul3A_942 : vector<800x32xf32>
    %mul3A_944 = arith.mulf %add3A_934, %add3A_934 : vector<800x32xf32>
    %mul3A_945 = arith.mulf %add3A_937, %add3A_937 : vector<800x32xf32>
    %add3A_946 = arith.addf %mul3A_944, %mul3A_945 : vector<800x32xf32>
    %mul3A_947 = arith.mulf %add3A_940, %add3A_940 : vector<800x32xf32>
    %add3A_948 = arith.addf %add3A_946, %mul3A_947 : vector<800x32xf32>
    %reduce_sum3A_949 = arith.constant dense<0.000000e+00> : vector<800xf32>
    %reduce_sum3A_950 = vector.multi_reduction <add>, %add3A_948, %reduce_sum3A_949 [1] : vector<800x32xf32> to vector<800xf32>
    %broadcast_in_dim3A_951 = vector.shape_cast %reduce_sum3A_950 : vector<800xf32> to vector<800x1xf32>
    %div3A_952 = arith.constant 3.200000e+01 : f32
    %div3A_953 = vector.broadcast %div3A_952 : f32 to vector<800x1xf32>
    %div3A_954 = arith.divf %broadcast_in_dim3A_951, %div3A_953 : vector<800x1xf32>
    %add3A_955 = arith.constant 9.99999993E-9 : f32
    %add3A_956 = vector.broadcast %add3A_955 : f32 to vector<800x1xf32>
    %add3A_957 = arith.addf %div3A_954, %add3A_956 : vector<800x1xf32>
    %sqrt3A_958 = math.sqrt %add3A_957 : vector<800x1xf32>
    %div3A_959 = vector.broadcast %sqrt3A_958 : vector<800x1xf32> to vector<800x32xf32>
    %div3A_960 = arith.divf %add3A_934, %div3A_959 : vector<800x32xf32>
    %div3A_961 = vector.broadcast %sqrt3A_958 : vector<800x1xf32> to vector<800x32xf32>
    %div3A_962 = arith.divf %add3A_937, %div3A_961 : vector<800x32xf32>
    %div3A_963 = vector.broadcast %sqrt3A_958 : vector<800x1xf32> to vector<800x32xf32>
    %div3A_964 = arith.divf %add3A_940, %div3A_963 : vector<800x32xf32>
    %reduce_sum3A_965 = arith.constant dense<0.000000e+00> : vector<800xf32>
    %reduce_sum3A_966 = vector.multi_reduction <add>, %add3A_943, %reduce_sum3A_965 [1] : vector<800x32xf32> to vector<800xf32>
    %broadcast_in_dim3A_967 = vector.shape_cast %reduce_sum3A_966 : vector<800xf32> to vector<800x1xf32>
    %div3A_968 = arith.constant 3.200000e+01 : f32
    %div3A_969 = vector.broadcast %div3A_968 : f32 to vector<800x1xf32>
    %div3A_970 = arith.divf %broadcast_in_dim3A_967, %div3A_969 : vector<800x1xf32>
    %sub3A_971 = vector.broadcast %div3A_970 : vector<800x1xf32> to vector<800x32xf32>
    %sub3A_972 = arith.subf %add3A_943, %sub3A_971 : vector<800x32xf32>
    %sub3A_973 = vector.broadcast %div3A_970 : vector<800x1xf32> to vector<800x32xf32>
    %sub3A_974 = arith.subf %add3A_943, %sub3A_973 : vector<800x32xf32>
    %mul3A_975 = arith.mulf %sub3A_972, %sub3A_974 : vector<800x32xf32>
    %reduce_sum3A_976 = arith.constant dense<0.000000e+00> : vector<800xf32>
    %reduce_sum3A_977 = vector.multi_reduction <add>, %mul3A_975, %reduce_sum3A_976 [1] : vector<800x32xf32> to vector<800xf32>
    %broadcast_in_dim3A_978 = vector.shape_cast %reduce_sum3A_977 : vector<800xf32> to vector<800x1xf32>
    %div3A_979 = arith.constant 3.200000e+01 : f32
    %div3A_980 = vector.broadcast %div3A_979 : f32 to vector<800x1xf32>
    %div3A_981 = arith.divf %broadcast_in_dim3A_978, %div3A_980 : vector<800x1xf32>
    %sub3A_982 = vector.broadcast %div3A_970 : vector<800x1xf32> to vector<800x32xf32>
    %sub3A_983 = arith.subf %add3A_943, %sub3A_982 : vector<800x32xf32>
    %add3A_984 = arith.constant 9.99999993E-9 : f32
    %add3A_985 = vector.broadcast %add3A_984 : f32 to vector<800x1xf32>
    %add3A_986 = arith.addf %div3A_981, %add3A_985 : vector<800x1xf32>
    %sqrt3A_987 = math.sqrt %add3A_986 : vector<800x1xf32>
    %div3A_988 = vector.broadcast %sqrt3A_987 : vector<800x1xf32> to vector<800x32xf32>
    %div3A_989 = arith.divf %sub3A_983, %div3A_988 : vector<800x32xf32>
    %dot_general3A_990 = arith.constant dense<0.000000e+00> : vector<800x32xf32>
    %dot_general3A_991 = tpu.matmul %div3A_960, %get3A_37, %dot_general3A_990 {dimension_numbers = #tpu.dot_dimension_numbers<[1], [0], [0], [1], [0, 0, 1, 1], [], []>, transpose_lhs_hint = false} : vector<800x32xf32>, vector<32x32xf32>, vector<800x32xf32> -> vector<800x32xf32>
    %dot_general3A_992 = arith.constant dense<0.000000e+00> : vector<800x32xf32>
    %dot_general3A_993 = tpu.matmul %div3A_962, %get3A_37, %dot_general3A_992 {dimension_numbers = #tpu.dot_dimension_numbers<[1], [0], [0], [1], [0, 0, 1, 1], [], []>, transpose_lhs_hint = false} : vector<800x32xf32>, vector<32x32xf32>, vector<800x32xf32> -> vector<800x32xf32>
    %dot_general3A_994 = arith.constant dense<0.000000e+00> : vector<800x32xf32>
    %dot_general3A_995 = tpu.matmul %div3A_964, %get3A_37, %dot_general3A_994 {dimension_numbers = #tpu.dot_dimension_numbers<[1], [0], [0], [1], [0, 0, 1, 1], [], []>, transpose_lhs_hint = false} : vector<800x32xf32>, vector<32x32xf32>, vector<800x32xf32> -> vector<800x32xf32>
    %mul3A_996 = arith.mulf %dot_general3A_991, %dot_general3A_991 : vector<800x32xf32>
    %mul3A_997 = arith.mulf %dot_general3A_993, %dot_general3A_993 : vector<800x32xf32>
    %add3A_998 = arith.addf %mul3A_996, %mul3A_997 : vector<800x32xf32>
    %mul3A_999 = arith.mulf %dot_general3A_995, %dot_general3A_995 : vector<800x32xf32>
    %add3A_1000 = arith.addf %add3A_998, %mul3A_999 : vector<800x32xf32>
    %add3A_1001 = arith.constant 9.99999993E-9 : f32
    %add3A_1002 = vector.broadcast %add3A_1001 : f32 to vector<800x32xf32>
    %add3A_1003 = arith.addf %add3A_1000, %add3A_1002 : vector<800x32xf32>
    %sqrt3A_1004 = math.sqrt %add3A_1003 : vector<800x32xf32>
    %concatenate3A_1005 = tpu.concatenate %div3A_989, %sqrt3A_1004 in 1 : vector<800x32xf32>, vector<800x32xf32> -> vector<800x64xf32>
    %dot_general3A_1006 = arith.constant dense<0.000000e+00> : vector<800x32xf32>
    %dot_general3A_1007 = tpu.matmul %concatenate3A_1005, %get3A_40, %dot_general3A_1006 {dimension_numbers = #tpu.dot_dimension_numbers<[1], [0], [0], [1], [0, 0, 1, 1], [], []>, transpose_lhs_hint = false} : vector<800x64xf32>, vector<64x32xf32>, vector<800x32xf32> -> vector<800x32xf32>
    %add3A_1008 = vector.broadcast %get3A_46 : vector<1x32xf32> to vector<800x32xf32>
    %add3A_1009 = arith.addf %dot_general3A_1007, %add3A_1008 : vector<800x32xf32>
    %max3A_1010 = arith.constant 0.000000e+00 : f32
    %max3A_1011 = vector.broadcast %max3A_1010 : f32 to vector<800x32xf32>
    %max3A_1012 = arith.maximumf %add3A_1009, %max3A_1011 : vector<800x32xf32>
    %dot_general3A_1013 = arith.constant dense<0.000000e+00> : vector<800x32xf32>
    %dot_general3A_1014 = tpu.matmul %dot_general3A_991, %get3A_43, %dot_general3A_1013 {dimension_numbers = #tpu.dot_dimension_numbers<[1], [0], [0], [1], [0, 0, 1, 1], [], []>, transpose_lhs_hint = false} : vector<800x32xf32>, vector<32x32xf32>, vector<800x32xf32> -> vector<800x32xf32>
    %dot_general3A_1015 = arith.constant dense<0.000000e+00> : vector<800x32xf32>
    %dot_general3A_1016 = tpu.matmul %dot_general3A_993, %get3A_43, %dot_general3A_1015 {dimension_numbers = #tpu.dot_dimension_numbers<[1], [0], [0], [1], [0, 0, 1, 1], [], []>, transpose_lhs_hint = false} : vector<800x32xf32>, vector<32x32xf32>, vector<800x32xf32> -> vector<800x32xf32>
    %dot_general3A_1017 = arith.constant dense<0.000000e+00> : vector<800x32xf32>
    %dot_general3A_1018 = tpu.matmul %dot_general3A_995, %get3A_43, %dot_general3A_1017 {dimension_numbers = #tpu.dot_dimension_numbers<[1], [0], [0], [1], [0, 0, 1, 1], [], []>, transpose_lhs_hint = false} : vector<800x32xf32>, vector<32x32xf32>, vector<800x32xf32> -> vector<800x32xf32>
    %mul3A_1019 = arith.mulf %dot_general3A_1014, %dot_general3A_1014 : vector<800x32xf32>
    %mul3A_1020 = arith.mulf %dot_general3A_1016, %dot_general3A_1016 : vector<800x32xf32>
    %add3A_1021 = arith.addf %mul3A_1019, %mul3A_1020 : vector<800x32xf32>
    %mul3A_1022 = arith.mulf %dot_general3A_1018, %dot_general3A_1018 : vector<800x32xf32>
    %add3A_1023 = arith.addf %add3A_1021, %mul3A_1022 : vector<800x32xf32>
    %add3A_1024 = arith.constant 9.99999993E-9 : f32
    %add3A_1025 = vector.broadcast %add3A_1024 : f32 to vector<800x32xf32>
    %add3A_1026 = arith.addf %add3A_1023, %add3A_1025 : vector<800x32xf32>
    %sqrt3A_1027 = math.sqrt %add3A_1026 : vector<800x32xf32>
    %logistic3A_1028 = arith.negf %sqrt3A_1027 : vector<800x32xf32>
    %logistic3A_1029 = math.exp %logistic3A_1028 : vector<800x32xf32>
    %logistic3A_1030 = arith.constant 1.000000e+00 : f32
    %logistic3A_1031 = vector.broadcast %logistic3A_1030 : f32 to vector<800x32xf32>
    %logistic3A_1032 = arith.addf %logistic3A_1031, %logistic3A_1029 : vector<800x32xf32>
    %logistic3A_1033 = arith.divf %logistic3A_1031, %logistic3A_1032 : vector<800x32xf32>
    %mul3A_1034 = arith.mulf %dot_general3A_1014, %logistic3A_1033 : vector<800x32xf32>
    %mul3A_1035 = arith.mulf %dot_general3A_1016, %logistic3A_1033 : vector<800x32xf32>
    %mul3A_1036 = arith.mulf %dot_general3A_1018, %logistic3A_1033 : vector<800x32xf32>
    %dot_general3A_1037 = arith.constant dense<0.000000e+00> : vector<800x32xf32>
    %dot_general3A_1038 = tpu.matmul %mul3A_1034, %get3A_49, %dot_general3A_1037 {dimension_numbers = #tpu.dot_dimension_numbers<[1], [0], [0], [1], [0, 0, 1, 1], [], []>, transpose_lhs_hint = false} : vector<800x32xf32>, vector<32x32xf32>, vector<800x32xf32> -> vector<800x32xf32>
    %dot_general3A_1039 = arith.constant dense<0.000000e+00> : vector<800x32xf32>
    %dot_general3A_1040 = tpu.matmul %mul3A_1035, %get3A_49, %dot_general3A_1039 {dimension_numbers = #tpu.dot_dimension_numbers<[1], [0], [0], [1], [0, 0, 1, 1], [], []>, transpose_lhs_hint = false} : vector<800x32xf32>, vector<32x32xf32>, vector<800x32xf32> -> vector<800x32xf32>
    %dot_general3A_1041 = arith.constant dense<0.000000e+00> : vector<800x32xf32>
    %dot_general3A_1042 = tpu.matmul %mul3A_1036, %get3A_49, %dot_general3A_1041 {dimension_numbers = #tpu.dot_dimension_numbers<[1], [0], [0], [1], [0, 0, 1, 1], [], []>, transpose_lhs_hint = false} : vector<800x32xf32>, vector<32x32xf32>, vector<800x32xf32> -> vector<800x32xf32>
    %mul3A_1043 = arith.mulf %dot_general3A_1038, %dot_general3A_1038 : vector<800x32xf32>
    %mul3A_1044 = arith.mulf %dot_general3A_1040, %dot_general3A_1040 : vector<800x32xf32>
    %add3A_1045 = arith.addf %mul3A_1043, %mul3A_1044 : vector<800x32xf32>
    %mul3A_1046 = arith.mulf %dot_general3A_1042, %dot_general3A_1042 : vector<800x32xf32>
    %add3A_1047 = arith.addf %add3A_1045, %mul3A_1046 : vector<800x32xf32>
    %add3A_1048 = arith.constant 9.99999993E-9 : f32
    %add3A_1049 = vector.broadcast %add3A_1048 : f32 to vector<800x32xf32>
    %add3A_1050 = arith.addf %add3A_1047, %add3A_1049 : vector<800x32xf32>
    %sqrt3A_1051 = math.sqrt %add3A_1050 : vector<800x32xf32>
    %concatenate3A_1052 = tpu.concatenate %max3A_1012, %sqrt3A_1051 in 1 : vector<800x32xf32>, vector<800x32xf32> -> vector<800x64xf32>
    %dot_general3A_1053 = arith.constant dense<0.000000e+00> : vector<800x32xf32>
    %dot_general3A_1054 = tpu.matmul %concatenate3A_1052, %get3A_52, %dot_general3A_1053 {dimension_numbers = #tpu.dot_dimension_numbers<[1], [0], [0], [1], [0, 0, 1, 1], [], []>, transpose_lhs_hint = false} : vector<800x64xf32>, vector<64x32xf32>, vector<800x32xf32> -> vector<800x32xf32>
    %add3A_1055 = vector.broadcast %get3A_58 : vector<1x32xf32> to vector<800x32xf32>
    %add3A_1056 = arith.addf %dot_general3A_1054, %add3A_1055 : vector<800x32xf32>
    %dot_general3A_1057 = arith.constant dense<0.000000e+00> : vector<800x32xf32>
    %dot_general3A_1058 = tpu.matmul %dot_general3A_1038, %get3A_55, %dot_general3A_1057 {dimension_numbers = #tpu.dot_dimension_numbers<[1], [0], [0], [1], [0, 0, 1, 1], [], []>, transpose_lhs_hint = false} : vector<800x32xf32>, vector<32x32xf32>, vector<800x32xf32> -> vector<800x32xf32>
    %dot_general3A_1059 = arith.constant dense<0.000000e+00> : vector<800x32xf32>
    %dot_general3A_1060 = tpu.matmul %dot_general3A_1040, %get3A_55, %dot_general3A_1059 {dimension_numbers = #tpu.dot_dimension_numbers<[1], [0], [0], [1], [0, 0, 1, 1], [], []>, transpose_lhs_hint = false} : vector<800x32xf32>, vector<32x32xf32>, vector<800x32xf32> -> vector<800x32xf32>
    %dot_general3A_1061 = arith.constant dense<0.000000e+00> : vector<800x32xf32>
    %dot_general3A_1062 = tpu.matmul %dot_general3A_1042, %get3A_55, %dot_general3A_1061 {dimension_numbers = #tpu.dot_dimension_numbers<[1], [0], [0], [1], [0, 0, 1, 1], [], []>, transpose_lhs_hint = false} : vector<800x32xf32>, vector<32x32xf32>, vector<800x32xf32> -> vector<800x32xf32>
    %add3A_1063 = arith.addf %div3A_960, %dot_general3A_1058 : vector<800x32xf32>
    %add3A_1064 = arith.addf %div3A_962, %dot_general3A_1060 : vector<800x32xf32>
    %add3A_1065 = arith.addf %div3A_964, %dot_general3A_1062 : vector<800x32xf32>
    %add3A_1066 = arith.addf %div3A_989, %add3A_1056 : vector<800x32xf32>
    %mul3A_1067 = arith.mulf %add3A_1063, %add3A_1063 : vector<800x32xf32>
    %mul3A_1068 = arith.mulf %add3A_1064, %add3A_1064 : vector<800x32xf32>
    %add3A_1069 = arith.addf %mul3A_1067, %mul3A_1068 : vector<800x32xf32>
    %mul3A_1070 = arith.mulf %add3A_1065, %add3A_1065 : vector<800x32xf32>
    %add3A_1071 = arith.addf %add3A_1069, %mul3A_1070 : vector<800x32xf32>
    %reduce_sum3A_1072 = arith.constant dense<0.000000e+00> : vector<800xf32>
    %reduce_sum3A_1073 = vector.multi_reduction <add>, %add3A_1071, %reduce_sum3A_1072 [1] : vector<800x32xf32> to vector<800xf32>
    %broadcast_in_dim3A_1074 = vector.shape_cast %reduce_sum3A_1073 : vector<800xf32> to vector<800x1xf32>
    %div3A_1075 = arith.constant 3.200000e+01 : f32
    %div3A_1076 = vector.broadcast %div3A_1075 : f32 to vector<800x1xf32>
    %div3A_1077 = arith.divf %broadcast_in_dim3A_1074, %div3A_1076 : vector<800x1xf32>
    %add3A_1078 = arith.constant 9.99999993E-9 : f32
    %add3A_1079 = vector.broadcast %add3A_1078 : f32 to vector<800x1xf32>
    %add3A_1080 = arith.addf %div3A_1077, %add3A_1079 : vector<800x1xf32>
    %sqrt3A_1081 = math.sqrt %add3A_1080 : vector<800x1xf32>
    %div3A_1082 = vector.broadcast %sqrt3A_1081 : vector<800x1xf32> to vector<800x32xf32>
    %div3A_1083 = arith.divf %add3A_1063, %div3A_1082 : vector<800x32xf32>
    %div3A_1084 = vector.broadcast %sqrt3A_1081 : vector<800x1xf32> to vector<800x32xf32>
    %div3A_1085 = arith.divf %add3A_1064, %div3A_1084 : vector<800x32xf32>
    %div3A_1086 = vector.broadcast %sqrt3A_1081 : vector<800x1xf32> to vector<800x32xf32>
    %div3A_1087 = arith.divf %add3A_1065, %div3A_1086 : vector<800x32xf32>
    %reduce_sum3A_1088 = arith.constant dense<0.000000e+00> : vector<800xf32>
    %reduce_sum3A_1089 = vector.multi_reduction <add>, %add3A_1066, %reduce_sum3A_1088 [1] : vector<800x32xf32> to vector<800xf32>
    %broadcast_in_dim3A_1090 = vector.shape_cast %reduce_sum3A_1089 : vector<800xf32> to vector<800x1xf32>
    %div3A_1091 = arith.constant 3.200000e+01 : f32
    %div3A_1092 = vector.broadcast %div3A_1091 : f32 to vector<800x1xf32>
    %div3A_1093 = arith.divf %broadcast_in_dim3A_1090, %div3A_1092 : vector<800x1xf32>
    %sub3A_1094 = vector.broadcast %div3A_1093 : vector<800x1xf32> to vector<800x32xf32>
    %sub3A_1095 = arith.subf %add3A_1066, %sub3A_1094 : vector<800x32xf32>
    %sub3A_1096 = vector.broadcast %div3A_1093 : vector<800x1xf32> to vector<800x32xf32>
    %sub3A_1097 = arith.subf %add3A_1066, %sub3A_1096 : vector<800x32xf32>
    %mul3A_1098 = arith.mulf %sub3A_1095, %sub3A_1097 : vector<800x32xf32>
    %reduce_sum3A_1099 = arith.constant dense<0.000000e+00> : vector<800xf32>
    %reduce_sum3A_1100 = vector.multi_reduction <add>, %mul3A_1098, %reduce_sum3A_1099 [1] : vector<800x32xf32> to vector<800xf32>
    %broadcast_in_dim3A_1101 = vector.shape_cast %reduce_sum3A_1100 : vector<800xf32> to vector<800x1xf32>
    %div3A_1102 = arith.constant 3.200000e+01 : f32
    %div3A_1103 = vector.broadcast %div3A_1102 : f32 to vector<800x1xf32>
    %div3A_1104 = arith.divf %broadcast_in_dim3A_1101, %div3A_1103 : vector<800x1xf32>
    %sub3A_1105 = vector.broadcast %div3A_1093 : vector<800x1xf32> to vector<800x32xf32>
    %sub3A_1106 = arith.subf %add3A_1066, %sub3A_1105 : vector<800x32xf32>
    %add3A_1107 = arith.constant 9.99999993E-9 : f32
    %add3A_1108 = vector.broadcast %add3A_1107 : f32 to vector<800x1xf32>
    %add3A_1109 = arith.addf %div3A_1104, %add3A_1108 : vector<800x1xf32>
    %sqrt3A_1110 = math.sqrt %add3A_1109 : vector<800x1xf32>
    %div3A_1111 = vector.broadcast %sqrt3A_1110 : vector<800x1xf32> to vector<800x32xf32>
    %div3A_1112 = arith.divf %sub3A_1106, %div3A_1111 : vector<800x32xf32>
    %mul3A_1113 = vector.broadcast %mul3A_394 : vector<800x1xf32> to vector<800x32xf32>
    %mul3A_1114 = arith.mulf %div3A_1083, %mul3A_1113 : vector<800x32xf32>
    %mul3A_1115 = vector.broadcast %mul3A_394 : vector<800x1xf32> to vector<800x32xf32>
    %mul3A_1116 = arith.mulf %div3A_1085, %mul3A_1115 : vector<800x32xf32>
    %mul3A_1117 = vector.broadcast %mul3A_394 : vector<800x1xf32> to vector<800x32xf32>
    %mul3A_1118 = arith.mulf %div3A_1087, %mul3A_1117 : vector<800x32xf32>
    %mul3A_1119 = vector.broadcast %mul3A_394 : vector<800x1xf32> to vector<800x32xf32>
    %mul3A_1120 = arith.mulf %div3A_1112, %mul3A_1119 : vector<800x32xf32>
    %slice3A_1121 = vector.extract_strided_slice %get3A_241 {offsets = [0, 0], sizes = [32, 128], strides = [1, 1]} : vector<128x128xf32> to vector<32x128xf32>
    %dot_general3A_1122 = arith.constant dense<0.000000e+00> : vector<40x128xf32>
    %dot_general3A_1123 = tpu.matmul %mul3A_758, %slice3A_1121, %dot_general3A_1122 {dimension_numbers = #tpu.dot_dimension_numbers<[1], [0], [0], [1], [0, 0, 1, 1], [], []>, transpose_lhs_hint = false} : vector<40x32xf32>, vector<32x128xf32>, vector<40x128xf32> -> vector<40x128xf32>
    %slice3A_1124 = vector.extract_strided_slice %get3A_241 {offsets = [32, 0], sizes = [32, 128], strides = [1, 1]} : vector<128x128xf32> to vector<32x128xf32>
    %dot_general3A_1125 = arith.constant dense<0.000000e+00> : vector<40x128xf32>
    %dot_general3A_1126 = tpu.matmul %mul3A_758, %slice3A_1124, %dot_general3A_1125 {dimension_numbers = #tpu.dot_dimension_numbers<[1], [0], [0], [1], [0, 0, 1, 1], [], []>, transpose_lhs_hint = false} : vector<40x32xf32>, vector<32x128xf32>, vector<40x128xf32> -> vector<40x128xf32>
    %slice3A_1127 = vector.extract_strided_slice %get3A_241 {offsets = [64, 0], sizes = [32, 128], strides = [1, 1]} : vector<128x128xf32> to vector<32x128xf32>
    %dot_general3A_1128 = arith.constant dense<0.000000e+00> : vector<40x128xf32>
    %dot_general3A_1129 = tpu.matmul %mul3A_758, %slice3A_1127, %dot_general3A_1128 {dimension_numbers = #tpu.dot_dimension_numbers<[1], [0], [0], [1], [0, 0, 1, 1], [], []>, transpose_lhs_hint = false} : vector<40x32xf32>, vector<32x128xf32>, vector<40x128xf32> -> vector<40x128xf32>
    %concatenate3A_1130 = tpu.concatenate %dot_general3A_1123, %dot_general3A_1126, %dot_general3A_1129 in 0 : vector<40x128xf32>, vector<40x128xf32>, vector<40x128xf32> -> vector<120x128xf32>
    %dot_general3A_1131 = arith.constant dense<0.000000e+00> : vector<800x128xf32>
    %dot_general3A_1132 = tpu.matmul %concatenate3A_395, %concatenate3A_1130, %dot_general3A_1131 {dimension_numbers = #tpu.dot_dimension_numbers<[0], [0], [1], [1], [0, 1, 1, 1], [], []>, transpose_lhs_hint = false} : vector<120x800xf32>, vector<120x128xf32>, vector<800x128xf32> -> vector<800x128xf32>
    %slice3A_1133 = vector.extract_strided_slice %get3A_241 {offsets = [96, 0], sizes = [32, 128], strides = [1, 1]} : vector<128x128xf32> to vector<32x128xf32>
    %dot_general3A_1134 = arith.constant dense<0.000000e+00> : vector<800x128xf32>
    %dot_general3A_1135 = tpu.matmul %mul3A_1114, %slice3A_1133, %dot_general3A_1134 {dimension_numbers = #tpu.dot_dimension_numbers<[1], [0], [0], [1], [0, 0, 1, 1], [], []>, transpose_lhs_hint = false} : vector<800x32xf32>, vector<32x128xf32>, vector<800x128xf32> -> vector<800x128xf32>
    %add3A_1136 = arith.addf %dot_general3A_1132, %dot_general3A_1135 : vector<800x128xf32>
    %slice3A_1137 = vector.extract_strided_slice %get3A_241 {offsets = [0, 0], sizes = [32, 128], strides = [1, 1]} : vector<128x128xf32> to vector<32x128xf32>
    %dot_general3A_1138 = arith.constant dense<0.000000e+00> : vector<40x128xf32>
    %dot_general3A_1139 = tpu.matmul %mul3A_760, %slice3A_1137, %dot_general3A_1138 {dimension_numbers = #tpu.dot_dimension_numbers<[1], [0], [0], [1], [0, 0, 1, 1], [], []>, transpose_lhs_hint = false} : vector<40x32xf32>, vector<32x128xf32>, vector<40x128xf32> -> vector<40x128xf32>
    %slice3A_1140 = vector.extract_strided_slice %get3A_241 {offsets = [32, 0], sizes = [32, 128], strides = [1, 1]} : vector<128x128xf32> to vector<32x128xf32>
    %dot_general3A_1141 = arith.constant dense<0.000000e+00> : vector<40x128xf32>
    %dot_general3A_1142 = tpu.matmul %mul3A_760, %slice3A_1140, %dot_general3A_1141 {dimension_numbers = #tpu.dot_dimension_numbers<[1], [0], [0], [1], [0, 0, 1, 1], [], []>, transpose_lhs_hint = false} : vector<40x32xf32>, vector<32x128xf32>, vector<40x128xf32> -> vector<40x128xf32>
    %slice3A_1143 = vector.extract_strided_slice %get3A_241 {offsets = [64, 0], sizes = [32, 128], strides = [1, 1]} : vector<128x128xf32> to vector<32x128xf32>
    %dot_general3A_1144 = arith.constant dense<0.000000e+00> : vector<40x128xf32>
    %dot_general3A_1145 = tpu.matmul %mul3A_760, %slice3A_1143, %dot_general3A_1144 {dimension_numbers = #tpu.dot_dimension_numbers<[1], [0], [0], [1], [0, 0, 1, 1], [], []>, transpose_lhs_hint = false} : vector<40x32xf32>, vector<32x128xf32>, vector<40x128xf32> -> vector<40x128xf32>
    %concatenate3A_1146 = tpu.concatenate %dot_general3A_1139, %dot_general3A_1142, %dot_general3A_1145 in 0 : vector<40x128xf32>, vector<40x128xf32>, vector<40x128xf32> -> vector<120x128xf32>
    %dot_general3A_1147 = arith.constant dense<0.000000e+00> : vector<800x128xf32>
    %dot_general3A_1148 = tpu.matmul %concatenate3A_395, %concatenate3A_1146, %dot_general3A_1147 {dimension_numbers = #tpu.dot_dimension_numbers<[0], [0], [1], [1], [0, 1, 1, 1], [], []>, transpose_lhs_hint = false} : vector<120x800xf32>, vector<120x128xf32>, vector<800x128xf32> -> vector<800x128xf32>
    %slice3A_1149 = vector.extract_strided_slice %get3A_241 {offsets = [96, 0], sizes = [32, 128], strides = [1, 1]} : vector<128x128xf32> to vector<32x128xf32>
    %dot_general3A_1150 = arith.constant dense<0.000000e+00> : vector<800x128xf32>
    %dot_general3A_1151 = tpu.matmul %mul3A_1116, %slice3A_1149, %dot_general3A_1150 {dimension_numbers = #tpu.dot_dimension_numbers<[1], [0], [0], [1], [0, 0, 1, 1], [], []>, transpose_lhs_hint = false} : vector<800x32xf32>, vector<32x128xf32>, vector<800x128xf32> -> vector<800x128xf32>
    %add3A_1152 = arith.addf %dot_general3A_1148, %dot_general3A_1151 : vector<800x128xf32>
    %slice3A_1153 = vector.extract_strided_slice %get3A_241 {offsets = [0, 0], sizes = [32, 128], strides = [1, 1]} : vector<128x128xf32> to vector<32x128xf32>
    %dot_general3A_1154 = arith.constant dense<0.000000e+00> : vector<40x128xf32>
    %dot_general3A_1155 = tpu.matmul %mul3A_762, %slice3A_1153, %dot_general3A_1154 {dimension_numbers = #tpu.dot_dimension_numbers<[1], [0], [0], [1], [0, 0, 1, 1], [], []>, transpose_lhs_hint = false} : vector<40x32xf32>, vector<32x128xf32>, vector<40x128xf32> -> vector<40x128xf32>
    %slice3A_1156 = vector.extract_strided_slice %get3A_241 {offsets = [32, 0], sizes = [32, 128], strides = [1, 1]} : vector<128x128xf32> to vector<32x128xf32>
    %dot_general3A_1157 = arith.constant dense<0.000000e+00> : vector<40x128xf32>
    %dot_general3A_1158 = tpu.matmul %mul3A_762, %slice3A_1156, %dot_general3A_1157 {dimension_numbers = #tpu.dot_dimension_numbers<[1], [0], [0], [1], [0, 0, 1, 1], [], []>, transpose_lhs_hint = false} : vector<40x32xf32>, vector<32x128xf32>, vector<40x128xf32> -> vector<40x128xf32>
    %slice3A_1159 = vector.extract_strided_slice %get3A_241 {offsets = [64, 0], sizes = [32, 128], strides = [1, 1]} : vector<128x128xf32> to vector<32x128xf32>
    %dot_general3A_1160 = arith.constant dense<0.000000e+00> : vector<40x128xf32>
    %dot_general3A_1161 = tpu.matmul %mul3A_762, %slice3A_1159, %dot_general3A_1160 {dimension_numbers = #tpu.dot_dimension_numbers<[1], [0], [0], [1], [0, 0, 1, 1], [], []>, transpose_lhs_hint = false} : vector<40x32xf32>, vector<32x128xf32>, vector<40x128xf32> -> vector<40x128xf32>
    %concatenate3A_1162 = tpu.concatenate %dot_general3A_1155, %dot_general3A_1158, %dot_general3A_1161 in 0 : vector<40x128xf32>, vector<40x128xf32>, vector<40x128xf32> -> vector<120x128xf32>
    %dot_general3A_1163 = arith.constant dense<0.000000e+00> : vector<800x128xf32>
    %dot_general3A_1164 = tpu.matmul %concatenate3A_395, %concatenate3A_1162, %dot_general3A_1163 {dimension_numbers = #tpu.dot_dimension_numbers<[0], [0], [1], [1], [0, 1, 1, 1], [], []>, transpose_lhs_hint = false} : vector<120x800xf32>, vector<120x128xf32>, vector<800x128xf32> -> vector<800x128xf32>
    %slice3A_1165 = vector.extract_strided_slice %get3A_241 {offsets = [96, 0], sizes = [32, 128], strides = [1, 1]} : vector<128x128xf32> to vector<32x128xf32>
    %dot_general3A_1166 = arith.constant dense<0.000000e+00> : vector<800x128xf32>
    %dot_general3A_1167 = tpu.matmul %mul3A_1118, %slice3A_1165, %dot_general3A_1166 {dimension_numbers = #tpu.dot_dimension_numbers<[1], [0], [0], [1], [0, 0, 1, 1], [], []>, transpose_lhs_hint = false} : vector<800x32xf32>, vector<32x128xf32>, vector<800x128xf32> -> vector<800x128xf32>
    %add3A_1168 = arith.addf %dot_general3A_1164, %dot_general3A_1167 : vector<800x128xf32>
    %mul3A_1169 = arith.mulf %add3A_1136, %add3A_1136 : vector<800x128xf32>
    %mul3A_1170 = arith.mulf %add3A_1152, %add3A_1152 : vector<800x128xf32>
    %add3A_1171 = arith.addf %mul3A_1169, %mul3A_1170 : vector<800x128xf32>
    %mul3A_1172 = arith.mulf %add3A_1168, %add3A_1168 : vector<800x128xf32>
    %add3A_1173 = arith.addf %add3A_1171, %mul3A_1172 : vector<800x128xf32>
    %add3A_1174 = arith.constant 9.99999993E-9 : f32
    %add3A_1175 = vector.broadcast %add3A_1174 : f32 to vector<800x128xf32>
    %add3A_1176 = arith.addf %add3A_1173, %add3A_1175 : vector<800x128xf32>
    %sqrt3A_1177 = math.sqrt %add3A_1176 : vector<800x128xf32>
    %slice3A_1178 = vector.extract_strided_slice %get3A_244 {offsets = [0, 0], sizes = [32, 32], strides = [1, 1]} : vector<256x32xf32> to vector<32x32xf32>
    %dot_general3A_1179 = arith.constant dense<0.000000e+00> : vector<40x32xf32>
    %dot_general3A_1180 = tpu.matmul %mul3A_764, %slice3A_1178, %dot_general3A_1179 {dimension_numbers = #tpu.dot_dimension_numbers<[1], [0], [0], [1], [0, 0, 1, 1], [], []>, transpose_lhs_hint = false} : vector<40x32xf32>, vector<32x32xf32>, vector<40x32xf32> -> vector<40x32xf32>
    %slice3A_1181 = vector.extract_strided_slice %get3A_244 {offsets = [32, 0], sizes = [32, 32], strides = [1, 1]} : vector<256x32xf32> to vector<32x32xf32>
    %dot_general3A_1182 = arith.constant dense<0.000000e+00> : vector<40x32xf32>
    %dot_general3A_1183 = tpu.matmul %mul3A_764, %slice3A_1181, %dot_general3A_1182 {dimension_numbers = #tpu.dot_dimension_numbers<[1], [0], [0], [1], [0, 0, 1, 1], [], []>, transpose_lhs_hint = false} : vector<40x32xf32>, vector<32x32xf32>, vector<40x32xf32> -> vector<40x32xf32>
    %slice3A_1184 = vector.extract_strided_slice %get3A_244 {offsets = [64, 0], sizes = [32, 32], strides = [1, 1]} : vector<256x32xf32> to vector<32x32xf32>
    %dot_general3A_1185 = arith.constant dense<0.000000e+00> : vector<40x32xf32>
    %dot_general3A_1186 = tpu.matmul %mul3A_764, %slice3A_1184, %dot_general3A_1185 {dimension_numbers = #tpu.dot_dimension_numbers<[1], [0], [0], [1], [0, 0, 1, 1], [], []>, transpose_lhs_hint = false} : vector<40x32xf32>, vector<32x32xf32>, vector<40x32xf32> -> vector<40x32xf32>
    %concatenate3A_1187 = tpu.concatenate %dot_general3A_1180, %dot_general3A_1183, %dot_general3A_1186 in 0 : vector<40x32xf32>, vector<40x32xf32>, vector<40x32xf32> -> vector<120x32xf32>
    %dot_general3A_1188 = arith.constant dense<0.000000e+00> : vector<800x32xf32>
    %dot_general3A_1189 = tpu.matmul %concatenate3A_395, %concatenate3A_1187, %dot_general3A_1188 {dimension_numbers = #tpu.dot_dimension_numbers<[0], [0], [1], [1], [0, 1, 1, 1], [], []>, transpose_lhs_hint = false} : vector<120x800xf32>, vector<120x32xf32>, vector<800x32xf32> -> vector<800x32xf32>
    %slice3A_1190 = vector.extract_strided_slice %get3A_244 {offsets = [96, 0], sizes = [32, 32], strides = [1, 1]} : vector<256x32xf32> to vector<32x32xf32>
    %dot_general3A_1191 = arith.constant dense<0.000000e+00> : vector<800x32xf32>
    %dot_general3A_1192 = tpu.matmul %mul3A_1120, %slice3A_1190, %dot_general3A_1191 {dimension_numbers = #tpu.dot_dimension_numbers<[1], [0], [0], [1], [0, 0, 1, 1], [], []>, transpose_lhs_hint = false} : vector<800x32xf32>, vector<32x32xf32>, vector<800x32xf32> -> vector<800x32xf32>
    %add3A_1193 = arith.addf %dot_general3A_1189, %dot_general3A_1192 : vector<800x32xf32>
    %slice3A_1194 = vector.extract_strided_slice %get3A_244 {offsets = [128, 0], sizes = [128, 32], strides = [1, 1]} : vector<256x32xf32> to vector<128x32xf32>
    %dot_general3A_1195 = arith.constant dense<0.000000e+00> : vector<800x32xf32>
    %dot_general3A_1196 = tpu.matmul %sqrt3A_1177, %slice3A_1194, %dot_general3A_1195 {dimension_numbers = #tpu.dot_dimension_numbers<[1], [0], [0], [1], [0, 0, 1, 1], [], []>, transpose_lhs_hint = false} : vector<800x128xf32>, vector<128x32xf32>, vector<800x32xf32> -> vector<800x32xf32>
    %add3A_1197 = arith.addf %add3A_1193, %dot_general3A_1196 : vector<800x32xf32>
    %add3A_1198 = vector.broadcast %get3A_250 : vector<1x32xf32> to vector<800x32xf32>
    %add3A_1199 = arith.addf %add3A_1197, %add3A_1198 : vector<800x32xf32>
    %max3A_1200 = arith.constant 0.000000e+00 : f32
    %max3A_1201 = vector.broadcast %max3A_1200 : f32 to vector<800x32xf32>
    %max3A_1202 = arith.maximumf %add3A_1199, %max3A_1201 : vector<800x32xf32>
    %dot_general3A_1203 = arith.constant dense<0.000000e+00> : vector<800x32xf32>
    %dot_general3A_1204 = tpu.matmul %add3A_1136, %get3A_247, %dot_general3A_1203 {dimension_numbers = #tpu.dot_dimension_numbers<[1], [0], [0], [1], [0, 0, 1, 1], [], []>, transpose_lhs_hint = false} : vector<800x128xf32>, vector<128x32xf32>, vector<800x32xf32> -> vector<800x32xf32>
    %dot_general3A_1205 = arith.constant dense<0.000000e+00> : vector<800x32xf32>
    %dot_general3A_1206 = tpu.matmul %add3A_1152, %get3A_247, %dot_general3A_1205 {dimension_numbers = #tpu.dot_dimension_numbers<[1], [0], [0], [1], [0, 0, 1, 1], [], []>, transpose_lhs_hint = false} : vector<800x128xf32>, vector<128x32xf32>, vector<800x32xf32> -> vector<800x32xf32>
    %dot_general3A_1207 = arith.constant dense<0.000000e+00> : vector<800x32xf32>
    %dot_general3A_1208 = tpu.matmul %add3A_1168, %get3A_247, %dot_general3A_1207 {dimension_numbers = #tpu.dot_dimension_numbers<[1], [0], [0], [1], [0, 0, 1, 1], [], []>, transpose_lhs_hint = false} : vector<800x128xf32>, vector<128x32xf32>, vector<800x32xf32> -> vector<800x32xf32>
    %mul3A_1209 = arith.mulf %dot_general3A_1204, %dot_general3A_1204 : vector<800x32xf32>
    %mul3A_1210 = arith.mulf %dot_general3A_1206, %dot_general3A_1206 : vector<800x32xf32>
    %add3A_1211 = arith.addf %mul3A_1209, %mul3A_1210 : vector<800x32xf32>
    %mul3A_1212 = arith.mulf %dot_general3A_1208, %dot_general3A_1208 : vector<800x32xf32>
    %add3A_1213 = arith.addf %add3A_1211, %mul3A_1212 : vector<800x32xf32>
    %add3A_1214 = arith.constant 9.99999993E-9 : f32
    %add3A_1215 = vector.broadcast %add3A_1214 : f32 to vector<800x32xf32>
    %add3A_1216 = arith.addf %add3A_1213, %add3A_1215 : vector<800x32xf32>
    %sqrt3A_1217 = math.sqrt %add3A_1216 : vector<800x32xf32>
    %logistic3A_1218 = arith.negf %sqrt3A_1217 : vector<800x32xf32>
    %logistic3A_1219 = math.exp %logistic3A_1218 : vector<800x32xf32>
    %logistic3A_1220 = arith.constant 1.000000e+00 : f32
    %logistic3A_1221 = vector.broadcast %logistic3A_1220 : f32 to vector<800x32xf32>
    %logistic3A_1222 = arith.addf %logistic3A_1221, %logistic3A_1219 : vector<800x32xf32>
    %logistic3A_1223 = arith.divf %logistic3A_1221, %logistic3A_1222 : vector<800x32xf32>
    %mul3A_1224 = arith.mulf %dot_general3A_1204, %logistic3A_1223 : vector<800x32xf32>
    %mul3A_1225 = arith.mulf %dot_general3A_1206, %logistic3A_1223 : vector<800x32xf32>
    %mul3A_1226 = arith.mulf %dot_general3A_1208, %logistic3A_1223 : vector<800x32xf32>
    %dot_general3A_1227 = arith.constant dense<0.000000e+00> : vector<800x32xf32>
    %dot_general3A_1228 = tpu.matmul %mul3A_1224, %get3A_253, %dot_general3A_1227 {dimension_numbers = #tpu.dot_dimension_numbers<[1], [0], [0], [1], [0, 0, 1, 1], [], []>, transpose_lhs_hint = false} : vector<800x32xf32>, vector<32x32xf32>, vector<800x32xf32> -> vector<800x32xf32>
    %dot_general3A_1229 = arith.constant dense<0.000000e+00> : vector<800x32xf32>
    %dot_general3A_1230 = tpu.matmul %mul3A_1225, %get3A_253, %dot_general3A_1229 {dimension_numbers = #tpu.dot_dimension_numbers<[1], [0], [0], [1], [0, 0, 1, 1], [], []>, transpose_lhs_hint = false} : vector<800x32xf32>, vector<32x32xf32>, vector<800x32xf32> -> vector<800x32xf32>
    %dot_general3A_1231 = arith.constant dense<0.000000e+00> : vector<800x32xf32>
    %dot_general3A_1232 = tpu.matmul %mul3A_1226, %get3A_253, %dot_general3A_1231 {dimension_numbers = #tpu.dot_dimension_numbers<[1], [0], [0], [1], [0, 0, 1, 1], [], []>, transpose_lhs_hint = false} : vector<800x32xf32>, vector<32x32xf32>, vector<800x32xf32> -> vector<800x32xf32>
    %mul3A_1233 = arith.mulf %dot_general3A_1228, %dot_general3A_1228 : vector<800x32xf32>
    %mul3A_1234 = arith.mulf %dot_general3A_1230, %dot_general3A_1230 : vector<800x32xf32>
    %add3A_1235 = arith.addf %mul3A_1233, %mul3A_1234 : vector<800x32xf32>
    %mul3A_1236 = arith.mulf %dot_general3A_1232, %dot_general3A_1232 : vector<800x32xf32>
    %add3A_1237 = arith.addf %add3A_1235, %mul3A_1236 : vector<800x32xf32>
    %add3A_1238 = arith.constant 9.99999993E-9 : f32
    %add3A_1239 = vector.broadcast %add3A_1238 : f32 to vector<800x32xf32>
    %add3A_1240 = arith.addf %add3A_1237, %add3A_1239 : vector<800x32xf32>
    %sqrt3A_1241 = math.sqrt %add3A_1240 : vector<800x32xf32>
    %concatenate3A_1242 = tpu.concatenate %max3A_1202, %sqrt3A_1241 in 1 : vector<800x32xf32>, vector<800x32xf32> -> vector<800x64xf32>
    %dot_general3A_1243 = arith.constant dense<0.000000e+00> : vector<800x32xf32>
    %dot_general3A_1244 = tpu.matmul %concatenate3A_1242, %get3A_256, %dot_general3A_1243 {dimension_numbers = #tpu.dot_dimension_numbers<[1], [0], [0], [1], [0, 0, 1, 1], [], []>, transpose_lhs_hint = false} : vector<800x64xf32>, vector<64x32xf32>, vector<800x32xf32> -> vector<800x32xf32>
    %add3A_1245 = vector.broadcast %get3A_262 : vector<1x32xf32> to vector<800x32xf32>
    %add3A_1246 = arith.addf %dot_general3A_1244, %add3A_1245 : vector<800x32xf32>
    %max3A_1247 = arith.constant 0.000000e+00 : f32
    %max3A_1248 = vector.broadcast %max3A_1247 : f32 to vector<800x32xf32>
    %max3A_1249 = arith.maximumf %add3A_1246, %max3A_1248 : vector<800x32xf32>
    %dot_general3A_1250 = arith.constant dense<0.000000e+00> : vector<800x32xf32>
    %dot_general3A_1251 = tpu.matmul %dot_general3A_1228, %get3A_259, %dot_general3A_1250 {dimension_numbers = #tpu.dot_dimension_numbers<[1], [0], [0], [1], [0, 0, 1, 1], [], []>, transpose_lhs_hint = false} : vector<800x32xf32>, vector<32x32xf32>, vector<800x32xf32> -> vector<800x32xf32>
    %dot_general3A_1252 = arith.constant dense<0.000000e+00> : vector<800x32xf32>
    %dot_general3A_1253 = tpu.matmul %dot_general3A_1230, %get3A_259, %dot_general3A_1252 {dimension_numbers = #tpu.dot_dimension_numbers<[1], [0], [0], [1], [0, 0, 1, 1], [], []>, transpose_lhs_hint = false} : vector<800x32xf32>, vector<32x32xf32>, vector<800x32xf32> -> vector<800x32xf32>
    %dot_general3A_1254 = arith.constant dense<0.000000e+00> : vector<800x32xf32>
    %dot_general3A_1255 = tpu.matmul %dot_general3A_1232, %get3A_259, %dot_general3A_1254 {dimension_numbers = #tpu.dot_dimension_numbers<[1], [0], [0], [1], [0, 0, 1, 1], [], []>, transpose_lhs_hint = false} : vector<800x32xf32>, vector<32x32xf32>, vector<800x32xf32> -> vector<800x32xf32>
    %mul3A_1256 = arith.mulf %dot_general3A_1251, %dot_general3A_1251 : vector<800x32xf32>
    %mul3A_1257 = arith.mulf %dot_general3A_1253, %dot_general3A_1253 : vector<800x32xf32>
    %add3A_1258 = arith.addf %mul3A_1256, %mul3A_1257 : vector<800x32xf32>
    %mul3A_1259 = arith.mulf %dot_general3A_1255, %dot_general3A_1255 : vector<800x32xf32>
    %add3A_1260 = arith.addf %add3A_1258, %mul3A_1259 : vector<800x32xf32>
    %add3A_1261 = arith.constant 9.99999993E-9 : f32
    %add3A_1262 = vector.broadcast %add3A_1261 : f32 to vector<800x32xf32>
    %add3A_1263 = arith.addf %add3A_1260, %add3A_1262 : vector<800x32xf32>
    %sqrt3A_1264 = math.sqrt %add3A_1263 : vector<800x32xf32>
    %logistic3A_1265 = arith.negf %sqrt3A_1264 : vector<800x32xf32>
    %logistic3A_1266 = math.exp %logistic3A_1265 : vector<800x32xf32>
    %logistic3A_1267 = arith.constant 1.000000e+00 : f32
    %logistic3A_1268 = vector.broadcast %logistic3A_1267 : f32 to vector<800x32xf32>
    %logistic3A_1269 = arith.addf %logistic3A_1268, %logistic3A_1266 : vector<800x32xf32>
    %logistic3A_1270 = arith.divf %logistic3A_1268, %logistic3A_1269 : vector<800x32xf32>
    %mul3A_1271 = arith.mulf %dot_general3A_1251, %logistic3A_1270 : vector<800x32xf32>
    %mul3A_1272 = arith.mulf %dot_general3A_1253, %logistic3A_1270 : vector<800x32xf32>
    %mul3A_1273 = arith.mulf %dot_general3A_1255, %logistic3A_1270 : vector<800x32xf32>
    %dot_general3A_1274 = arith.constant dense<0.000000e+00> : vector<800x32xf32>
    %dot_general3A_1275 = tpu.matmul %mul3A_1271, %get3A_265, %dot_general3A_1274 {dimension_numbers = #tpu.dot_dimension_numbers<[1], [0], [0], [1], [0, 0, 1, 1], [], []>, transpose_lhs_hint = false} : vector<800x32xf32>, vector<32x32xf32>, vector<800x32xf32> -> vector<800x32xf32>
    %dot_general3A_1276 = arith.constant dense<0.000000e+00> : vector<800x32xf32>
    %dot_general3A_1277 = tpu.matmul %mul3A_1272, %get3A_265, %dot_general3A_1276 {dimension_numbers = #tpu.dot_dimension_numbers<[1], [0], [0], [1], [0, 0, 1, 1], [], []>, transpose_lhs_hint = false} : vector<800x32xf32>, vector<32x32xf32>, vector<800x32xf32> -> vector<800x32xf32>
    %dot_general3A_1278 = arith.constant dense<0.000000e+00> : vector<800x32xf32>
    %dot_general3A_1279 = tpu.matmul %mul3A_1273, %get3A_265, %dot_general3A_1278 {dimension_numbers = #tpu.dot_dimension_numbers<[1], [0], [0], [1], [0, 0, 1, 1], [], []>, transpose_lhs_hint = false} : vector<800x32xf32>, vector<32x32xf32>, vector<800x32xf32> -> vector<800x32xf32>
    %mul3A_1280 = arith.mulf %dot_general3A_1275, %dot_general3A_1275 : vector<800x32xf32>
    %mul3A_1281 = arith.mulf %dot_general3A_1277, %dot_general3A_1277 : vector<800x32xf32>
    %add3A_1282 = arith.addf %mul3A_1280, %mul3A_1281 : vector<800x32xf32>
    %mul3A_1283 = arith.mulf %dot_general3A_1279, %dot_general3A_1279 : vector<800x32xf32>
    %add3A_1284 = arith.addf %add3A_1282, %mul3A_1283 : vector<800x32xf32>
    %add3A_1285 = arith.constant 9.99999993E-9 : f32
    %add3A_1286 = vector.broadcast %add3A_1285 : f32 to vector<800x32xf32>
    %add3A_1287 = arith.addf %add3A_1284, %add3A_1286 : vector<800x32xf32>
    %sqrt3A_1288 = math.sqrt %add3A_1287 : vector<800x32xf32>
    %concatenate3A_1289 = tpu.concatenate %max3A_1249, %sqrt3A_1288 in 1 : vector<800x32xf32>, vector<800x32xf32> -> vector<800x64xf32>
    %dot_general3A_1290 = arith.constant dense<0.000000e+00> : vector<800x32xf32>
    %dot_general3A_1291 = tpu.matmul %concatenate3A_1289, %get3A_268, %dot_general3A_1290 {dimension_numbers = #tpu.dot_dimension_numbers<[1], [0], [0], [1], [0, 0, 1, 1], [], []>, transpose_lhs_hint = false} : vector<800x64xf32>, vector<64x32xf32>, vector<800x32xf32> -> vector<800x32xf32>
    %add3A_1292 = vector.broadcast %get3A_274 : vector<1x32xf32> to vector<800x32xf32>
    %add3A_1293 = arith.addf %dot_general3A_1291, %add3A_1292 : vector<800x32xf32>
    %dot_general3A_1294 = arith.constant dense<0.000000e+00> : vector<800x32xf32>
    %dot_general3A_1295 = tpu.matmul %dot_general3A_1275, %get3A_271, %dot_general3A_1294 {dimension_numbers = #tpu.dot_dimension_numbers<[1], [0], [0], [1], [0, 0, 1, 1], [], []>, transpose_lhs_hint = false} : vector<800x32xf32>, vector<32x32xf32>, vector<800x32xf32> -> vector<800x32xf32>
    %dot_general3A_1296 = arith.constant dense<0.000000e+00> : vector<800x32xf32>
    %dot_general3A_1297 = tpu.matmul %dot_general3A_1277, %get3A_271, %dot_general3A_1296 {dimension_numbers = #tpu.dot_dimension_numbers<[1], [0], [0], [1], [0, 0, 1, 1], [], []>, transpose_lhs_hint = false} : vector<800x32xf32>, vector<32x32xf32>, vector<800x32xf32> -> vector<800x32xf32>
    %dot_general3A_1298 = arith.constant dense<0.000000e+00> : vector<800x32xf32>
    %dot_general3A_1299 = tpu.matmul %dot_general3A_1279, %get3A_271, %dot_general3A_1298 {dimension_numbers = #tpu.dot_dimension_numbers<[1], [0], [0], [1], [0, 0, 1, 1], [], []>, transpose_lhs_hint = false} : vector<800x32xf32>, vector<32x32xf32>, vector<800x32xf32> -> vector<800x32xf32>
    %concatenate3A_1300 = tpu.concatenate %dot_general3A_1295, %dot_general3A_1297, %dot_general3A_1299, %add3A_1293 in 1 : vector<800x32xf32>, vector<800x32xf32>, vector<800x32xf32>, vector<800x32xf32> -> vector<800x128xf32>
    %mul3A_1301 = vector.broadcast %mul3A_394 : vector<800x1xf32> to vector<800x128xf32>
    %mul3A_1302 = arith.mulf %concatenate3A_1300, %mul3A_1301 : vector<800x128xf32>
    %dot_general3A_1303 = arith.constant dense<0.000000e+00> : vector<40x128xf32>
    %dot_general3A_1304 = tpu.matmul %convert_element_type3A_323, %mul3A_1302, %dot_general3A_1303 {dimension_numbers = #tpu.dot_dimension_numbers<[1], [0], [0], [1], [0, 0, 1, 1], [], []>, transpose_lhs_hint = false} : vector<40x800xf32>, vector<800x128xf32>, vector<40x128xf32> -> vector<40x128xf32>
    %mul3A_1305 = arith.constant 5.000000e-02 : f32
    %mul3A_1306 = vector.broadcast %mul3A_1305 : f32 to vector<40x128xf32>
    %mul3A_1307 = arith.mulf %dot_general3A_1304, %mul3A_1306 : vector<40x128xf32>
    %slice3A_1308 = vector.extract_strided_slice %mul3A_1307 {offsets = [0, 0], sizes = [40, 32], strides = [1, 1]} : vector<40x128xf32> to vector<40x32xf32>
    %slice3A_1309 = vector.extract_strided_slice %mul3A_1307 {offsets = [0, 32], sizes = [40, 32], strides = [1, 1]} : vector<40x128xf32> to vector<40x32xf32>
    %slice3A_1310 = vector.extract_strided_slice %mul3A_1307 {offsets = [0, 64], sizes = [40, 32], strides = [1, 1]} : vector<40x128xf32> to vector<40x32xf32>
    %slice3A_1311 = vector.extract_strided_slice %mul3A_1307 {offsets = [0, 96], sizes = [40, 32], strides = [1, 1]} : vector<40x128xf32> to vector<40x32xf32>
    %add3A_1312 = arith.addf %mul3A_758, %slice3A_1308 : vector<40x32xf32>
    %add3A_1313 = arith.addf %mul3A_760, %slice3A_1309 : vector<40x32xf32>
    %add3A_1314 = arith.addf %mul3A_762, %slice3A_1310 : vector<40x32xf32>
    %add3A_1315 = arith.addf %mul3A_764, %slice3A_1311 : vector<40x32xf32>
    %mul3A_1316 = arith.mulf %add3A_1312, %add3A_1312 : vector<40x32xf32>
    %mul3A_1317 = arith.mulf %add3A_1313, %add3A_1313 : vector<40x32xf32>
    %add3A_1318 = arith.addf %mul3A_1316, %mul3A_1317 : vector<40x32xf32>
    %mul3A_1319 = arith.mulf %add3A_1314, %add3A_1314 : vector<40x32xf32>
    %add3A_1320 = arith.addf %add3A_1318, %mul3A_1319 : vector<40x32xf32>
    %reduce_sum3A_1321 = arith.constant dense<0.000000e+00> : vector<40xf32>
    %reduce_sum3A_1322 = vector.multi_reduction <add>, %add3A_1320, %reduce_sum3A_1321 [1] : vector<40x32xf32> to vector<40xf32>
    %broadcast_in_dim3A_1323 = vector.shape_cast %reduce_sum3A_1322 : vector<40xf32> to vector<40x1xf32>
    %div3A_1324 = arith.constant 3.200000e+01 : f32
    %div3A_1325 = vector.broadcast %div3A_1324 : f32 to vector<40x1xf32>
    %div3A_1326 = arith.divf %broadcast_in_dim3A_1323, %div3A_1325 : vector<40x1xf32>
    %add3A_1327 = arith.constant 9.99999993E-9 : f32
    %add3A_1328 = vector.broadcast %add3A_1327 : f32 to vector<40x1xf32>
    %add3A_1329 = arith.addf %div3A_1326, %add3A_1328 : vector<40x1xf32>
    %sqrt3A_1330 = math.sqrt %add3A_1329 : vector<40x1xf32>
    %div3A_1331 = vector.broadcast %sqrt3A_1330 : vector<40x1xf32> to vector<40x32xf32>
    %div3A_1332 = arith.divf %add3A_1312, %div3A_1331 : vector<40x32xf32>
    %div3A_1333 = vector.broadcast %sqrt3A_1330 : vector<40x1xf32> to vector<40x32xf32>
    %div3A_1334 = arith.divf %add3A_1313, %div3A_1333 : vector<40x32xf32>
    %div3A_1335 = vector.broadcast %sqrt3A_1330 : vector<40x1xf32> to vector<40x32xf32>
    %div3A_1336 = arith.divf %add3A_1314, %div3A_1335 : vector<40x32xf32>
    %reduce_sum3A_1337 = arith.constant dense<0.000000e+00> : vector<40xf32>
    %reduce_sum3A_1338 = vector.multi_reduction <add>, %add3A_1315, %reduce_sum3A_1337 [1] : vector<40x32xf32> to vector<40xf32>
    %broadcast_in_dim3A_1339 = vector.shape_cast %reduce_sum3A_1338 : vector<40xf32> to vector<40x1xf32>
    %div3A_1340 = arith.constant 3.200000e+01 : f32
    %div3A_1341 = vector.broadcast %div3A_1340 : f32 to vector<40x1xf32>
    %div3A_1342 = arith.divf %broadcast_in_dim3A_1339, %div3A_1341 : vector<40x1xf32>
    %sub3A_1343 = vector.broadcast %div3A_1342 : vector<40x1xf32> to vector<40x32xf32>
    %sub3A_1344 = arith.subf %add3A_1315, %sub3A_1343 : vector<40x32xf32>
    %sub3A_1345 = vector.broadcast %div3A_1342 : vector<40x1xf32> to vector<40x32xf32>
    %sub3A_1346 = arith.subf %add3A_1315, %sub3A_1345 : vector<40x32xf32>
    %mul3A_1347 = arith.mulf %sub3A_1344, %sub3A_1346 : vector<40x32xf32>
    %reduce_sum3A_1348 = arith.constant dense<0.000000e+00> : vector<40xf32>
    %reduce_sum3A_1349 = vector.multi_reduction <add>, %mul3A_1347, %reduce_sum3A_1348 [1] : vector<40x32xf32> to vector<40xf32>
    %broadcast_in_dim3A_1350 = vector.shape_cast %reduce_sum3A_1349 : vector<40xf32> to vector<40x1xf32>
    %div3A_1351 = arith.constant 3.200000e+01 : f32
    %div3A_1352 = vector.broadcast %div3A_1351 : f32 to vector<40x1xf32>
    %div3A_1353 = arith.divf %broadcast_in_dim3A_1350, %div3A_1352 : vector<40x1xf32>
    %sub3A_1354 = vector.broadcast %div3A_1342 : vector<40x1xf32> to vector<40x32xf32>
    %sub3A_1355 = arith.subf %add3A_1315, %sub3A_1354 : vector<40x32xf32>
    %add3A_1356 = arith.constant 9.99999993E-9 : f32
    %add3A_1357 = vector.broadcast %add3A_1356 : f32 to vector<40x1xf32>
    %add3A_1358 = arith.addf %div3A_1353, %add3A_1357 : vector<40x1xf32>
    %sqrt3A_1359 = math.sqrt %add3A_1358 : vector<40x1xf32>
    %div3A_1360 = vector.broadcast %sqrt3A_1359 : vector<40x1xf32> to vector<40x32xf32>
    %div3A_1361 = arith.divf %sub3A_1355, %div3A_1360 : vector<40x32xf32>
    %dot_general3A_1362 = arith.constant dense<0.000000e+00> : vector<40x32xf32>
    %dot_general3A_1363 = tpu.matmul %div3A_1332, %get3A_217, %dot_general3A_1362 {dimension_numbers = #tpu.dot_dimension_numbers<[1], [0], [0], [1], [0, 0, 1, 1], [], []>, transpose_lhs_hint = false} : vector<40x32xf32>, vector<32x32xf32>, vector<40x32xf32> -> vector<40x32xf32>
    %dot_general3A_1364 = arith.constant dense<0.000000e+00> : vector<40x32xf32>
    %dot_general3A_1365 = tpu.matmul %div3A_1334, %get3A_217, %dot_general3A_1364 {dimension_numbers = #tpu.dot_dimension_numbers<[1], [0], [0], [1], [0, 0, 1, 1], [], []>, transpose_lhs_hint = false} : vector<40x32xf32>, vector<32x32xf32>, vector<40x32xf32> -> vector<40x32xf32>
    %dot_general3A_1366 = arith.constant dense<0.000000e+00> : vector<40x32xf32>
    %dot_general3A_1367 = tpu.matmul %div3A_1336, %get3A_217, %dot_general3A_1366 {dimension_numbers = #tpu.dot_dimension_numbers<[1], [0], [0], [1], [0, 0, 1, 1], [], []>, transpose_lhs_hint = false} : vector<40x32xf32>, vector<32x32xf32>, vector<40x32xf32> -> vector<40x32xf32>
    %mul3A_1368 = arith.mulf %dot_general3A_1363, %dot_general3A_1363 : vector<40x32xf32>
    %mul3A_1369 = arith.mulf %dot_general3A_1365, %dot_general3A_1365 : vector<40x32xf32>
    %add3A_1370 = arith.addf %mul3A_1368, %mul3A_1369 : vector<40x32xf32>
    %mul3A_1371 = arith.mulf %dot_general3A_1367, %dot_general3A_1367 : vector<40x32xf32>
    %add3A_1372 = arith.addf %add3A_1370, %mul3A_1371 : vector<40x32xf32>
    %add3A_1373 = arith.constant 9.99999993E-9 : f32
    %add3A_1374 = vector.broadcast %add3A_1373 : f32 to vector<40x32xf32>
    %add3A_1375 = arith.addf %add3A_1372, %add3A_1374 : vector<40x32xf32>
    %sqrt3A_1376 = math.sqrt %add3A_1375 : vector<40x32xf32>
    %concatenate3A_1377 = tpu.concatenate %div3A_1361, %sqrt3A_1376 in 1 : vector<40x32xf32>, vector<40x32xf32> -> vector<40x64xf32>
    %dot_general3A_1378 = arith.constant dense<0.000000e+00> : vector<40x32xf32>
    %dot_general3A_1379 = tpu.matmul %concatenate3A_1377, %get3A_220, %dot_general3A_1378 {dimension_numbers = #tpu.dot_dimension_numbers<[1], [0], [0], [1], [0, 0, 1, 1], [], []>, transpose_lhs_hint = false} : vector<40x64xf32>, vector<64x32xf32>, vector<40x32xf32> -> vector<40x32xf32>
    %add3A_1380 = vector.broadcast %get3A_226 : vector<1x32xf32> to vector<40x32xf32>
    %add3A_1381 = arith.addf %dot_general3A_1379, %add3A_1380 : vector<40x32xf32>
    %max3A_1382 = arith.constant 0.000000e+00 : f32
    %max3A_1383 = vector.broadcast %max3A_1382 : f32 to vector<40x32xf32>
    %max3A_1384 = arith.maximumf %add3A_1381, %max3A_1383 : vector<40x32xf32>
    %dot_general3A_1385 = arith.constant dense<0.000000e+00> : vector<40x32xf32>
    %dot_general3A_1386 = tpu.matmul %dot_general3A_1363, %get3A_223, %dot_general3A_1385 {dimension_numbers = #tpu.dot_dimension_numbers<[1], [0], [0], [1], [0, 0, 1, 1], [], []>, transpose_lhs_hint = false} : vector<40x32xf32>, vector<32x32xf32>, vector<40x32xf32> -> vector<40x32xf32>
    %dot_general3A_1387 = arith.constant dense<0.000000e+00> : vector<40x32xf32>
    %dot_general3A_1388 = tpu.matmul %dot_general3A_1365, %get3A_223, %dot_general3A_1387 {dimension_numbers = #tpu.dot_dimension_numbers<[1], [0], [0], [1], [0, 0, 1, 1], [], []>, transpose_lhs_hint = false} : vector<40x32xf32>, vector<32x32xf32>, vector<40x32xf32> -> vector<40x32xf32>
    %dot_general3A_1389 = arith.constant dense<0.000000e+00> : vector<40x32xf32>
    %dot_general3A_1390 = tpu.matmul %dot_general3A_1367, %get3A_223, %dot_general3A_1389 {dimension_numbers = #tpu.dot_dimension_numbers<[1], [0], [0], [1], [0, 0, 1, 1], [], []>, transpose_lhs_hint = false} : vector<40x32xf32>, vector<32x32xf32>, vector<40x32xf32> -> vector<40x32xf32>
    %mul3A_1391 = arith.mulf %dot_general3A_1386, %dot_general3A_1386 : vector<40x32xf32>
    %mul3A_1392 = arith.mulf %dot_general3A_1388, %dot_general3A_1388 : vector<40x32xf32>
    %add3A_1393 = arith.addf %mul3A_1391, %mul3A_1392 : vector<40x32xf32>
    %mul3A_1394 = arith.mulf %dot_general3A_1390, %dot_general3A_1390 : vector<40x32xf32>
    %add3A_1395 = arith.addf %add3A_1393, %mul3A_1394 : vector<40x32xf32>
    %add3A_1396 = arith.constant 9.99999993E-9 : f32
    %add3A_1397 = vector.broadcast %add3A_1396 : f32 to vector<40x32xf32>
    %add3A_1398 = arith.addf %add3A_1395, %add3A_1397 : vector<40x32xf32>
    %sqrt3A_1399 = math.sqrt %add3A_1398 : vector<40x32xf32>
    %logistic3A_1400 = arith.negf %sqrt3A_1399 : vector<40x32xf32>
    %logistic3A_1401 = math.exp %logistic3A_1400 : vector<40x32xf32>
    %logistic3A_1402 = arith.constant 1.000000e+00 : f32
    %logistic3A_1403 = vector.broadcast %logistic3A_1402 : f32 to vector<40x32xf32>
    %logistic3A_1404 = arith.addf %logistic3A_1403, %logistic3A_1401 : vector<40x32xf32>
    %logistic3A_1405 = arith.divf %logistic3A_1403, %logistic3A_1404 : vector<40x32xf32>
    %mul3A_1406 = arith.mulf %dot_general3A_1386, %logistic3A_1405 : vector<40x32xf32>
    %mul3A_1407 = arith.mulf %dot_general3A_1388, %logistic3A_1405 : vector<40x32xf32>
    %mul3A_1408 = arith.mulf %dot_general3A_1390, %logistic3A_1405 : vector<40x32xf32>
    %dot_general3A_1409 = arith.constant dense<0.000000e+00> : vector<40x32xf32>
    %dot_general3A_1410 = tpu.matmul %mul3A_1406, %get3A_229, %dot_general3A_1409 {dimension_numbers = #tpu.dot_dimension_numbers<[1], [0], [0], [1], [0, 0, 1, 1], [], []>, transpose_lhs_hint = false} : vector<40x32xf32>, vector<32x32xf32>, vector<40x32xf32> -> vector<40x32xf32>
    %dot_general3A_1411 = arith.constant dense<0.000000e+00> : vector<40x32xf32>
    %dot_general3A_1412 = tpu.matmul %mul3A_1407, %get3A_229, %dot_general3A_1411 {dimension_numbers = #tpu.dot_dimension_numbers<[1], [0], [0], [1], [0, 0, 1, 1], [], []>, transpose_lhs_hint = false} : vector<40x32xf32>, vector<32x32xf32>, vector<40x32xf32> -> vector<40x32xf32>
    %dot_general3A_1413 = arith.constant dense<0.000000e+00> : vector<40x32xf32>
    %dot_general3A_1414 = tpu.matmul %mul3A_1408, %get3A_229, %dot_general3A_1413 {dimension_numbers = #tpu.dot_dimension_numbers<[1], [0], [0], [1], [0, 0, 1, 1], [], []>, transpose_lhs_hint = false} : vector<40x32xf32>, vector<32x32xf32>, vector<40x32xf32> -> vector<40x32xf32>
    %mul3A_1415 = arith.mulf %dot_general3A_1410, %dot_general3A_1410 : vector<40x32xf32>
    %mul3A_1416 = arith.mulf %dot_general3A_1412, %dot_general3A_1412 : vector<40x32xf32>
    %add3A_1417 = arith.addf %mul3A_1415, %mul3A_1416 : vector<40x32xf32>
    %mul3A_1418 = arith.mulf %dot_general3A_1414, %dot_general3A_1414 : vector<40x32xf32>
    %add3A_1419 = arith.addf %add3A_1417, %mul3A_1418 : vector<40x32xf32>
    %add3A_1420 = arith.constant 9.99999993E-9 : f32
    %add3A_1421 = vector.broadcast %add3A_1420 : f32 to vector<40x32xf32>
    %add3A_1422 = arith.addf %add3A_1419, %add3A_1421 : vector<40x32xf32>
    %sqrt3A_1423 = math.sqrt %add3A_1422 : vector<40x32xf32>
    %concatenate3A_1424 = tpu.concatenate %max3A_1384, %sqrt3A_1423 in 1 : vector<40x32xf32>, vector<40x32xf32> -> vector<40x64xf32>
    %dot_general3A_1425 = arith.constant dense<0.000000e+00> : vector<40x32xf32>
    %dot_general3A_1426 = tpu.matmul %concatenate3A_1424, %get3A_232, %dot_general3A_1425 {dimension_numbers = #tpu.dot_dimension_numbers<[1], [0], [0], [1], [0, 0, 1, 1], [], []>, transpose_lhs_hint = false} : vector<40x64xf32>, vector<64x32xf32>, vector<40x32xf32> -> vector<40x32xf32>
    %add3A_1427 = vector.broadcast %get3A_238 : vector<1x32xf32> to vector<40x32xf32>
    %add3A_1428 = arith.addf %dot_general3A_1426, %add3A_1427 : vector<40x32xf32>
    %dot_general3A_1429 = arith.constant dense<0.000000e+00> : vector<40x32xf32>
    %dot_general3A_1430 = tpu.matmul %dot_general3A_1410, %get3A_235, %dot_general3A_1429 {dimension_numbers = #tpu.dot_dimension_numbers<[1], [0], [0], [1], [0, 0, 1, 1], [], []>, transpose_lhs_hint = false} : vector<40x32xf32>, vector<32x32xf32>, vector<40x32xf32> -> vector<40x32xf32>
    %dot_general3A_1431 = arith.constant dense<0.000000e+00> : vector<40x32xf32>
    %dot_general3A_1432 = tpu.matmul %dot_general3A_1412, %get3A_235, %dot_general3A_1431 {dimension_numbers = #tpu.dot_dimension_numbers<[1], [0], [0], [1], [0, 0, 1, 1], [], []>, transpose_lhs_hint = false} : vector<40x32xf32>, vector<32x32xf32>, vector<40x32xf32> -> vector<40x32xf32>
    %dot_general3A_1433 = arith.constant dense<0.000000e+00> : vector<40x32xf32>
    %dot_general3A_1434 = tpu.matmul %dot_general3A_1414, %get3A_235, %dot_general3A_1433 {dimension_numbers = #tpu.dot_dimension_numbers<[1], [0], [0], [1], [0, 0, 1, 1], [], []>, transpose_lhs_hint = false} : vector<40x32xf32>, vector<32x32xf32>, vector<40x32xf32> -> vector<40x32xf32>
    %add3A_1435 = arith.addf %div3A_1332, %dot_general3A_1430 : vector<40x32xf32>
    %add3A_1436 = arith.addf %div3A_1334, %dot_general3A_1432 : vector<40x32xf32>
    %add3A_1437 = arith.addf %div3A_1336, %dot_general3A_1434 : vector<40x32xf32>
    %add3A_1438 = arith.addf %div3A_1361, %add3A_1428 : vector<40x32xf32>
    %mul3A_1439 = arith.mulf %add3A_1435, %add3A_1435 : vector<40x32xf32>
    %mul3A_1440 = arith.mulf %add3A_1436, %add3A_1436 : vector<40x32xf32>
    %add3A_1441 = arith.addf %mul3A_1439, %mul3A_1440 : vector<40x32xf32>
    %mul3A_1442 = arith.mulf %add3A_1437, %add3A_1437 : vector<40x32xf32>
    %add3A_1443 = arith.addf %add3A_1441, %mul3A_1442 : vector<40x32xf32>
    %reduce_sum3A_1444 = arith.constant dense<0.000000e+00> : vector<40xf32>
    %reduce_sum3A_1445 = vector.multi_reduction <add>, %add3A_1443, %reduce_sum3A_1444 [1] : vector<40x32xf32> to vector<40xf32>
    %broadcast_in_dim3A_1446 = vector.shape_cast %reduce_sum3A_1445 : vector<40xf32> to vector<40x1xf32>
    %div3A_1447 = arith.constant 3.200000e+01 : f32
    %div3A_1448 = vector.broadcast %div3A_1447 : f32 to vector<40x1xf32>
    %div3A_1449 = arith.divf %broadcast_in_dim3A_1446, %div3A_1448 : vector<40x1xf32>
    %add3A_1450 = arith.constant 9.99999993E-9 : f32
    %add3A_1451 = vector.broadcast %add3A_1450 : f32 to vector<40x1xf32>
    %add3A_1452 = arith.addf %div3A_1449, %add3A_1451 : vector<40x1xf32>
    %sqrt3A_1453 = math.sqrt %add3A_1452 : vector<40x1xf32>
    %div3A_1454 = vector.broadcast %sqrt3A_1453 : vector<40x1xf32> to vector<40x32xf32>
    %div3A_1455 = arith.divf %add3A_1435, %div3A_1454 : vector<40x32xf32>
    %div3A_1456 = vector.broadcast %sqrt3A_1453 : vector<40x1xf32> to vector<40x32xf32>
    %div3A_1457 = arith.divf %add3A_1436, %div3A_1456 : vector<40x32xf32>
    %div3A_1458 = vector.broadcast %sqrt3A_1453 : vector<40x1xf32> to vector<40x32xf32>
    %div3A_1459 = arith.divf %add3A_1437, %div3A_1458 : vector<40x32xf32>
    %reduce_sum3A_1460 = arith.constant dense<0.000000e+00> : vector<40xf32>
    %reduce_sum3A_1461 = vector.multi_reduction <add>, %add3A_1438, %reduce_sum3A_1460 [1] : vector<40x32xf32> to vector<40xf32>
    %broadcast_in_dim3A_1462 = vector.shape_cast %reduce_sum3A_1461 : vector<40xf32> to vector<40x1xf32>
    %div3A_1463 = arith.constant 3.200000e+01 : f32
    %div3A_1464 = vector.broadcast %div3A_1463 : f32 to vector<40x1xf32>
    %div3A_1465 = arith.divf %broadcast_in_dim3A_1462, %div3A_1464 : vector<40x1xf32>
    %sub3A_1466 = vector.broadcast %div3A_1465 : vector<40x1xf32> to vector<40x32xf32>
    %sub3A_1467 = arith.subf %add3A_1438, %sub3A_1466 : vector<40x32xf32>
    %sub3A_1468 = vector.broadcast %div3A_1465 : vector<40x1xf32> to vector<40x32xf32>
    %sub3A_1469 = arith.subf %add3A_1438, %sub3A_1468 : vector<40x32xf32>
    %mul3A_1470 = arith.mulf %sub3A_1467, %sub3A_1469 : vector<40x32xf32>
    %reduce_sum3A_1471 = arith.constant dense<0.000000e+00> : vector<40xf32>
    %reduce_sum3A_1472 = vector.multi_reduction <add>, %mul3A_1470, %reduce_sum3A_1471 [1] : vector<40x32xf32> to vector<40xf32>
    %broadcast_in_dim3A_1473 = vector.shape_cast %reduce_sum3A_1472 : vector<40xf32> to vector<40x1xf32>
    %div3A_1474 = arith.constant 3.200000e+01 : f32
    %div3A_1475 = vector.broadcast %div3A_1474 : f32 to vector<40x1xf32>
    %div3A_1476 = arith.divf %broadcast_in_dim3A_1473, %div3A_1475 : vector<40x1xf32>
    %sub3A_1477 = vector.broadcast %div3A_1465 : vector<40x1xf32> to vector<40x32xf32>
    %sub3A_1478 = arith.subf %add3A_1438, %sub3A_1477 : vector<40x32xf32>
    %add3A_1479 = arith.constant 9.99999993E-9 : f32
    %add3A_1480 = vector.broadcast %add3A_1479 : f32 to vector<40x1xf32>
    %add3A_1481 = arith.addf %div3A_1476, %add3A_1480 : vector<40x1xf32>
    %sqrt3A_1482 = math.sqrt %add3A_1481 : vector<40x1xf32>
    %div3A_1483 = vector.broadcast %sqrt3A_1482 : vector<40x1xf32> to vector<40x32xf32>
    %div3A_1484 = arith.divf %sub3A_1478, %div3A_1483 : vector<40x32xf32>
    %mul3A_1485 = vector.broadcast %get3A_294 : vector<40x1xf32> to vector<40x32xf32>
    %mul3A_1486 = arith.mulf %div3A_1455, %mul3A_1485 : vector<40x32xf32>
    %mul3A_1487 = vector.broadcast %get3A_294 : vector<40x1xf32> to vector<40x32xf32>
    %mul3A_1488 = arith.mulf %div3A_1457, %mul3A_1487 : vector<40x32xf32>
    %mul3A_1489 = vector.broadcast %get3A_294 : vector<40x1xf32> to vector<40x32xf32>
    %mul3A_1490 = arith.mulf %div3A_1459, %mul3A_1489 : vector<40x32xf32>
    %mul3A_1491 = vector.broadcast %get3A_294 : vector<40x1xf32> to vector<40x32xf32>
    %mul3A_1492 = arith.mulf %div3A_1484, %mul3A_1491 : vector<40x32xf32>
    %slice3A_1493 = vector.extract_strided_slice %get3A_121 {offsets = [0, 0], sizes = [32, 96], strides = [1, 1]} : vector<96x96xf32> to vector<32x96xf32>
    %dot_general3A_1494 = arith.constant dense<0.000000e+00> : vector<40x96xf32>
    %dot_general3A_1495 = tpu.matmul %mul3A_1486, %slice3A_1493, %dot_general3A_1494 {dimension_numbers = #tpu.dot_dimension_numbers<[1], [0], [0], [1], [0, 0, 1, 1], [], []>, transpose_lhs_hint = false} : vector<40x32xf32>, vector<32x96xf32>, vector<40x96xf32> -> vector<40x96xf32>
    %slice3A_1496 = vector.extract_strided_slice %get3A_121 {offsets = [32, 0], sizes = [32, 96], strides = [1, 1]} : vector<96x96xf32> to vector<32x96xf32>
    %dot_general3A_1497 = arith.constant dense<0.000000e+00> : vector<40x96xf32>
    %dot_general3A_1498 = tpu.matmul %mul3A_1486, %slice3A_1496, %dot_general3A_1497 {dimension_numbers = #tpu.dot_dimension_numbers<[1], [0], [0], [1], [0, 0, 1, 1], [], []>, transpose_lhs_hint = false} : vector<40x32xf32>, vector<32x96xf32>, vector<40x96xf32> -> vector<40x96xf32>
    %concatenate3A_1499 = tpu.concatenate %dot_general3A_1495, %dot_general3A_1498 in 0 : vector<40x96xf32>, vector<40x96xf32> -> vector<80x96xf32>
    %dot_general3A_1500 = arith.constant dense<0.000000e+00> : vector<800x96xf32>
    %dot_general3A_1501 = tpu.matmul %slice3A_396, %concatenate3A_1499, %dot_general3A_1500 {dimension_numbers = #tpu.dot_dimension_numbers<[0], [0], [1], [1], [0, 1, 1, 1], [], []>, transpose_lhs_hint = false} : vector<80x800xf32>, vector<80x96xf32>, vector<800x96xf32> -> vector<800x96xf32>
    %slice3A_1502 = vector.extract_strided_slice %get3A_121 {offsets = [64, 0], sizes = [32, 96], strides = [1, 1]} : vector<96x96xf32> to vector<32x96xf32>
    %dot_general3A_1503 = arith.constant dense<0.000000e+00> : vector<800x96xf32>
    %dot_general3A_1504 = tpu.matmul %mul3A_1114, %slice3A_1502, %dot_general3A_1503 {dimension_numbers = #tpu.dot_dimension_numbers<[1], [0], [0], [1], [0, 0, 1, 1], [], []>, transpose_lhs_hint = false} : vector<800x32xf32>, vector<32x96xf32>, vector<800x96xf32> -> vector<800x96xf32>
    %add3A_1505 = arith.addf %dot_general3A_1501, %dot_general3A_1504 : vector<800x96xf32>
    %slice3A_1506 = vector.extract_strided_slice %get3A_121 {offsets = [0, 0], sizes = [32, 96], strides = [1, 1]} : vector<96x96xf32> to vector<32x96xf32>
    %dot_general3A_1507 = arith.constant dense<0.000000e+00> : vector<40x96xf32>
    %dot_general3A_1508 = tpu.matmul %mul3A_1488, %slice3A_1506, %dot_general3A_1507 {dimension_numbers = #tpu.dot_dimension_numbers<[1], [0], [0], [1], [0, 0, 1, 1], [], []>, transpose_lhs_hint = false} : vector<40x32xf32>, vector<32x96xf32>, vector<40x96xf32> -> vector<40x96xf32>
    %slice3A_1509 = vector.extract_strided_slice %get3A_121 {offsets = [32, 0], sizes = [32, 96], strides = [1, 1]} : vector<96x96xf32> to vector<32x96xf32>
    %dot_general3A_1510 = arith.constant dense<0.000000e+00> : vector<40x96xf32>
    %dot_general3A_1511 = tpu.matmul %mul3A_1488, %slice3A_1509, %dot_general3A_1510 {dimension_numbers = #tpu.dot_dimension_numbers<[1], [0], [0], [1], [0, 0, 1, 1], [], []>, transpose_lhs_hint = false} : vector<40x32xf32>, vector<32x96xf32>, vector<40x96xf32> -> vector<40x96xf32>
    %concatenate3A_1512 = tpu.concatenate %dot_general3A_1508, %dot_general3A_1511 in 0 : vector<40x96xf32>, vector<40x96xf32> -> vector<80x96xf32>
    %dot_general3A_1513 = arith.constant dense<0.000000e+00> : vector<800x96xf32>
    %dot_general3A_1514 = tpu.matmul %slice3A_396, %concatenate3A_1512, %dot_general3A_1513 {dimension_numbers = #tpu.dot_dimension_numbers<[0], [0], [1], [1], [0, 1, 1, 1], [], []>, transpose_lhs_hint = false} : vector<80x800xf32>, vector<80x96xf32>, vector<800x96xf32> -> vector<800x96xf32>
    %slice3A_1515 = vector.extract_strided_slice %get3A_121 {offsets = [64, 0], sizes = [32, 96], strides = [1, 1]} : vector<96x96xf32> to vector<32x96xf32>
    %dot_general3A_1516 = arith.constant dense<0.000000e+00> : vector<800x96xf32>
    %dot_general3A_1517 = tpu.matmul %mul3A_1116, %slice3A_1515, %dot_general3A_1516 {dimension_numbers = #tpu.dot_dimension_numbers<[1], [0], [0], [1], [0, 0, 1, 1], [], []>, transpose_lhs_hint = false} : vector<800x32xf32>, vector<32x96xf32>, vector<800x96xf32> -> vector<800x96xf32>
    %add3A_1518 = arith.addf %dot_general3A_1514, %dot_general3A_1517 : vector<800x96xf32>
    %slice3A_1519 = vector.extract_strided_slice %get3A_121 {offsets = [0, 0], sizes = [32, 96], strides = [1, 1]} : vector<96x96xf32> to vector<32x96xf32>
    %dot_general3A_1520 = arith.constant dense<0.000000e+00> : vector<40x96xf32>
    %dot_general3A_1521 = tpu.matmul %mul3A_1490, %slice3A_1519, %dot_general3A_1520 {dimension_numbers = #tpu.dot_dimension_numbers<[1], [0], [0], [1], [0, 0, 1, 1], [], []>, transpose_lhs_hint = false} : vector<40x32xf32>, vector<32x96xf32>, vector<40x96xf32> -> vector<40x96xf32>
    %slice3A_1522 = vector.extract_strided_slice %get3A_121 {offsets = [32, 0], sizes = [32, 96], strides = [1, 1]} : vector<96x96xf32> to vector<32x96xf32>
    %dot_general3A_1523 = arith.constant dense<0.000000e+00> : vector<40x96xf32>
    %dot_general3A_1524 = tpu.matmul %mul3A_1490, %slice3A_1522, %dot_general3A_1523 {dimension_numbers = #tpu.dot_dimension_numbers<[1], [0], [0], [1], [0, 0, 1, 1], [], []>, transpose_lhs_hint = false} : vector<40x32xf32>, vector<32x96xf32>, vector<40x96xf32> -> vector<40x96xf32>
    %concatenate3A_1525 = tpu.concatenate %dot_general3A_1521, %dot_general3A_1524 in 0 : vector<40x96xf32>, vector<40x96xf32> -> vector<80x96xf32>
    %dot_general3A_1526 = arith.constant dense<0.000000e+00> : vector<800x96xf32>
    %dot_general3A_1527 = tpu.matmul %slice3A_396, %concatenate3A_1525, %dot_general3A_1526 {dimension_numbers = #tpu.dot_dimension_numbers<[0], [0], [1], [1], [0, 1, 1, 1], [], []>, transpose_lhs_hint = false} : vector<80x800xf32>, vector<80x96xf32>, vector<800x96xf32> -> vector<800x96xf32>
    %slice3A_1528 = vector.extract_strided_slice %get3A_121 {offsets = [64, 0], sizes = [32, 96], strides = [1, 1]} : vector<96x96xf32> to vector<32x96xf32>
    %dot_general3A_1529 = arith.constant dense<0.000000e+00> : vector<800x96xf32>
    %dot_general3A_1530 = tpu.matmul %mul3A_1118, %slice3A_1528, %dot_general3A_1529 {dimension_numbers = #tpu.dot_dimension_numbers<[1], [0], [0], [1], [0, 0, 1, 1], [], []>, transpose_lhs_hint = false} : vector<800x32xf32>, vector<32x96xf32>, vector<800x96xf32> -> vector<800x96xf32>
    %add3A_1531 = arith.addf %dot_general3A_1527, %dot_general3A_1530 : vector<800x96xf32>
    %mul3A_1532 = arith.mulf %add3A_1505, %add3A_1505 : vector<800x96xf32>
    %mul3A_1533 = arith.mulf %add3A_1518, %add3A_1518 : vector<800x96xf32>
    %add3A_1534 = arith.addf %mul3A_1532, %mul3A_1533 : vector<800x96xf32>
    %mul3A_1535 = arith.mulf %add3A_1531, %add3A_1531 : vector<800x96xf32>
    %add3A_1536 = arith.addf %add3A_1534, %mul3A_1535 : vector<800x96xf32>
    %add3A_1537 = arith.constant 9.99999993E-9 : f32
    %add3A_1538 = vector.broadcast %add3A_1537 : f32 to vector<800x96xf32>
    %add3A_1539 = arith.addf %add3A_1536, %add3A_1538 : vector<800x96xf32>
    %sqrt3A_1540 = math.sqrt %add3A_1539 : vector<800x96xf32>
    %slice3A_1541 = vector.extract_strided_slice %get3A_124 {offsets = [0, 0], sizes = [32, 32], strides = [1, 1]} : vector<192x32xf32> to vector<32x32xf32>
    %dot_general3A_1542 = arith.constant dense<0.000000e+00> : vector<40x32xf32>
    %dot_general3A_1543 = tpu.matmul %mul3A_1492, %slice3A_1541, %dot_general3A_1542 {dimension_numbers = #tpu.dot_dimension_numbers<[1], [0], [0], [1], [0, 0, 1, 1], [], []>, transpose_lhs_hint = false} : vector<40x32xf32>, vector<32x32xf32>, vector<40x32xf32> -> vector<40x32xf32>
    %slice3A_1544 = vector.extract_strided_slice %get3A_124 {offsets = [32, 0], sizes = [32, 32], strides = [1, 1]} : vector<192x32xf32> to vector<32x32xf32>
    %dot_general3A_1545 = arith.constant dense<0.000000e+00> : vector<40x32xf32>
    %dot_general3A_1546 = tpu.matmul %mul3A_1492, %slice3A_1544, %dot_general3A_1545 {dimension_numbers = #tpu.dot_dimension_numbers<[1], [0], [0], [1], [0, 0, 1, 1], [], []>, transpose_lhs_hint = false} : vector<40x32xf32>, vector<32x32xf32>, vector<40x32xf32> -> vector<40x32xf32>
    %concatenate3A_1547 = tpu.concatenate %dot_general3A_1543, %dot_general3A_1546 in 0 : vector<40x32xf32>, vector<40x32xf32> -> vector<80x32xf32>
    %dot_general3A_1548 = arith.constant dense<0.000000e+00> : vector<800x32xf32>
    %dot_general3A_1549 = tpu.matmul %slice3A_396, %concatenate3A_1547, %dot_general3A_1548 {dimension_numbers = #tpu.dot_dimension_numbers<[0], [0], [1], [1], [0, 1, 1, 1], [], []>, transpose_lhs_hint = false} : vector<80x800xf32>, vector<80x32xf32>, vector<800x32xf32> -> vector<800x32xf32>
    %slice3A_1550 = vector.extract_strided_slice %get3A_124 {offsets = [64, 0], sizes = [32, 32], strides = [1, 1]} : vector<192x32xf32> to vector<32x32xf32>
    %dot_general3A_1551 = arith.constant dense<0.000000e+00> : vector<800x32xf32>
    %dot_general3A_1552 = tpu.matmul %mul3A_1120, %slice3A_1550, %dot_general3A_1551 {dimension_numbers = #tpu.dot_dimension_numbers<[1], [0], [0], [1], [0, 0, 1, 1], [], []>, transpose_lhs_hint = false} : vector<800x32xf32>, vector<32x32xf32>, vector<800x32xf32> -> vector<800x32xf32>
    %add3A_1553 = arith.addf %dot_general3A_1549, %dot_general3A_1552 : vector<800x32xf32>
    %slice3A_1554 = vector.extract_strided_slice %get3A_124 {offsets = [96, 0], sizes = [96, 32], strides = [1, 1]} : vector<192x32xf32> to vector<96x32xf32>
    %dot_general3A_1555 = arith.constant dense<0.000000e+00> : vector<800x32xf32>
    %dot_general3A_1556 = tpu.matmul %sqrt3A_1540, %slice3A_1554, %dot_general3A_1555 {dimension_numbers = #tpu.dot_dimension_numbers<[1], [0], [0], [1], [0, 0, 1, 1], [], []>, transpose_lhs_hint = false} : vector<800x96xf32>, vector<96x32xf32>, vector<800x32xf32> -> vector<800x32xf32>
    %add3A_1557 = arith.addf %add3A_1553, %dot_general3A_1556 : vector<800x32xf32>
    %add3A_1558 = vector.broadcast %get3A_130 : vector<1x32xf32> to vector<800x32xf32>
    %add3A_1559 = arith.addf %add3A_1557, %add3A_1558 : vector<800x32xf32>
    %max3A_1560 = arith.constant 0.000000e+00 : f32
    %max3A_1561 = vector.broadcast %max3A_1560 : f32 to vector<800x32xf32>
    %max3A_1562 = arith.maximumf %add3A_1559, %max3A_1561 : vector<800x32xf32>
    %dot_general3A_1563 = arith.constant dense<0.000000e+00> : vector<800x32xf32>
    %dot_general3A_1564 = tpu.matmul %add3A_1505, %get3A_127, %dot_general3A_1563 {dimension_numbers = #tpu.dot_dimension_numbers<[1], [0], [0], [1], [0, 0, 1, 1], [], []>, transpose_lhs_hint = false} : vector<800x96xf32>, vector<96x32xf32>, vector<800x32xf32> -> vector<800x32xf32>
    %dot_general3A_1565 = arith.constant dense<0.000000e+00> : vector<800x32xf32>
    %dot_general3A_1566 = tpu.matmul %add3A_1518, %get3A_127, %dot_general3A_1565 {dimension_numbers = #tpu.dot_dimension_numbers<[1], [0], [0], [1], [0, 0, 1, 1], [], []>, transpose_lhs_hint = false} : vector<800x96xf32>, vector<96x32xf32>, vector<800x32xf32> -> vector<800x32xf32>
    %dot_general3A_1567 = arith.constant dense<0.000000e+00> : vector<800x32xf32>
    %dot_general3A_1568 = tpu.matmul %add3A_1531, %get3A_127, %dot_general3A_1567 {dimension_numbers = #tpu.dot_dimension_numbers<[1], [0], [0], [1], [0, 0, 1, 1], [], []>, transpose_lhs_hint = false} : vector<800x96xf32>, vector<96x32xf32>, vector<800x32xf32> -> vector<800x32xf32>
    %mul3A_1569 = arith.mulf %dot_general3A_1564, %dot_general3A_1564 : vector<800x32xf32>
    %mul3A_1570 = arith.mulf %dot_general3A_1566, %dot_general3A_1566 : vector<800x32xf32>
    %add3A_1571 = arith.addf %mul3A_1569, %mul3A_1570 : vector<800x32xf32>
    %mul3A_1572 = arith.mulf %dot_general3A_1568, %dot_general3A_1568 : vector<800x32xf32>
    %add3A_1573 = arith.addf %add3A_1571, %mul3A_1572 : vector<800x32xf32>
    %add3A_1574 = arith.constant 9.99999993E-9 : f32
    %add3A_1575 = vector.broadcast %add3A_1574 : f32 to vector<800x32xf32>
    %add3A_1576 = arith.addf %add3A_1573, %add3A_1575 : vector<800x32xf32>
    %sqrt3A_1577 = math.sqrt %add3A_1576 : vector<800x32xf32>
    %logistic3A_1578 = arith.negf %sqrt3A_1577 : vector<800x32xf32>
    %logistic3A_1579 = math.exp %logistic3A_1578 : vector<800x32xf32>
    %logistic3A_1580 = arith.constant 1.000000e+00 : f32
    %logistic3A_1581 = vector.broadcast %logistic3A_1580 : f32 to vector<800x32xf32>
    %logistic3A_1582 = arith.addf %logistic3A_1581, %logistic3A_1579 : vector<800x32xf32>
    %logistic3A_1583 = arith.divf %logistic3A_1581, %logistic3A_1582 : vector<800x32xf32>
    %mul3A_1584 = arith.mulf %dot_general3A_1564, %logistic3A_1583 : vector<800x32xf32>
    %mul3A_1585 = arith.mulf %dot_general3A_1566, %logistic3A_1583 : vector<800x32xf32>
    %mul3A_1586 = arith.mulf %dot_general3A_1568, %logistic3A_1583 : vector<800x32xf32>
    %dot_general3A_1587 = arith.constant dense<0.000000e+00> : vector<800x32xf32>
    %dot_general3A_1588 = tpu.matmul %mul3A_1584, %get3A_133, %dot_general3A_1587 {dimension_numbers = #tpu.dot_dimension_numbers<[1], [0], [0], [1], [0, 0, 1, 1], [], []>, transpose_lhs_hint = false} : vector<800x32xf32>, vector<32x32xf32>, vector<800x32xf32> -> vector<800x32xf32>
    %dot_general3A_1589 = arith.constant dense<0.000000e+00> : vector<800x32xf32>
    %dot_general3A_1590 = tpu.matmul %mul3A_1585, %get3A_133, %dot_general3A_1589 {dimension_numbers = #tpu.dot_dimension_numbers<[1], [0], [0], [1], [0, 0, 1, 1], [], []>, transpose_lhs_hint = false} : vector<800x32xf32>, vector<32x32xf32>, vector<800x32xf32> -> vector<800x32xf32>
    %dot_general3A_1591 = arith.constant dense<0.000000e+00> : vector<800x32xf32>
    %dot_general3A_1592 = tpu.matmul %mul3A_1586, %get3A_133, %dot_general3A_1591 {dimension_numbers = #tpu.dot_dimension_numbers<[1], [0], [0], [1], [0, 0, 1, 1], [], []>, transpose_lhs_hint = false} : vector<800x32xf32>, vector<32x32xf32>, vector<800x32xf32> -> vector<800x32xf32>
    %mul3A_1593 = arith.mulf %dot_general3A_1588, %dot_general3A_1588 : vector<800x32xf32>
    %mul3A_1594 = arith.mulf %dot_general3A_1590, %dot_general3A_1590 : vector<800x32xf32>
    %add3A_1595 = arith.addf %mul3A_1593, %mul3A_1594 : vector<800x32xf32>
    %mul3A_1596 = arith.mulf %dot_general3A_1592, %dot_general3A_1592 : vector<800x32xf32>
    %add3A_1597 = arith.addf %add3A_1595, %mul3A_1596 : vector<800x32xf32>
    %add3A_1598 = arith.constant 9.99999993E-9 : f32
    %add3A_1599 = vector.broadcast %add3A_1598 : f32 to vector<800x32xf32>
    %add3A_1600 = arith.addf %add3A_1597, %add3A_1599 : vector<800x32xf32>
    %sqrt3A_1601 = math.sqrt %add3A_1600 : vector<800x32xf32>
    %concatenate3A_1602 = tpu.concatenate %max3A_1562, %sqrt3A_1601 in 1 : vector<800x32xf32>, vector<800x32xf32> -> vector<800x64xf32>
    %dot_general3A_1603 = arith.constant dense<0.000000e+00> : vector<800x32xf32>
    %dot_general3A_1604 = tpu.matmul %concatenate3A_1602, %get3A_136, %dot_general3A_1603 {dimension_numbers = #tpu.dot_dimension_numbers<[1], [0], [0], [1], [0, 0, 1, 1], [], []>, transpose_lhs_hint = false} : vector<800x64xf32>, vector<64x32xf32>, vector<800x32xf32> -> vector<800x32xf32>
    %add3A_1605 = vector.broadcast %get3A_142 : vector<1x32xf32> to vector<800x32xf32>
    %add3A_1606 = arith.addf %dot_general3A_1604, %add3A_1605 : vector<800x32xf32>
    %max3A_1607 = arith.constant 0.000000e+00 : f32
    %max3A_1608 = vector.broadcast %max3A_1607 : f32 to vector<800x32xf32>
    %max3A_1609 = arith.maximumf %add3A_1606, %max3A_1608 : vector<800x32xf32>
    %dot_general3A_1610 = arith.constant dense<0.000000e+00> : vector<800x32xf32>
    %dot_general3A_1611 = tpu.matmul %dot_general3A_1588, %get3A_139, %dot_general3A_1610 {dimension_numbers = #tpu.dot_dimension_numbers<[1], [0], [0], [1], [0, 0, 1, 1], [], []>, transpose_lhs_hint = false} : vector<800x32xf32>, vector<32x32xf32>, vector<800x32xf32> -> vector<800x32xf32>
    %dot_general3A_1612 = arith.constant dense<0.000000e+00> : vector<800x32xf32>
    %dot_general3A_1613 = tpu.matmul %dot_general3A_1590, %get3A_139, %dot_general3A_1612 {dimension_numbers = #tpu.dot_dimension_numbers<[1], [0], [0], [1], [0, 0, 1, 1], [], []>, transpose_lhs_hint = false} : vector<800x32xf32>, vector<32x32xf32>, vector<800x32xf32> -> vector<800x32xf32>
    %dot_general3A_1614 = arith.constant dense<0.000000e+00> : vector<800x32xf32>
    %dot_general3A_1615 = tpu.matmul %dot_general3A_1592, %get3A_139, %dot_general3A_1614 {dimension_numbers = #tpu.dot_dimension_numbers<[1], [0], [0], [1], [0, 0, 1, 1], [], []>, transpose_lhs_hint = false} : vector<800x32xf32>, vector<32x32xf32>, vector<800x32xf32> -> vector<800x32xf32>
    %mul3A_1616 = arith.mulf %dot_general3A_1611, %dot_general3A_1611 : vector<800x32xf32>
    %mul3A_1617 = arith.mulf %dot_general3A_1613, %dot_general3A_1613 : vector<800x32xf32>
    %add3A_1618 = arith.addf %mul3A_1616, %mul3A_1617 : vector<800x32xf32>
    %mul3A_1619 = arith.mulf %dot_general3A_1615, %dot_general3A_1615 : vector<800x32xf32>
    %add3A_1620 = arith.addf %add3A_1618, %mul3A_1619 : vector<800x32xf32>
    %add3A_1621 = arith.constant 9.99999993E-9 : f32
    %add3A_1622 = vector.broadcast %add3A_1621 : f32 to vector<800x32xf32>
    %add3A_1623 = arith.addf %add3A_1620, %add3A_1622 : vector<800x32xf32>
    %sqrt3A_1624 = math.sqrt %add3A_1623 : vector<800x32xf32>
    %logistic3A_1625 = arith.negf %sqrt3A_1624 : vector<800x32xf32>
    %logistic3A_1626 = math.exp %logistic3A_1625 : vector<800x32xf32>
    %logistic3A_1627 = arith.constant 1.000000e+00 : f32
    %logistic3A_1628 = vector.broadcast %logistic3A_1627 : f32 to vector<800x32xf32>
    %logistic3A_1629 = arith.addf %logistic3A_1628, %logistic3A_1626 : vector<800x32xf32>
    %logistic3A_1630 = arith.divf %logistic3A_1628, %logistic3A_1629 : vector<800x32xf32>
    %mul3A_1631 = arith.mulf %dot_general3A_1611, %logistic3A_1630 : vector<800x32xf32>
    %mul3A_1632 = arith.mulf %dot_general3A_1613, %logistic3A_1630 : vector<800x32xf32>
    %mul3A_1633 = arith.mulf %dot_general3A_1615, %logistic3A_1630 : vector<800x32xf32>
    %dot_general3A_1634 = arith.constant dense<0.000000e+00> : vector<800x32xf32>
    %dot_general3A_1635 = tpu.matmul %mul3A_1631, %get3A_145, %dot_general3A_1634 {dimension_numbers = #tpu.dot_dimension_numbers<[1], [0], [0], [1], [0, 0, 1, 1], [], []>, transpose_lhs_hint = false} : vector<800x32xf32>, vector<32x32xf32>, vector<800x32xf32> -> vector<800x32xf32>
    %dot_general3A_1636 = arith.constant dense<0.000000e+00> : vector<800x32xf32>
    %dot_general3A_1637 = tpu.matmul %mul3A_1632, %get3A_145, %dot_general3A_1636 {dimension_numbers = #tpu.dot_dimension_numbers<[1], [0], [0], [1], [0, 0, 1, 1], [], []>, transpose_lhs_hint = false} : vector<800x32xf32>, vector<32x32xf32>, vector<800x32xf32> -> vector<800x32xf32>
    %dot_general3A_1638 = arith.constant dense<0.000000e+00> : vector<800x32xf32>
    %dot_general3A_1639 = tpu.matmul %mul3A_1633, %get3A_145, %dot_general3A_1638 {dimension_numbers = #tpu.dot_dimension_numbers<[1], [0], [0], [1], [0, 0, 1, 1], [], []>, transpose_lhs_hint = false} : vector<800x32xf32>, vector<32x32xf32>, vector<800x32xf32> -> vector<800x32xf32>
    %mul3A_1640 = arith.mulf %dot_general3A_1635, %dot_general3A_1635 : vector<800x32xf32>
    %mul3A_1641 = arith.mulf %dot_general3A_1637, %dot_general3A_1637 : vector<800x32xf32>
    %add3A_1642 = arith.addf %mul3A_1640, %mul3A_1641 : vector<800x32xf32>
    %mul3A_1643 = arith.mulf %dot_general3A_1639, %dot_general3A_1639 : vector<800x32xf32>
    %add3A_1644 = arith.addf %add3A_1642, %mul3A_1643 : vector<800x32xf32>
    %add3A_1645 = arith.constant 9.99999993E-9 : f32
    %add3A_1646 = vector.broadcast %add3A_1645 : f32 to vector<800x32xf32>
    %add3A_1647 = arith.addf %add3A_1644, %add3A_1646 : vector<800x32xf32>
    %sqrt3A_1648 = math.sqrt %add3A_1647 : vector<800x32xf32>
    %concatenate3A_1649 = tpu.concatenate %max3A_1609, %sqrt3A_1648 in 1 : vector<800x32xf32>, vector<800x32xf32> -> vector<800x64xf32>
    %dot_general3A_1650 = arith.constant dense<0.000000e+00> : vector<800x32xf32>
    %dot_general3A_1651 = tpu.matmul %concatenate3A_1649, %get3A_148, %dot_general3A_1650 {dimension_numbers = #tpu.dot_dimension_numbers<[1], [0], [0], [1], [0, 0, 1, 1], [], []>, transpose_lhs_hint = false} : vector<800x64xf32>, vector<64x32xf32>, vector<800x32xf32> -> vector<800x32xf32>
    %add3A_1652 = vector.broadcast %get3A_154 : vector<1x32xf32> to vector<800x32xf32>
    %add3A_1653 = arith.addf %dot_general3A_1651, %add3A_1652 : vector<800x32xf32>
    %dot_general3A_1654 = arith.constant dense<0.000000e+00> : vector<800x32xf32>
    %dot_general3A_1655 = tpu.matmul %dot_general3A_1635, %get3A_151, %dot_general3A_1654 {dimension_numbers = #tpu.dot_dimension_numbers<[1], [0], [0], [1], [0, 0, 1, 1], [], []>, transpose_lhs_hint = false} : vector<800x32xf32>, vector<32x32xf32>, vector<800x32xf32> -> vector<800x32xf32>
    %dot_general3A_1656 = arith.constant dense<0.000000e+00> : vector<800x32xf32>
    %dot_general3A_1657 = tpu.matmul %dot_general3A_1637, %get3A_151, %dot_general3A_1656 {dimension_numbers = #tpu.dot_dimension_numbers<[1], [0], [0], [1], [0, 0, 1, 1], [], []>, transpose_lhs_hint = false} : vector<800x32xf32>, vector<32x32xf32>, vector<800x32xf32> -> vector<800x32xf32>
    %dot_general3A_1658 = arith.constant dense<0.000000e+00> : vector<800x32xf32>
    %dot_general3A_1659 = tpu.matmul %dot_general3A_1639, %get3A_151, %dot_general3A_1658 {dimension_numbers = #tpu.dot_dimension_numbers<[1], [0], [0], [1], [0, 0, 1, 1], [], []>, transpose_lhs_hint = false} : vector<800x32xf32>, vector<32x32xf32>, vector<800x32xf32> -> vector<800x32xf32>
    %mul3A_1660 = vector.broadcast %mul3A_394 : vector<800x1xf32> to vector<800x32xf32>
    %mul3A_1661 = arith.mulf %dot_general3A_1655, %mul3A_1660 : vector<800x32xf32>
    %add3A_1662 = arith.addf %mul3A_1114, %mul3A_1661 : vector<800x32xf32>
    %mul3A_1663 = vector.broadcast %mul3A_394 : vector<800x1xf32> to vector<800x32xf32>
    %mul3A_1664 = arith.mulf %dot_general3A_1657, %mul3A_1663 : vector<800x32xf32>
    %add3A_1665 = arith.addf %mul3A_1116, %mul3A_1664 : vector<800x32xf32>
    %mul3A_1666 = vector.broadcast %mul3A_394 : vector<800x1xf32> to vector<800x32xf32>
    %mul3A_1667 = arith.mulf %dot_general3A_1659, %mul3A_1666 : vector<800x32xf32>
    %add3A_1668 = arith.addf %mul3A_1118, %mul3A_1667 : vector<800x32xf32>
    %mul3A_1669 = vector.broadcast %mul3A_394 : vector<800x1xf32> to vector<800x32xf32>
    %mul3A_1670 = arith.mulf %add3A_1653, %mul3A_1669 : vector<800x32xf32>
    %add3A_1671 = arith.addf %mul3A_1120, %mul3A_1670 : vector<800x32xf32>
    %mul3A_1672 = arith.mulf %add3A_1662, %add3A_1662 : vector<800x32xf32>
    %mul3A_1673 = arith.mulf %add3A_1665, %add3A_1665 : vector<800x32xf32>
    %add3A_1674 = arith.addf %mul3A_1672, %mul3A_1673 : vector<800x32xf32>
    %mul3A_1675 = arith.mulf %add3A_1668, %add3A_1668 : vector<800x32xf32>
    %add3A_1676 = arith.addf %add3A_1674, %mul3A_1675 : vector<800x32xf32>
    %reduce_sum3A_1677 = arith.constant dense<0.000000e+00> : vector<800xf32>
    %reduce_sum3A_1678 = vector.multi_reduction <add>, %add3A_1676, %reduce_sum3A_1677 [1] : vector<800x32xf32> to vector<800xf32>
    %broadcast_in_dim3A_1679 = vector.shape_cast %reduce_sum3A_1678 : vector<800xf32> to vector<800x1xf32>
    %div3A_1680 = arith.constant 3.200000e+01 : f32
    %div3A_1681 = vector.broadcast %div3A_1680 : f32 to vector<800x1xf32>
    %div3A_1682 = arith.divf %broadcast_in_dim3A_1679, %div3A_1681 : vector<800x1xf32>
    %add3A_1683 = arith.constant 9.99999993E-9 : f32
    %add3A_1684 = vector.broadcast %add3A_1683 : f32 to vector<800x1xf32>
    %add3A_1685 = arith.addf %div3A_1682, %add3A_1684 : vector<800x1xf32>
    %sqrt3A_1686 = math.sqrt %add3A_1685 : vector<800x1xf32>
    %div3A_1687 = vector.broadcast %sqrt3A_1686 : vector<800x1xf32> to vector<800x32xf32>
    %div3A_1688 = arith.divf %add3A_1662, %div3A_1687 : vector<800x32xf32>
    %div3A_1689 = vector.broadcast %sqrt3A_1686 : vector<800x1xf32> to vector<800x32xf32>
    %div3A_1690 = arith.divf %add3A_1665, %div3A_1689 : vector<800x32xf32>
    %div3A_1691 = vector.broadcast %sqrt3A_1686 : vector<800x1xf32> to vector<800x32xf32>
    %div3A_1692 = arith.divf %add3A_1668, %div3A_1691 : vector<800x32xf32>
    %reduce_sum3A_1693 = arith.constant dense<0.000000e+00> : vector<800xf32>
    %reduce_sum3A_1694 = vector.multi_reduction <add>, %add3A_1671, %reduce_sum3A_1693 [1] : vector<800x32xf32> to vector<800xf32>
    %broadcast_in_dim3A_1695 = vector.shape_cast %reduce_sum3A_1694 : vector<800xf32> to vector<800x1xf32>
    %div3A_1696 = arith.constant 3.200000e+01 : f32
    %div3A_1697 = vector.broadcast %div3A_1696 : f32 to vector<800x1xf32>
    %div3A_1698 = arith.divf %broadcast_in_dim3A_1695, %div3A_1697 : vector<800x1xf32>
    %sub3A_1699 = vector.broadcast %div3A_1698 : vector<800x1xf32> to vector<800x32xf32>
    %sub3A_1700 = arith.subf %add3A_1671, %sub3A_1699 : vector<800x32xf32>
    %sub3A_1701 = vector.broadcast %div3A_1698 : vector<800x1xf32> to vector<800x32xf32>
    %sub3A_1702 = arith.subf %add3A_1671, %sub3A_1701 : vector<800x32xf32>
    %mul3A_1703 = arith.mulf %sub3A_1700, %sub3A_1702 : vector<800x32xf32>
    %reduce_sum3A_1704 = arith.constant dense<0.000000e+00> : vector<800xf32>
    %reduce_sum3A_1705 = vector.multi_reduction <add>, %mul3A_1703, %reduce_sum3A_1704 [1] : vector<800x32xf32> to vector<800xf32>
    %broadcast_in_dim3A_1706 = vector.shape_cast %reduce_sum3A_1705 : vector<800xf32> to vector<800x1xf32>
    %div3A_1707 = arith.constant 3.200000e+01 : f32
    %div3A_1708 = vector.broadcast %div3A_1707 : f32 to vector<800x1xf32>
    %div3A_1709 = arith.divf %broadcast_in_dim3A_1706, %div3A_1708 : vector<800x1xf32>
    %sub3A_1710 = vector.broadcast %div3A_1698 : vector<800x1xf32> to vector<800x32xf32>
    %sub3A_1711 = arith.subf %add3A_1671, %sub3A_1710 : vector<800x32xf32>
    %add3A_1712 = arith.constant 9.99999993E-9 : f32
    %add3A_1713 = vector.broadcast %add3A_1712 : f32 to vector<800x1xf32>
    %add3A_1714 = arith.addf %div3A_1709, %add3A_1713 : vector<800x1xf32>
    %sqrt3A_1715 = math.sqrt %add3A_1714 : vector<800x1xf32>
    %div3A_1716 = vector.broadcast %sqrt3A_1715 : vector<800x1xf32> to vector<800x32xf32>
    %div3A_1717 = arith.divf %sub3A_1711, %div3A_1716 : vector<800x32xf32>
    %dot_general3A_1718 = arith.constant dense<0.000000e+00> : vector<800x32xf32>
    %dot_general3A_1719 = tpu.matmul %div3A_1688, %get3A_97, %dot_general3A_1718 {dimension_numbers = #tpu.dot_dimension_numbers<[1], [0], [0], [1], [0, 0, 1, 1], [], []>, transpose_lhs_hint = false} : vector<800x32xf32>, vector<32x32xf32>, vector<800x32xf32> -> vector<800x32xf32>
    %dot_general3A_1720 = arith.constant dense<0.000000e+00> : vector<800x32xf32>
    %dot_general3A_1721 = tpu.matmul %div3A_1690, %get3A_97, %dot_general3A_1720 {dimension_numbers = #tpu.dot_dimension_numbers<[1], [0], [0], [1], [0, 0, 1, 1], [], []>, transpose_lhs_hint = false} : vector<800x32xf32>, vector<32x32xf32>, vector<800x32xf32> -> vector<800x32xf32>
    %dot_general3A_1722 = arith.constant dense<0.000000e+00> : vector<800x32xf32>
    %dot_general3A_1723 = tpu.matmul %div3A_1692, %get3A_97, %dot_general3A_1722 {dimension_numbers = #tpu.dot_dimension_numbers<[1], [0], [0], [1], [0, 0, 1, 1], [], []>, transpose_lhs_hint = false} : vector<800x32xf32>, vector<32x32xf32>, vector<800x32xf32> -> vector<800x32xf32>
    %mul3A_1724 = arith.mulf %dot_general3A_1719, %dot_general3A_1719 : vector<800x32xf32>
    %mul3A_1725 = arith.mulf %dot_general3A_1721, %dot_general3A_1721 : vector<800x32xf32>
    %add3A_1726 = arith.addf %mul3A_1724, %mul3A_1725 : vector<800x32xf32>
    %mul3A_1727 = arith.mulf %dot_general3A_1723, %dot_general3A_1723 : vector<800x32xf32>
    %add3A_1728 = arith.addf %add3A_1726, %mul3A_1727 : vector<800x32xf32>
    %add3A_1729 = arith.constant 9.99999993E-9 : f32
    %add3A_1730 = vector.broadcast %add3A_1729 : f32 to vector<800x32xf32>
    %add3A_1731 = arith.addf %add3A_1728, %add3A_1730 : vector<800x32xf32>
    %sqrt3A_1732 = math.sqrt %add3A_1731 : vector<800x32xf32>
    %concatenate3A_1733 = tpu.concatenate %div3A_1717, %sqrt3A_1732 in 1 : vector<800x32xf32>, vector<800x32xf32> -> vector<800x64xf32>
    %dot_general3A_1734 = arith.constant dense<0.000000e+00> : vector<800x32xf32>
    %dot_general3A_1735 = tpu.matmul %concatenate3A_1733, %get3A_100, %dot_general3A_1734 {dimension_numbers = #tpu.dot_dimension_numbers<[1], [0], [0], [1], [0, 0, 1, 1], [], []>, transpose_lhs_hint = false} : vector<800x64xf32>, vector<64x32xf32>, vector<800x32xf32> -> vector<800x32xf32>
    %add3A_1736 = vector.broadcast %get3A_106 : vector<1x32xf32> to vector<800x32xf32>
    %add3A_1737 = arith.addf %dot_general3A_1735, %add3A_1736 : vector<800x32xf32>
    %max3A_1738 = arith.constant 0.000000e+00 : f32
    %max3A_1739 = vector.broadcast %max3A_1738 : f32 to vector<800x32xf32>
    %max3A_1740 = arith.maximumf %add3A_1737, %max3A_1739 : vector<800x32xf32>
    %dot_general3A_1741 = arith.constant dense<0.000000e+00> : vector<800x32xf32>
    %dot_general3A_1742 = tpu.matmul %dot_general3A_1719, %get3A_103, %dot_general3A_1741 {dimension_numbers = #tpu.dot_dimension_numbers<[1], [0], [0], [1], [0, 0, 1, 1], [], []>, transpose_lhs_hint = false} : vector<800x32xf32>, vector<32x32xf32>, vector<800x32xf32> -> vector<800x32xf32>
    %dot_general3A_1743 = arith.constant dense<0.000000e+00> : vector<800x32xf32>
    %dot_general3A_1744 = tpu.matmul %dot_general3A_1721, %get3A_103, %dot_general3A_1743 {dimension_numbers = #tpu.dot_dimension_numbers<[1], [0], [0], [1], [0, 0, 1, 1], [], []>, transpose_lhs_hint = false} : vector<800x32xf32>, vector<32x32xf32>, vector<800x32xf32> -> vector<800x32xf32>
    %dot_general3A_1745 = arith.constant dense<0.000000e+00> : vector<800x32xf32>
    %dot_general3A_1746 = tpu.matmul %dot_general3A_1723, %get3A_103, %dot_general3A_1745 {dimension_numbers = #tpu.dot_dimension_numbers<[1], [0], [0], [1], [0, 0, 1, 1], [], []>, transpose_lhs_hint = false} : vector<800x32xf32>, vector<32x32xf32>, vector<800x32xf32> -> vector<800x32xf32>
    %mul3A_1747 = arith.mulf %dot_general3A_1742, %dot_general3A_1742 : vector<800x32xf32>
    %mul3A_1748 = arith.mulf %dot_general3A_1744, %dot_general3A_1744 : vector<800x32xf32>
    %add3A_1749 = arith.addf %mul3A_1747, %mul3A_1748 : vector<800x32xf32>
    %mul3A_1750 = arith.mulf %dot_general3A_1746, %dot_general3A_1746 : vector<800x32xf32>
    %add3A_1751 = arith.addf %add3A_1749, %mul3A_1750 : vector<800x32xf32>
    %add3A_1752 = arith.constant 9.99999993E-9 : f32
    %add3A_1753 = vector.broadcast %add3A_1752 : f32 to vector<800x32xf32>
    %add3A_1754 = arith.addf %add3A_1751, %add3A_1753 : vector<800x32xf32>
    %sqrt3A_1755 = math.sqrt %add3A_1754 : vector<800x32xf32>
    %logistic3A_1756 = arith.negf %sqrt3A_1755 : vector<800x32xf32>
    %logistic3A_1757 = math.exp %logistic3A_1756 : vector<800x32xf32>
    %logistic3A_1758 = arith.constant 1.000000e+00 : f32
    %logistic3A_1759 = vector.broadcast %logistic3A_1758 : f32 to vector<800x32xf32>
    %logistic3A_1760 = arith.addf %logistic3A_1759, %logistic3A_1757 : vector<800x32xf32>
    %logistic3A_1761 = arith.divf %logistic3A_1759, %logistic3A_1760 : vector<800x32xf32>
    %mul3A_1762 = arith.mulf %dot_general3A_1742, %logistic3A_1761 : vector<800x32xf32>
    %mul3A_1763 = arith.mulf %dot_general3A_1744, %logistic3A_1761 : vector<800x32xf32>
    %mul3A_1764 = arith.mulf %dot_general3A_1746, %logistic3A_1761 : vector<800x32xf32>
    %dot_general3A_1765 = arith.constant dense<0.000000e+00> : vector<800x32xf32>
    %dot_general3A_1766 = tpu.matmul %mul3A_1762, %get3A_109, %dot_general3A_1765 {dimension_numbers = #tpu.dot_dimension_numbers<[1], [0], [0], [1], [0, 0, 1, 1], [], []>, transpose_lhs_hint = false} : vector<800x32xf32>, vector<32x32xf32>, vector<800x32xf32> -> vector<800x32xf32>
    %dot_general3A_1767 = arith.constant dense<0.000000e+00> : vector<800x32xf32>
    %dot_general3A_1768 = tpu.matmul %mul3A_1763, %get3A_109, %dot_general3A_1767 {dimension_numbers = #tpu.dot_dimension_numbers<[1], [0], [0], [1], [0, 0, 1, 1], [], []>, transpose_lhs_hint = false} : vector<800x32xf32>, vector<32x32xf32>, vector<800x32xf32> -> vector<800x32xf32>
    %dot_general3A_1769 = arith.constant dense<0.000000e+00> : vector<800x32xf32>
    %dot_general3A_1770 = tpu.matmul %mul3A_1764, %get3A_109, %dot_general3A_1769 {dimension_numbers = #tpu.dot_dimension_numbers<[1], [0], [0], [1], [0, 0, 1, 1], [], []>, transpose_lhs_hint = false} : vector<800x32xf32>, vector<32x32xf32>, vector<800x32xf32> -> vector<800x32xf32>
    %mul3A_1771 = arith.mulf %dot_general3A_1766, %dot_general3A_1766 : vector<800x32xf32>
    %mul3A_1772 = arith.mulf %dot_general3A_1768, %dot_general3A_1768 : vector<800x32xf32>
    %add3A_1773 = arith.addf %mul3A_1771, %mul3A_1772 : vector<800x32xf32>
    %mul3A_1774 = arith.mulf %dot_general3A_1770, %dot_general3A_1770 : vector<800x32xf32>
    %add3A_1775 = arith.addf %add3A_1773, %mul3A_1774 : vector<800x32xf32>
    %add3A_1776 = arith.constant 9.99999993E-9 : f32
    %add3A_1777 = vector.broadcast %add3A_1776 : f32 to vector<800x32xf32>
    %add3A_1778 = arith.addf %add3A_1775, %add3A_1777 : vector<800x32xf32>
    %sqrt3A_1779 = math.sqrt %add3A_1778 : vector<800x32xf32>
    %concatenate3A_1780 = tpu.concatenate %max3A_1740, %sqrt3A_1779 in 1 : vector<800x32xf32>, vector<800x32xf32> -> vector<800x64xf32>
    %dot_general3A_1781 = arith.constant dense<0.000000e+00> : vector<800x32xf32>
    %dot_general3A_1782 = tpu.matmul %concatenate3A_1780, %get3A_112, %dot_general3A_1781 {dimension_numbers = #tpu.dot_dimension_numbers<[1], [0], [0], [1], [0, 0, 1, 1], [], []>, transpose_lhs_hint = false} : vector<800x64xf32>, vector<64x32xf32>, vector<800x32xf32> -> vector<800x32xf32>
    %add3A_1783 = vector.broadcast %get3A_118 : vector<1x32xf32> to vector<800x32xf32>
    %add3A_1784 = arith.addf %dot_general3A_1782, %add3A_1783 : vector<800x32xf32>
    %dot_general3A_1785 = arith.constant dense<0.000000e+00> : vector<800x32xf32>
    %dot_general3A_1786 = tpu.matmul %dot_general3A_1766, %get3A_115, %dot_general3A_1785 {dimension_numbers = #tpu.dot_dimension_numbers<[1], [0], [0], [1], [0, 0, 1, 1], [], []>, transpose_lhs_hint = false} : vector<800x32xf32>, vector<32x32xf32>, vector<800x32xf32> -> vector<800x32xf32>
    %dot_general3A_1787 = arith.constant dense<0.000000e+00> : vector<800x32xf32>
    %dot_general3A_1788 = tpu.matmul %dot_general3A_1768, %get3A_115, %dot_general3A_1787 {dimension_numbers = #tpu.dot_dimension_numbers<[1], [0], [0], [1], [0, 0, 1, 1], [], []>, transpose_lhs_hint = false} : vector<800x32xf32>, vector<32x32xf32>, vector<800x32xf32> -> vector<800x32xf32>
    %dot_general3A_1789 = arith.constant dense<0.000000e+00> : vector<800x32xf32>
    %dot_general3A_1790 = tpu.matmul %dot_general3A_1770, %get3A_115, %dot_general3A_1789 {dimension_numbers = #tpu.dot_dimension_numbers<[1], [0], [0], [1], [0, 0, 1, 1], [], []>, transpose_lhs_hint = false} : vector<800x32xf32>, vector<32x32xf32>, vector<800x32xf32> -> vector<800x32xf32>
    %add3A_1791 = arith.addf %div3A_1688, %dot_general3A_1786 : vector<800x32xf32>
    %add3A_1792 = arith.addf %div3A_1690, %dot_general3A_1788 : vector<800x32xf32>
    %add3A_1793 = arith.addf %div3A_1692, %dot_general3A_1790 : vector<800x32xf32>
    %add3A_1794 = arith.addf %div3A_1717, %add3A_1784 : vector<800x32xf32>
    %mul3A_1795 = arith.mulf %add3A_1791, %add3A_1791 : vector<800x32xf32>
    %mul3A_1796 = arith.mulf %add3A_1792, %add3A_1792 : vector<800x32xf32>
    %add3A_1797 = arith.addf %mul3A_1795, %mul3A_1796 : vector<800x32xf32>
    %mul3A_1798 = arith.mulf %add3A_1793, %add3A_1793 : vector<800x32xf32>
    %add3A_1799 = arith.addf %add3A_1797, %mul3A_1798 : vector<800x32xf32>
    %reduce_sum3A_1800 = arith.constant dense<0.000000e+00> : vector<800xf32>
    %reduce_sum3A_1801 = vector.multi_reduction <add>, %add3A_1799, %reduce_sum3A_1800 [1] : vector<800x32xf32> to vector<800xf32>
    %broadcast_in_dim3A_1802 = vector.shape_cast %reduce_sum3A_1801 : vector<800xf32> to vector<800x1xf32>
    %div3A_1803 = arith.constant 3.200000e+01 : f32
    %div3A_1804 = vector.broadcast %div3A_1803 : f32 to vector<800x1xf32>
    %div3A_1805 = arith.divf %broadcast_in_dim3A_1802, %div3A_1804 : vector<800x1xf32>
    %add3A_1806 = arith.constant 9.99999993E-9 : f32
    %add3A_1807 = vector.broadcast %add3A_1806 : f32 to vector<800x1xf32>
    %add3A_1808 = arith.addf %div3A_1805, %add3A_1807 : vector<800x1xf32>
    %sqrt3A_1809 = math.sqrt %add3A_1808 : vector<800x1xf32>
    %div3A_1810 = vector.broadcast %sqrt3A_1809 : vector<800x1xf32> to vector<800x32xf32>
    %div3A_1811 = arith.divf %add3A_1791, %div3A_1810 : vector<800x32xf32>
    %div3A_1812 = vector.broadcast %sqrt3A_1809 : vector<800x1xf32> to vector<800x32xf32>
    %div3A_1813 = arith.divf %add3A_1792, %div3A_1812 : vector<800x32xf32>
    %div3A_1814 = vector.broadcast %sqrt3A_1809 : vector<800x1xf32> to vector<800x32xf32>
    %div3A_1815 = arith.divf %add3A_1793, %div3A_1814 : vector<800x32xf32>
    %reduce_sum3A_1816 = arith.constant dense<0.000000e+00> : vector<800xf32>
    %reduce_sum3A_1817 = vector.multi_reduction <add>, %add3A_1794, %reduce_sum3A_1816 [1] : vector<800x32xf32> to vector<800xf32>
    %broadcast_in_dim3A_1818 = vector.shape_cast %reduce_sum3A_1817 : vector<800xf32> to vector<800x1xf32>
    %div3A_1819 = arith.constant 3.200000e+01 : f32
    %div3A_1820 = vector.broadcast %div3A_1819 : f32 to vector<800x1xf32>
    %div3A_1821 = arith.divf %broadcast_in_dim3A_1818, %div3A_1820 : vector<800x1xf32>
    %sub3A_1822 = vector.broadcast %div3A_1821 : vector<800x1xf32> to vector<800x32xf32>
    %sub3A_1823 = arith.subf %add3A_1794, %sub3A_1822 : vector<800x32xf32>
    %sub3A_1824 = vector.broadcast %div3A_1821 : vector<800x1xf32> to vector<800x32xf32>
    %sub3A_1825 = arith.subf %add3A_1794, %sub3A_1824 : vector<800x32xf32>
    %mul3A_1826 = arith.mulf %sub3A_1823, %sub3A_1825 : vector<800x32xf32>
    %reduce_sum3A_1827 = arith.constant dense<0.000000e+00> : vector<800xf32>
    %reduce_sum3A_1828 = vector.multi_reduction <add>, %mul3A_1826, %reduce_sum3A_1827 [1] : vector<800x32xf32> to vector<800xf32>
    %broadcast_in_dim3A_1829 = vector.shape_cast %reduce_sum3A_1828 : vector<800xf32> to vector<800x1xf32>
    %div3A_1830 = arith.constant 3.200000e+01 : f32
    %div3A_1831 = vector.broadcast %div3A_1830 : f32 to vector<800x1xf32>
    %div3A_1832 = arith.divf %broadcast_in_dim3A_1829, %div3A_1831 : vector<800x1xf32>
    %sub3A_1833 = vector.broadcast %div3A_1821 : vector<800x1xf32> to vector<800x32xf32>
    %sub3A_1834 = arith.subf %add3A_1794, %sub3A_1833 : vector<800x32xf32>
    %add3A_1835 = arith.constant 9.99999993E-9 : f32
    %add3A_1836 = vector.broadcast %add3A_1835 : f32 to vector<800x1xf32>
    %add3A_1837 = arith.addf %div3A_1832, %add3A_1836 : vector<800x1xf32>
    %sqrt3A_1838 = math.sqrt %add3A_1837 : vector<800x1xf32>
    %div3A_1839 = vector.broadcast %sqrt3A_1838 : vector<800x1xf32> to vector<800x32xf32>
    %div3A_1840 = arith.divf %sub3A_1834, %div3A_1839 : vector<800x32xf32>
    %mul3A_1841 = vector.broadcast %mul3A_394 : vector<800x1xf32> to vector<800x32xf32>
    %mul3A_1842 = arith.mulf %div3A_1811, %mul3A_1841 : vector<800x32xf32>
    %mul3A_1843 = vector.broadcast %mul3A_394 : vector<800x1xf32> to vector<800x32xf32>
    %mul3A_1844 = arith.mulf %div3A_1813, %mul3A_1843 : vector<800x32xf32>
    %mul3A_1845 = vector.broadcast %mul3A_394 : vector<800x1xf32> to vector<800x32xf32>
    %mul3A_1846 = arith.mulf %div3A_1815, %mul3A_1845 : vector<800x32xf32>
    %mul3A_1847 = vector.broadcast %mul3A_394 : vector<800x1xf32> to vector<800x32xf32>
    %mul3A_1848 = arith.mulf %div3A_1840, %mul3A_1847 : vector<800x32xf32>
    %dot_general3A_1849 = arith.constant dense<0.000000e+00> : vector<800x32xf32>
    %dot_general3A_1850 = tpu.matmul %mul3A_1842, %get3A_13, %dot_general3A_1849 {dimension_numbers = #tpu.dot_dimension_numbers<[1], [0], [0], [1], [0, 0, 1, 1], [], []>, transpose_lhs_hint = false} : vector<800x32xf32>, vector<32x32xf32>, vector<800x32xf32> -> vector<800x32xf32>
    %dot_general3A_1851 = arith.constant dense<0.000000e+00> : vector<800x32xf32>
    %dot_general3A_1852 = tpu.matmul %mul3A_1844, %get3A_13, %dot_general3A_1851 {dimension_numbers = #tpu.dot_dimension_numbers<[1], [0], [0], [1], [0, 0, 1, 1], [], []>, transpose_lhs_hint = false} : vector<800x32xf32>, vector<32x32xf32>, vector<800x32xf32> -> vector<800x32xf32>
    %dot_general3A_1853 = arith.constant dense<0.000000e+00> : vector<800x32xf32>
    %dot_general3A_1854 = tpu.matmul %mul3A_1846, %get3A_13, %dot_general3A_1853 {dimension_numbers = #tpu.dot_dimension_numbers<[1], [0], [0], [1], [0, 0, 1, 1], [], []>, transpose_lhs_hint = false} : vector<800x32xf32>, vector<32x32xf32>, vector<800x32xf32> -> vector<800x32xf32>
    %mul3A_1855 = arith.mulf %dot_general3A_1850, %dot_general3A_1850 : vector<800x32xf32>
    %mul3A_1856 = arith.mulf %dot_general3A_1852, %dot_general3A_1852 : vector<800x32xf32>
    %add3A_1857 = arith.addf %mul3A_1855, %mul3A_1856 : vector<800x32xf32>
    %mul3A_1858 = arith.mulf %dot_general3A_1854, %dot_general3A_1854 : vector<800x32xf32>
    %add3A_1859 = arith.addf %add3A_1857, %mul3A_1858 : vector<800x32xf32>
    %add3A_1860 = arith.constant 9.99999993E-9 : f32
    %add3A_1861 = vector.broadcast %add3A_1860 : f32 to vector<800x32xf32>
    %add3A_1862 = arith.addf %add3A_1859, %add3A_1861 : vector<800x32xf32>
    %sqrt3A_1863 = math.sqrt %add3A_1862 : vector<800x32xf32>
    %concatenate3A_1864 = tpu.concatenate %mul3A_1848, %sqrt3A_1863 in 1 : vector<800x32xf32>, vector<800x32xf32> -> vector<800x64xf32>
    %dot_general3A_1865 = arith.constant dense<0.000000e+00> : vector<800x32xf32>
    %dot_general3A_1866 = tpu.matmul %concatenate3A_1864, %get3A_16, %dot_general3A_1865 {dimension_numbers = #tpu.dot_dimension_numbers<[1], [0], [0], [1], [0, 0, 1, 1], [], []>, transpose_lhs_hint = false} : vector<800x64xf32>, vector<64x32xf32>, vector<800x32xf32> -> vector<800x32xf32>
    %add3A_1867 = vector.broadcast %get3A_22 : vector<1x32xf32> to vector<800x32xf32>
    %add3A_1868 = arith.addf %dot_general3A_1866, %add3A_1867 : vector<800x32xf32>
    %dot_general3A_1869 = arith.constant dense<0.000000e+00> : vector<800x32xf32>
    %dot_general3A_1870 = tpu.matmul %dot_general3A_1850, %get3A_19, %dot_general3A_1869 {dimension_numbers = #tpu.dot_dimension_numbers<[1], [0], [0], [1], [0, 0, 1, 1], [], []>, transpose_lhs_hint = false} : vector<800x32xf32>, vector<32x32xf32>, vector<800x32xf32> -> vector<800x32xf32>
    %dot_general3A_1871 = arith.constant dense<0.000000e+00> : vector<800x32xf32>
    %dot_general3A_1872 = tpu.matmul %dot_general3A_1852, %get3A_19, %dot_general3A_1871 {dimension_numbers = #tpu.dot_dimension_numbers<[1], [0], [0], [1], [0, 0, 1, 1], [], []>, transpose_lhs_hint = false} : vector<800x32xf32>, vector<32x32xf32>, vector<800x32xf32> -> vector<800x32xf32>
    %dot_general3A_1873 = arith.constant dense<0.000000e+00> : vector<800x32xf32>
    %dot_general3A_1874 = tpu.matmul %dot_general3A_1854, %get3A_19, %dot_general3A_1873 {dimension_numbers = #tpu.dot_dimension_numbers<[1], [0], [0], [1], [0, 0, 1, 1], [], []>, transpose_lhs_hint = false} : vector<800x32xf32>, vector<32x32xf32>, vector<800x32xf32> -> vector<800x32xf32>
    %concatenate3A_1875 = tpu.concatenate %mul3A_1486, %mul3A_1488, %mul3A_1490, %mul3A_1492 in 1 : vector<40x32xf32>, vector<40x32xf32>, vector<40x32xf32>, vector<40x32xf32> -> vector<40x128xf32>
    %swap3A = arith.constant 0 : index
    %swap3A_1876 = arith.constant 0 : index
    %swap3A_1877 = arith.constant 0 : index
    %swap3A_1878 = vector.load %arg6[%swap3A, %swap3A_1876, %swap3A_1877] : memref<1x40x128xf32, #tpu.memory_space<vmem>>, vector<1x40x128xf32>
    %swap3A_1879 = vector.shape_cast %swap3A_1878 : vector<1x40x128xf32> to vector<40x128xf32>
    %swap3A_1880 = vector.shape_cast %concatenate3A_1875 : vector<40x128xf32> to vector<1x40x128xf32>
    tpu.vector_store %arg6[%swap3A, %swap3A_1876, %swap3A_1877], %swap3A_1880 {strides = array<i32>} : memref<1x40x128xf32, #tpu.memory_space<vmem>>, vector<1x40x128xf32>,
    %concatenate3A_1881 = tpu.concatenate %dot_general3A_1870, %dot_general3A_1872, %dot_general3A_1874, %add3A_1868 in 1 : vector<800x32xf32>, vector<800x32xf32>, vector<800x32xf32>, vector<800x32xf32> -> vector<800x128xf32>
    %swap3A_1882 = arith.constant 0 : index
    %swap3A_1883 = arith.constant 0 : index
    %swap3A_1884 = arith.constant 0 : index
    %swap3A_1885 = vector.load %arg7[%swap3A_1882, %swap3A_1883, %swap3A_1884] : memref<1x800x128xf32, #tpu.memory_space<vmem>>, vector<1x800x128xf32>
    %swap3A_1886 = vector.shape_cast %swap3A_1885 : vector<1x800x128xf32> to vector<800x128xf32>
    %swap3A_1887 = vector.shape_cast %concatenate3A_1881 : vector<800x128xf32> to vector<1x800x128xf32>
    tpu.vector_store %arg7[%swap3A_1882, %swap3A_1883, %swap3A_1884], %swap3A_1887 {strides = array<i32>} : memref<1x800x128xf32, #tpu.memory_space<vmem>>, vector<1x800x128xf32>,
    return
  }
  func.func @transform_0(%arg0: i32) -> (i32, i32, i32) {
    %c0_i32 = arith.constant 0 : i32
    %c0_i32_0 = arith.constant 0 : i32
    %c0_i32_1 = arith.constant 0 : i32
    return %arg0, %c0_i32, %c0_i32_0 : i32, i32, i32
  }
  func.func @transform_1(%arg0: i32) -> (i32, i32, i32) {
    %c0_i32 = arith.constant 0 : i32
    %c0_i32_0 = arith.constant 0 : i32
    %c0_i32_1 = arith.constant 0 : i32
    return %arg0, %c0_i32, %c0_i32_0 : i32, i32, i32
  }
  func.func @transform_2(%arg0: i32) -> (i32, i32, i32) {
    %c0_i32 = arith.constant 0 : i32
    %c0_i32_0 = arith.constant 0 : i32
    %c0_i32_1 = arith.constant 0 : i32
    return %arg0, %c0_i32, %c0_i32_0 : i32, i32, i32
  }
  func.func @transform_3(%arg0: i32) -> (i32, i32, i32) {
    %c0_i32 = arith.constant 0 : i32
    %c0_i32_0 = arith.constant 0 : i32
    %c0_i32_1 = arith.constant 0 : i32
    return %arg0, %c0_i32, %c0_i32_0 : i32, i32, i32
  }
  func.func @transform_4(%arg0: i32) -> (i32, i32) {
    %c0_i32 = arith.constant 0 : i32
    %c0_i32_0 = arith.constant 0 : i32
    %c0_i32_1 = arith.constant 0 : i32
    return %c0_i32, %c0_i32_0 : i32, i32
  }
  func.func @transform_5(%arg0: i32) -> (i32, i32, i32) {
    %c0_i32 = arith.constant 0 : i32
    %c0_i32_0 = arith.constant 0 : i32
    %c0_i32_1 = arith.constant 0 : i32
    return %arg0, %c0_i32, %c0_i32_0 : i32, i32, i32
  }
  func.func @transform_6(%arg0: i32) -> (i32, i32, i32) {
    %c0_i32 = arith.constant 0 : i32
    %c0_i32_0 = arith.constant 0 : i32
    %c0_i32_1 = arith.constant 0 : i32
    return %arg0, %c0_i32, %c0_i32_0 : i32, i32, i32
  }
}

</mosaic_0001>

<sc_bundles>
// kernel: sparse-core-data-format-call.1.cloned.1.call-start
scs
called_computation.1_lowered:
.L_overlay_start_0:
0x0: {  	s2 =	sld [smem:$0x3FD9]  }
0x1: {  	s3 =	sld [smem:$0x3FFE];
	_ =	sdelay $0x1  }
0x2: {  	s1 =	srdreg.scid  }
0x3: {  	s0 =	sand.u32 $0x1, s1  }
0x4: {  	s18 =	sshll.u32 s0, $0xA;
	s2 =	sadd.s32 s3, s2  }
0x5: {  	s2 =	sadd.s32 s2, s18  }
0x6: {  	[smem:$0x3F68] =	sst s2  }
0x7: {  	_ = 	snop  }
0x8: {  	s2 =	sld [smem:$0x3FC8];
	(tm) =	ssettm $0x1  }
0x9: {  	s19 =	sld [smem:$0x3FFB];
	_ =	sdelay $0x3  }
0xa: {  	_ =	strace s19  }
0xb: {  	s3 =	sld [smem:$0x3FFC];
	_ =	sdelay $0x3  }
0xc: {  	_ =	strace s3  }
0xd: {  	s3 =	sld [smem:$0x3FFD];
	_ =	sdelay $0x3  }
0xe: {  	_ =	strace s3  }
0xf: {  	_ =	strace $0x8FFFFFFF  }
0x10: {  	s20 =	sld [smem:$0x3FDB];
	_ =	sdelay $0x1  }
0x11: {  	s4 =	simm.s32 $_scs_section_size  }
0x12: {  	s5 =	simm.s32 $_size__tile_overlayer_lowered;
	s6 =	simm.s32 $_tile_overlayer_lowered  }
0x13: {  	s23 =	simm.s32 $0x1BFF;
	s22 =	sshll.u32 s6, $0x1;
	s3 =	sadd.s32 s4, s20  }
0x14: {  	s7 =	simm.s32 $0x0;
	s21 =	sshll.u32 s5, $0x1;
	s5 =	sadd.s32 s22, s3  }
0x15: {  	[timem:s7], [sflag:s23] =	dma.local [hbm:s5], s21  }
0x16: {  	_ =	swait.ge [sflag:s23], s21  }
0x17: {  	s4 =	ssub.s32 $0x0, s21;
	[sflag:s23] =	ssyncset.done $0x0  }
0x18: {  	[sflag:s23] =	ssyncadd.s32 s4;
	_ =	sdelay $0x1  }
0x19: {  	s24 =	simm.s32 $0x1B8B  }
0x1a: {  	_ =	swait.ge [sflag:s24], $0x1  }
0x1b: {  	[sflag:s24] =	ssyncset.done $0x0  }
0x1c: {  	s26 =	simm.s32 $0x1B8E;
	s25 =	sld [smem:$0x3FFE];
	[sflag:s24] =	ssyncadd.s32 $0xFFFFFFFF  }
0x1d: {  	s27 =	simm.s32 $execute0_lowered;
	[smem:$0x3FD2] =	sst s26  }
0x1e: {  	s5 =	sshll.u32 s27, $0x1;
	_ =	strace $0x80000046;
	[dreg:$0x1] =	wrdreg $0xFFFFFFFF  }
0x1f: {  	s28 =	simm.s32 $_size_execute0_lowered;
	s3 =	sadd.s32 s3, s5;
	[dreg:$0x0] =	wrdreg $0x0  }
0x20: {  	s5 =	sshll.u32 s28, $0x1;
	[dreg:$0x2] =	wrdreg s3  }
0x21: {  	[dreg:$0x3] =	wrdreg s5  }
0x22: {  	[dreg:$0x4] =	wrdreg $0xC0  }
0x23: {  	_ =	task [dreg:s7], $0x5FFFF  }
0x24: {  	[dreg:$0x1] =	wrdreg $0xFFFFFFFF  }
0x25: {  	[dreg:$0x0] =	wrdreg $0x60  }
0x26: {  	[dreg:$0x2] =	wrdreg s2  }
0x27: {  	[dreg:$0x3] =	wrdreg s25  }
0x28: {  	[dreg:$0x4] =	wrdreg $0x9  }
0x29: {  	_ =	task.clear_ibuf [dreg:s7], $0x5FFFF;
	_ =	strace $0x90000046  }
0x2a: {  	s29 =	simm.s32 $0x9;
	_ =	strace $0x80000048  }
0x2b: {  	_ =	swait.ge [sflag:s29], $0x1  }
0x2c: {  	[sflag:s29] =	ssyncadd.s32 $0xFFFFFFFF  }
0x2d: {  	_ =	strace $0x90000048  }
0x2e: {  	_ =	sfence  }
0x2f: {  	s30 =	sld [smem:$0x0];
	_ =	sdelay $0x2  }
0x30: {  	s31 =	sshll.u32 s1, $0xD;
	s1 =	sshrl.u32 s1, $0x2  }
0x31: {  	s3 =	sand.u32 $0x4000, s31;
	s1 =	sadd.s32 s1, s30  }
0x32: {  	s0 =	sor.u32 s3, s0;
	s1 =	sshll.u32 s1, $0x11  }
0x33: {  	s0 =	sor.u32 s1, s0  }
0x34: {  	s0 =	sadd.s32 $0x8F2B, s0  }
0x35: {  	[sflag:s0] =	ssyncadd.remote.s32 $0x1  }
0x36: {  	_ =	sfence.sel $0xFFFF  }
0x37: {  	[dreg:$0x0] =	wrdreg $0xFFFFFFFF;
	(pc) =	sbr.abs _section_cstart, $3  }
0x38: {  	[dreg:$0x1] =	wrdreg $0xFFFFFFFF  }
0x39: {  	_ =	task.clear_ibuf [dreg:s7], $0x2FFFF;
	_ =	strace $0x9FFFFFFF  }
0x3a: {  	(tm) =	ssettm $0x7FFFFFFF  }
0x3b: {  	_ =	shalt  }
tec
execute0_lowered:
.L_overlay_start_1:
0x0: {  	(tag) =	ssettag $0x1  }
0x1: {  	s0 =	srdreg.scid;
	s4 =	rddreg [dreg:$0x0]  }
0x2: {  	s7 =	rddreg [dreg:$0x1];
	s8 =	simm.s32 $0x2;
	s1 =	sshll.u32 s0, $0x4  }
0x3: {  	s16 =	simm.s32 $0x0;
	s0 =	stileid.u32;
	s1 =	sand.u32 $0x10, s1  }
0x4: {  	p0 =	por $0x0, $0x0;
	s2 =	sor.u32 s0, s1;
	s1 =	sand.u32 $0x1, s0  }
0x5: {  	s9 =	simm.s32 $0x200;
	s3 =	sshrl.u32 s2, $0x1;
	s30 =	ssub.s32 $0x2, s1  }
0x6: {  	s5 =	sshrl.u32 s30, $0x1;
	s2 =	sand.u32 $0x1, s30;
	s6 =	ssub.s32 $0x41, s3  }
0x7: {  	s10 =	simm.s32 $0xC00;
	s2 =	sadd.s32 s2, s5;
	s31 =	sshrl.u32 s6, $0x4  }
0x8: {  	s18 =	simm.s32 $0x0;
	s17 =	simm.s32 $0x0;
	s6 =	smul.u32 s31, s2  }
.Ltmp0:
0x9: {  	s19 =	simm.s32 $0x0;
	s11 =	simm.s32 $0x0;
	(pc) =	sbr.rel .LBB1_1-.Ltmp0, $4  }
0xa: {  	s12 =	simm.s32 $0x0;
	s15 =	simm.s32 $0x0;
	s5 =	simm.s32 $0x1  }
0xb: {  	s2 =	rddreg [dreg:$0x2];
	_ =	strace $0x80000047;
	s6 =	smul.u32 $0x19, s6  }
0xc: {  	s7 =	sadd.s32 $0xF600, s7;
	s14 =	smov.u32 s1;
	[sflag:s5] =	ssyncpa.u1 $0x0  }
0xd: {  	s13 =	smov.u32 s3;
	[sflag:s8] =	ssyncpa.u1 $0x0;
	s8 =	sadd.s32 $0x1, s6  }
.LBB1_7:
0xe: {  	s20 =	sadd.s32 $0x8, s11  }
0xf: {  	s16 =	sadd.s32 $0x4, s12;
	s21 =	smov.u32 s12;
	p2 =	sgt.s32 s20, $0x27  }
0x10: {  	s21 =	smov.u32 @p2 s16  }
0x11: {  	s22 =	smov.u32 s13;
	s16 =	sadd.s32 $0x10, s13;
	p3 =	sgt.s32 s21, $0x13  }
0x12: {  	s22 =	smov.u32 @p3 s16  }
0x13: {  	s23 =	smov.u32 s14;
	s16 =	sadd.s32 $0x2, s14;
	p4 =	sgt.s32 s22, $0x31  }
0x14: {  	p1 =	slt.u32 s15, $0x2;
	s23 =	smov.u32 @p4 s16  }
0x15: {  	s18 =	smov.u32 s12;
	s20 =	simm.s32 @p2 $0x0;
	p2 =	sgt.s32 s23, $0x1  }
0x16: {  	s24 =	simm.s32 @!p1 $0x2;
	s23 =	smov.u32 @p2 s1;
	p2 =	sne.s32 s15, s8  }
.Ltmp1:
0x17: {  	s17 =	smov.u32 s13;
	_ =	swait.ge @!p1 [sflag:s24], $0x1000;
	(pc) =	sbr.rel @!p2 .LBB1_8-.Ltmp1, $4  }
0x18: {  	s19 =	smov.u32 s14;
	[sflag:s24] =	ssyncset.done @!p1 $0x0;
	s21 =	simm.s32 @p3 $0x0  }
0x19: {  	p0 =	por !p0, !p0;
	[sflag:s24] =	ssyncadd.s32 @!p1 $0xFFFFF000;
	s12 =	smov.u32 s21  }
0x1a: {  	s22 =	smov.u32 @p4 s3;
	s16 =	smov.u32 s11;
	s11 =	smov.u32 s20  }
0x1b: {  	s13 =	smov.u32 s22;
	s15 =	sadd.s32 $0x1, s15;
	s14 =	smov.u32 s23  }
.LBB1_1:
0x1c: {  	p1 =	sge.u32 s15, s6  }
0x1d: {  	s20 =	sand.u32 @!p1 $0x1FFFFFF, s11;
	s22 =	smul.u32 @!p1 $0x9C400, s14  }
0x1e: {  	s21 =	smulhi.u32 @!p1 $0x6666667, s20  }
0x1f: {  	s23 =	smul.u32 @!p1 $0x3200, s13  }
0x20: {  	s31 =	sadd.s32 $0xFFFFFFFF, s15;
	s21 =	smul.u32 @!p1 $0x28, s21  }
0x21: {  	s24 =	sxor.u32 @!p1 $0xFFFFFFFF, s15;
	s25 =	smul.u32 @!p1 $0x280, s12;
	s22 =	sadd.s32 @!p1 s4, s22  }
0x22: {  	s22 =	sadd.s32 @!p1 s23, s22;
	s23 =	simm.s32 @!p1 $0x1400;
	s20 =	ssub.s32 @!p1 s20, s21  }
0x23: {  	s22 =	sadd.s32 @!p1 s25, s22;
	s21 =	sshll.u32 @!p1 s24, $0xC;
	s20 =	sshll.u32 @!p1 s20, $0x4  }
0x24: {  	s21 =	sand.u32 @!p1 $0x1000, s21;
	s20 =	sadd.s32 @!p1 s20, s22;
	s22 =	simm.s32 @!p1 $0x400  }
0x25: {  	[tilespmem:s21], [sflag:$0x1] =	stream.strided.gather @!p1 [hbm4b:s20+s22], $0x1000, s23, s22, $0x38;
	[tilespmem:$0x4000] =	vst v63  }
0x26: {  	p1 =	sge.u32 s31, s6  }
.Ltmp2:
0x27: {  	_ = 	snop;
	(pc) =	sbr.rel @p1 .LBB1_7-.Ltmp2, $1  }
0x28: {  	_ =	sdelay $0x3  }
0x29: {  	s20 =	simm.s32 $0x1;
	_ =	swait.ge [sflag:s5], $0x1000;
	s23 =	sshll.u32 s15, $0xC  }
0x2a: {  	s20 =	simm.s32 @!p0 $0x0;
	[sflag:s5] =	ssyncset.done $0x0;
	s31 =	sand.u32 $0x1000, s23  }
0x2b: {  	s23 =	simm.s32 $0x0;
	s20 =	sshll.u32 s20, $0xC;
	[sflag:s5] =	ssyncadd.s32 $0xFFFFF000  }
0x2c: {  	s21 =	sor.u32 $0x40, s20;
	s22 =	sor.u32 $0x2040, s20;
	s20 =	sor.u32 $0x2000, s31  }
.LBB1_3:
0x2d: {  	v0 =	vmov s22;
	v2 =	vld [tilespmem:s21+$0x30]  }
0x2e: {  	v4 =	vld [tilespmem:s21+$0xFFFFFFD0]  }
0x2f: {  	v6 =	vld [tilespmem:s21+$0xFFFFFFE0]  }
0x30: {  	v7 =	vld [tilespmem:s21+$0xFFFFFFF0]  }
0x31: {  	s24 =	simm.s32 $0x0;
	v1 =	vld [tilespmem:s21+$0x0]  }
0x32: {  	v3 =	vld [tilespmem:s21+$0x10];
	[tilespmem:v0+s24+$0x30 ss:$0x1] =	vst.idx.msk $0xffff, v2  }
0x33: {  	v5 =	vld [tilespmem:s21+$0x20];
	[tilespmem:v0+s24+$0xFFFFFFD0 ss:$0x1] =	vst.idx.msk $0xffff, v4  }
0x34: {  	s25 =	sadd.s32 $0x80, s21;
	v2 =	vld [tilespmem:s21+$0xFFFFFFC0];
	[tilespmem:v0+s24+$0xFFFFFFE0 ss:$0x1] =	vst.idx.msk $0xffff, v6  }
0x35: {  	s26 =	simm.s32 $0x800;
	s27 =	simm.s32 $0x1000;
	v4 =	vld [tilespmem:s25+$0x30];
	[tilespmem:v0+s24+$0xFFFFFFF0 ss:$0x1] =	vst.idx.msk $0xffff, v7  }
.LBB1_4:
0x36: {  	p1 =	sne.s32 s27, $0x3800;
	v6 =	vld [tilespmem:s25+$0xFFFFFFD0];
	[tilespmem:v0+s24+$0x0 ss:$0x1] =	vst.idx.msk $0xffff, v1  }
0x37: {  	v7 =	vld [tilespmem:s25+$0xFFFFFFE0];
	[tilespmem:v0+s24+$0x10 ss:$0x1] =	vst.idx.msk $0xffff, v3  }
0x38: {  	v8 =	vld [tilespmem:s25+$0xFFFFFFF0];
	[tilespmem:v0+s24+$0x20 ss:$0x1] =	vst.idx.msk $0xffff, v5  }
.Ltmp3:
0x39: {  	v1 =	vld [tilespmem:s25+$0x0];
	[tilespmem:v0+s24+$0xFFFFFFC0 ss:$0x1] =	vst.idx.msk $0xffff, v2;
	s24 =	sshra.s32 s26, $0x2;
	s26 =	smov.u32 s27;
	(pc) =	sbr.rel @p1 .LBB1_4-.Ltmp3, $4  }
0x3a: {  	v3 =	vld [tilespmem:s25+$0x10];
	[tilespmem:v0+s24+$0x30 ss:$0x1] =	vst.idx.msk $0xffff, v4  }
0x3b: {  	[tilespmem:v0+s24+$0xFFFFFFD0 ss:$0x1] =	vst.idx.msk $0xffff, v6;
	v5 =	vld [tilespmem:s25+$0x20]  }
0x3c: {  	v2 =	vld [tilespmem:s25+$0xFFFFFFC0];
	[tilespmem:v0+s24+$0xFFFFFFE0 ss:$0x1] =	vst.idx.msk $0xffff, v7;
	s25 =	sadd.s32 $0x80, s25  }
0x3d: {  	s27 =	sadd.s32 $0x800, s27;
	v4 =	vld [tilespmem:s25+$0x30];
	[tilespmem:v0+s24+$0xFFFFFFF0 ss:$0x1] =	vst.idx.msk $0xffff, v8  }
0x3e: {  	_ =	sdelay $0x3  }
0x3f: {  	v6 =	vld [tilespmem:s25+$0xFFFFFFD0];
	[tilespmem:v0+s24+$0x0 ss:$0x1] =	vst.idx.msk $0xffff, v1  }
0x40: {  	v58 =	vld [tilespmem:s25+$0xFFFFFFE0];
	[tilespmem:v0+s24+$0x10 ss:$0x1] =	vst.idx.msk $0xffff, v3  }
0x41: {  	v59 =	vld [tilespmem:s25+$0xFFFFFFF0];
	[tilespmem:v0+s24+$0x20 ss:$0x1] =	vst.idx.msk $0xffff, v5  }
0x42: {  	s26 =	sshra.s32 s26, $0x2;
	v60 =	vld [tilespmem:s25+$0x0];
	[tilespmem:v0+s24+$0xFFFFFFC0 ss:$0x1] =	vst.idx.msk $0xffff, v2  }
0x43: {  	v61 =	vld [tilespmem:s25+$0x10];
	[tilespmem:v0+s26+$0x30 ss:$0x1] =	vst.idx.msk $0xffff, v4  }
0x44: {  	v62 =	vld [tilespmem:s25+$0x20];
	s23 =	sadd.s32 $0x1, s23;
	[tilespmem:v0+s26+$0xFFFFFFD0 ss:$0x1] =	vst.idx.msk $0xffff, v6  }
0x45: {  	v63 =	vld [tilespmem:s25+$0xFFFFFFC0];
	p1 =	sne.s32 s23, $0x4;
	[tilespmem:v0+s26+$0xFFFFFFE0 ss:$0x1] =	vst.idx.msk $0xffff, v58  }
.Ltmp4:
0x46: {  	[tilespmem:v0+s26+$0xFFFFFFF0 ss:$0x1] =	vst.idx.msk $0xffff, v59;
	(pc) =	sbr.rel @p1 .LBB1_3-.Ltmp4, $4  }
0x47: {  	[tilespmem:v0+s26+$0x0 ss:$0x1] =	vst.idx.msk $0xffff, v60  }
0x48: {  	[tilespmem:v0+s26+$0x10 ss:$0x1] =	vst.idx.msk $0xffff, v61  }
0x49: {  	[tilespmem:v0+s26+$0x20 ss:$0x1] =	vst.idx.msk $0xffff, v62  }
0x4a: {  	s21 =	sadd.s32 $0x400, s21;
	s22 =	sadd.s32 $0x80, s22;
	[tilespmem:v0+s26+$0xFFFFFFC0 ss:$0x1] =	vst.idx.msk $0xffff, v63  }
0x4b: {  	s19 =	smul.u32 $0xBB800, s19  }
0x4c: {  	s18 =	sand.u32 $0x1FFFFFF, s18;
	s17 =	smul.u32 $0x3C00, s17  }
0x4d: {  	s21 =	smulhi.u32 $0xAAAAAAB, s18  }
0x4e: {  	s16 =	smul.u32 $0x180, s16  }
0x4f: {  	s21 =	smul.u32 $0x18, s21  }
.Ltmp5:
0x50: {  	s19 =	sadd.s32 s7, s19;
	(pc) =	sbr.rel .LBB1_7-.Ltmp5, $4  }
0x51: {  	s17 =	sadd.s32 s17, s19;
	s18 =	ssub.s32 s18, s21  }
0x52: {  	s16 =	sadd.s32 s16, s17;
	s18 =	sshll.u32 s18, $0x4  }
0x53: {  	s16 =	sadd.s32 s18, s16  }
0x54: {  	[hbm4b:s16+s9] =	stream.strided.scatter [tilespmem:s20], [sflag:$0x2], $0x1000, s10, s9, $0x38;
	[tilespmem:$0x4000] =	vst v63  }
.LBB1_8:
0x55: {  	_ =	sfence.sel $0x180000  }
0x56: {  	s1 =	simm.s32 $0x1;
	[bflag:$0x0] =	sbarrier.arrive $0xFFFF  }
0x57: {  	s31 =	simm.s32 $0x2;
	[sflag:s1] =	ssyncpa.u1 $0x1  }
0x58: {  	[sflag:s31] =	ssyncpa.u1 $0x1  }
0x59: {  	p0 =	sne.s32 s0, $0x0;
	_ =	strace $0x90000047  }
0x5a: {  	s0 =	sadd.s32 @!p0 $0x100000, s2;
	[bflag:$0x2] =	sbarrier.arrive $0xFFFF  }
0x5b: {  	[sflag:s0] =	ssyncadd.tile.s32 @!p0 $0x1;
	_ =	shalt  }
.Lfunc_end1:
_tile_overlayer_lowered:
.L_overlay_start_2:
0x5c: {  	(tag) =	ssettag $0x2  }
0x5d: {  	s0 =	rddreg [dreg:$0x0];
	s2 =	stileid.u32  }
0x5e: {  	s1 =	rddreg [dreg:$0x1];
	p0 =	sne.s32 s2, $0x0  }
0x5f: {  	s3 =	rddreg [dreg:$0x2];
	[bflag:$0x3] =	sbarrier.arrive $0xFFFF;
	s2 =	simm.s32 @!p0 $0x1C01  }
0x60: {  	[timem:s3], [sflag:s2] =	dma.local @!p0 [hbm:s0], s1  }
0x61: {  	s0 =	simm.s32 @!p0 $0x1  }
0x62: {  	_ =	swait.ge @!p0 [sflag:s0], s1  }
0x63: {  	s1 =	ssub.s32 @!p0 $0x0, s1;
	[sflag:s0] =	ssyncset.done @!p0 $0x0  }
0x64: {  	[sflag:s0] =	ssyncadd.s32 @!p0 s1  }
0x65: {  	[bflag:$0x3] =	sbarrier.arrive $0xFFFF  }
0x66: {  	_ =	shalt  }

// kernel: sparse-core-data-format-call.cloned.1.call-start
scs
called_computation_lowered:
.L_overlay_start_0:
0x0: {  	s2 =	sld [smem:$0x3FD9]  }
0x1: {  	s3 =	sld [smem:$0x3FFE];
	_ =	sdelay $0x1  }
0x2: {  	s1 =	srdreg.scid  }
0x3: {  	s0 =	sand.u32 $0x1, s1  }
0x4: {  	s15 =	sshll.u32 s0, $0xA;
	s2 =	sadd.s32 s3, s2  }
0x5: {  	s2 =	sadd.s32 s2, s15  }
0x6: {  	[smem:$0x3F68] =	sst s2  }
0x7: {  	_ = 	snop  }
0x8: {  	s2 =	sld [smem:$0x3FD0];
	_ =	sdelay $0x2  }
0x9: {  	s16 =	simm.s32 $0xA;
	s4 =	simm.s32 $0x10  }
0xa: {  	[smem:s4], [sflag:s16] =	dma.local [hbm:s2], $0x1  }
0xb: {  	_ =	swait.eq [sflag:s16], $0x1  }
0xc: {  	[sflag:s16] =	ssyncset.done $0x0  }
0xd: {  	[sflag:s16] =	ssyncadd.s32 $0xFFFFFFFF  }
0xe: {  	s17 =	sld [smem:$0x11];
	(tm) =	ssettm $0x1  }
0xf: {  	s18 =	sld [smem:$0x3FFB];
	_ =	sdelay $0x3  }
0x10: {  	_ =	strace s18  }
0x11: {  	s3 =	sld [smem:$0x3FFC];
	_ =	sdelay $0x3  }
0x12: {  	_ =	strace s3  }
0x13: {  	s3 =	sld [smem:$0x3FFD];
	_ =	sdelay $0x3  }
0x14: {  	_ =	strace s3  }
0x15: {  	_ =	strace $0x8FFFFFFF  }
0x16: {  	s19 =	sld [smem:$0x3FDB];
	_ =	sdelay $0x1  }
0x17: {  	s20 =	simm.s32 $_scs_section_size  }
0x18: {  	s5 =	simm.s32 $_size__tile_overlayer_lowered;
	s6 =	simm.s32 $_tile_overlayer_lowered  }
0x19: {  	s23 =	simm.s32 $0x1BFF;
	s22 =	sshll.u32 s6, $0x1;
	s3 =	sadd.s32 s20, s19  }
0x1a: {  	s7 =	simm.s32 $0x0;
	s21 =	sshll.u32 s5, $0x1;
	s5 =	sadd.s32 s22, s3  }
0x1b: {  	[timem:s7], [sflag:s23] =	dma.local [hbm:s5], s21  }
0x1c: {  	_ =	swait.ge [sflag:s23], s21  }
0x1d: {  	s4 =	ssub.s32 $0x0, s21;
	[sflag:s23] =	ssyncset.done $0x0  }
0x1e: {  	[sflag:s23] =	ssyncadd.s32 s4;
	_ =	sdelay $0x1  }
0x1f: {  	s24 =	simm.s32 $0x1B8B  }
0x20: {  	_ =	swait.ge [sflag:s24], $0x1  }
0x21: {  	[sflag:s24] =	ssyncset.done $0x0  }
0x22: {  	s26 =	simm.s32 $0x1B8E;
	s25 =	sld [smem:$0x3FFE];
	[sflag:s24] =	ssyncadd.s32 $0xFFFFFFFF  }
0x23: {  	s27 =	simm.s32 $execute0_lowered;
	[smem:$0x3FD2] =	sst s26  }
0x24: {  	s5 =	sshll.u32 s27, $0x1;
	_ =	strace $0x80000049;
	[dreg:$0x1] =	wrdreg $0xFFFFFFFF  }
0x25: {  	s28 =	simm.s32 $_size_execute0_lowered;
	s3 =	sadd.s32 s3, s5;
	[dreg:$0x0] =	wrdreg $0x0  }
0x26: {  	s5 =	sshll.u32 s28, $0x1;
	[dreg:$0x2] =	wrdreg s3  }
0x27: {  	[dreg:$0x3] =	wrdreg s5  }
0x28: {  	[dreg:$0x4] =	wrdreg $0xC0  }
0x29: {  	_ =	task [dreg:s7], $0x5FFFF  }
0x2a: {  	[dreg:$0x1] =	wrdreg $0xFFFFFFFF  }
0x2b: {  	[dreg:$0x0] =	wrdreg $0x60  }
0x2c: {  	[dreg:$0x2] =	wrdreg s25  }
0x2d: {  	[dreg:$0x3] =	wrdreg s17  }
0x2e: {  	[dreg:$0x4] =	wrdreg $0x9  }
0x2f: {  	_ =	task.clear_ibuf [dreg:s7], $0x5FFFF;
	_ =	strace $0x90000049  }
0x30: {  	s29 =	simm.s32 $0x9;
	_ =	strace $0x8000004B  }
0x31: {  	_ =	swait.ge [sflag:s29], $0x1  }
0x32: {  	[sflag:s29] =	ssyncadd.s32 $0xFFFFFFFF  }
0x33: {  	_ =	strace $0x9000004B  }
0x34: {  	_ =	sfence  }
0x35: {  	s30 =	sld [smem:$0x0];
	_ =	sdelay $0x2  }
0x36: {  	s31 =	sshll.u32 s1, $0xD;
	s1 =	sshrl.u32 s1, $0x2  }
0x37: {  	s3 =	sand.u32 $0x4000, s31;
	s1 =	sadd.s32 s1, s30  }
0x38: {  	s0 =	sor.u32 s3, s0;
	s1 =	sshll.u32 s1, $0x11  }
0x39: {  	s0 =	sor.u32 s1, s0  }
0x3a: {  	s0 =	sadd.s32 $0x8F2B, s0  }
0x3b: {  	[sflag:s0] =	ssyncadd.remote.s32 $0x1  }
0x3c: {  	_ =	sfence.sel $0xFFFF  }
0x3d: {  	[dreg:$0x0] =	wrdreg $0xFFFFFFFF;
	(pc) =	sbr.abs _section_cstart, $3  }
0x3e: {  	[dreg:$0x1] =	wrdreg $0xFFFFFFFF  }
0x3f: {  	_ =	task.clear_ibuf [dreg:s7], $0x2FFFF;
	_ =	strace $0x9FFFFFFF  }
0x40: {  	(tm) =	ssettm $0x7FFFFFFF  }
0x41: {  	_ =	shalt  }
tec
execute0_lowered:
.L_overlay_start_1:
0x0: {  	(tag) =	ssettag $0x1  }
0x1: {  	s0 =	srdreg.scid;
	s7 =	rddreg [dreg:$0x0]  }
0x2: {  	s8 =	simm.s32 $0x2;
	s16 =	simm.s32 $0x0;
	s1 =	sshll.u32 s0, $0x4  }
0x3: {  	p0 =	por $0x0, $0x0;
	s0 =	stileid.u32;
	s1 =	sand.u32 $0x10, s1  }
0x4: {  	s9 =	simm.s32 $0x400;
	s2 =	sor.u32 s0, s1;
	s1 =	sand.u32 $0x1, s0  }
0x5: {  	s10 =	simm.s32 $0x1400;
	s3 =	sshrl.u32 s2, $0x1;
	s31 =	ssub.s32 $0x2, s1  }
0x6: {  	s4 =	sshrl.u32 s31, $0x1;
	s2 =	sand.u32 $0x1, s31;
	s5 =	ssub.s32 $0x41, s3  }
0x7: {  	s18 =	simm.s32 $0x0;
	s2 =	sadd.s32 s2, s4;
	s5 =	sshrl.u32 s5, $0x4  }
0x8: {  	s17 =	simm.s32 $0x0;
	s19 =	simm.s32 $0x0;
	s6 =	smul.u32 s5, s2  }
.Ltmp0:
0x9: {  	s11 =	simm.s32 $0x0;
	s4 =	rddreg [dreg:$0x1];
	(pc) =	sbr.rel .LBB1_1-.Ltmp0, $4  }
0xa: {  	s12 =	simm.s32 $0x0;
	s15 =	simm.s32 $0x0;
	s2 =	rddreg [dreg:$0x2]  }
0xb: {  	_ =	strace $0x8000004A;
	s5 =	simm.s32 $0x1;
	s6 =	smul.u32 $0x19, s6  }
0xc: {  	s7 =	sadd.s32 $0x147E00, s7;
	s14 =	smov.u32 s1;
	[sflag:s5] =	ssyncpa.u1 $0x0  }
0xd: {  	s13 =	smov.u32 s3;
	[sflag:s8] =	ssyncpa.u1 $0x0;
	s8 =	sadd.s32 $0x1, s6  }
.LBB1_7:
0xe: {  	s20 =	sadd.s32 $0x4, s11  }
0xf: {  	s16 =	sadd.s32 $0x8, s12;
	s21 =	smov.u32 s12;
	p2 =	sgt.s32 s20, $0x13  }
0x10: {  	s21 =	smov.u32 @p2 s16  }
0x11: {  	s22 =	smov.u32 s13;
	s16 =	sadd.s32 $0x10, s13;
	p3 =	sgt.s32 s21, $0x27  }
0x12: {  	s22 =	smov.u32 @p3 s16  }
0x13: {  	s23 =	smov.u32 s14;
	s16 =	sadd.s32 $0x2, s14;
	p4 =	sgt.s32 s22, $0x31  }
0x14: {  	p1 =	slt.u32 s15, $0x2;
	s23 =	smov.u32 @p4 s16  }
0x15: {  	s18 =	smov.u32 s12;
	s20 =	simm.s32 @p2 $0x0;
	p2 =	sgt.s32 s23, $0x1  }
0x16: {  	s24 =	simm.s32 @!p1 $0x2;
	s23 =	smov.u32 @p2 s1;
	p2 =	sne.s32 s15, s8  }
.Ltmp1:
0x17: {  	s17 =	smov.u32 s13;
	_ =	swait.ge @!p1 [sflag:s24], $0x1000;
	(pc) =	sbr.rel @!p2 .LBB1_8-.Ltmp1, $4  }
0x18: {  	s19 =	smov.u32 s14;
	[sflag:s24] =	ssyncset.done @!p1 $0x0;
	s21 =	simm.s32 @p3 $0x0  }
0x19: {  	p0 =	por !p0, !p0;
	[sflag:s24] =	ssyncadd.s32 @!p1 $0xFFFFF000;
	s12 =	smov.u32 s21  }
0x1a: {  	s22 =	smov.u32 @p4 s3;
	s16 =	smov.u32 s11;
	s11 =	smov.u32 s20  }
0x1b: {  	s13 =	smov.u32 s22;
	s15 =	sadd.s32 $0x1, s15;
	s14 =	smov.u32 s23  }
.LBB1_1:
0x1c: {  	p1 =	sge.u32 s15, s6  }
0x1d: {  	s20 =	sand.u32 @!p1 $0x1FFFFFF, s11;
	s22 =	smul.u32 @!p1 $0xBB800, s14  }
0x1e: {  	s21 =	smulhi.u32 @!p1 $0xAAAAAAB, s20  }
0x1f: {  	s23 =	smul.u32 @!p1 $0x3C00, s13  }
0x20: {  	s31 =	sadd.s32 $0xFFFFFFFF, s15;
	s21 =	smul.u32 @!p1 $0x18, s21  }
0x21: {  	s24 =	sxor.u32 @!p1 $0xFFFFFFFF, s15;
	s25 =	smul.u32 @!p1 $0x180, s12;
	s22 =	sadd.s32 @!p1 s7, s22  }
0x22: {  	s22 =	sadd.s32 @!p1 s23, s22;
	s23 =	simm.s32 @!p1 $0xC00;
	s20 =	ssub.s32 @!p1 s20, s21  }
0x23: {  	s22 =	sadd.s32 @!p1 s25, s22;
	s21 =	sshll.u32 @!p1 s24, $0xC;
	s20 =	sshll.u32 @!p1 s20, $0x4  }
0x24: {  	s21 =	sand.u32 @!p1 $0x1000, s21;
	s20 =	sadd.s32 @!p1 s20, s22;
	s22 =	simm.s32 @!p1 $0x200  }
0x25: {  	[tilespmem:s21], [sflag:$0x1] =	stream.strided.gather @!p1 [hbm4b:s20+s22], $0x1000, s23, s22, $0x38;
	[tilespmem:$0x4000] =	vst v63  }
0x26: {  	p1 =	sge.u32 s31, s6  }
.Ltmp2:
0x27: {  	_ = 	snop;
	(pc) =	sbr.rel @p1 .LBB1_7-.Ltmp2, $1  }
0x28: {  	_ =	sdelay $0x3  }
0x29: {  	s20 =	simm.s32 $0x1;
	_ =	swait.ge [sflag:s5], $0x1000;
	s23 =	sshll.u32 s15, $0xC  }
0x2a: {  	s20 =	simm.s32 @!p0 $0x0;
	[sflag:s5] =	ssyncset.done $0x0;
	s31 =	sand.u32 $0x1000, s23  }
0x2b: {  	s23 =	simm.s32 $0x0;
	s20 =	sshll.u32 s20, $0xC;
	[sflag:s5] =	ssyncadd.s32 $0xFFFFF000  }
0x2c: {  	s21 =	sor.u32 $0x2040, s20;
	s22 =	sor.u32 $0x40, s20;
	s20 =	sor.u32 $0x2000, s31  }
.LBB1_3:
0x2d: {  	v0 =	vmov s22;
	_ =	sdelay $0x3  }
0x2e: {  	s25 =	simm.s32 $0x0  }
0x2f: {  	v6 =	vld.idx.msk [tilespmem:v0+s25+$0x30 ss:$0x1], $0xffff  }
0x30: {  	v7 =	vld.idx.msk [tilespmem:v0+s25+$0xFFFFFFC0 ss:$0x1], $0xffff  }
0x31: {  	v5 =	vld.idx.msk [tilespmem:v0+s25+$0xFFFFFFD0 ss:$0x1], $0xffff  }
0x32: {  	v4 =	vld.idx.msk [tilespmem:v0+s25+$0xFFFFFFE0 ss:$0x1], $0xffff  }
0x33: {  	v3 =	vld.idx.msk [tilespmem:v0+s25+$0xFFFFFFF0 ss:$0x1], $0xffff  }
0x34: {  	v1 =	vld.idx.msk [tilespmem:v0+s25+$0x0 ss:$0x1], $0xffff  }
0x35: {  	v2 =	vld.idx.msk [tilespmem:v0+s25+$0x10 ss:$0x1], $0xffff;
	[tilespmem:s21+$0x30] =	vst v6  }
0x36: {  	s24 =	simm.s32 $0x80;
	s26 =	simm.s32 $0x400;
	[tilespmem:s21+$0xFFFFFFC0] =	vst v7;
	v6 =	vld.idx.msk [tilespmem:v0+s25+$0x20 ss:$0x1], $0xffff;
	s25 =	smov.u32 s21  }
.LBB1_4:
0x37: {  	p1 =	sne.s32 s26, $0x600;
	v7 =	vld.idx.msk [tilespmem:v0+s24+$0x30 ss:$0x1], $0xffff;
	[tilespmem:s25+$0xFFFFFFD0] =	vst v5  }
0x38: {  	v8 =	vld.idx.msk [tilespmem:v0+s24+$0xFFFFFFC0 ss:$0x1], $0xffff;
	[tilespmem:s25+$0xFFFFFFE0] =	vst v4  }
0x39: {  	v5 =	vld.idx.msk [tilespmem:v0+s24+$0xFFFFFFD0 ss:$0x1], $0xffff;
	[tilespmem:s25+$0xFFFFFFF0] =	vst v3  }
.Ltmp3:
0x3a: {  	v4 =	vld.idx.msk [tilespmem:v0+s24+$0xFFFFFFE0 ss:$0x1], $0xffff;
	[tilespmem:s25+$0x0] =	vst v1;
	(pc) =	sbr.rel @p1 .LBB1_4-.Ltmp3, $4  }
0x3b: {  	v3 =	vld.idx.msk [tilespmem:v0+s24+$0xFFFFFFF0 ss:$0x1], $0xffff;
	[tilespmem:s25+$0x10] =	vst v2  }
0x3c: {  	v1 =	vld.idx.msk [tilespmem:v0+s24+$0x0 ss:$0x1], $0xffff;
	[tilespmem:s25+$0x20] =	vst v6;
	s25 =	sadd.s32 $0x400, s25  }
0x3d: {  	v2 =	vld.idx.msk [tilespmem:v0+s24+$0x10 ss:$0x1], $0xffff;
	[tilespmem:s25+$0x30] =	vst v7  }
0x3e: {  	[tilespmem:s25+$0xFFFFFFC0] =	vst v8;
	v6 =	vld.idx.msk [tilespmem:v0+s24+$0x20 ss:$0x1], $0xffff;
	s24 =	sshra.s32 s26, $0x2;
	s26 =	sadd.s32 $0x200, s26  }
0x3f: {  	_ =	sdelay $0x2  }
0x40: {  	[tilespmem:s25+$0xFFFFFFD0] =	vst v5  }
0x41: {  	v56 =	vld.idx.msk [tilespmem:v0+s24+$0x30 ss:$0x1], $0xffff;
	[tilespmem:s25+$0xFFFFFFE0] =	vst v4  }
0x42: {  	v57 =	vld.idx.msk [tilespmem:v0+s24+$0xFFFFFFC0 ss:$0x1], $0xffff;
	[tilespmem:s25+$0xFFFFFFF0] =	vst v3  }
0x43: {  	v58 =	vld.idx.msk [tilespmem:v0+s24+$0xFFFFFFD0 ss:$0x1], $0xffff;
	[tilespmem:s25+$0x0] =	vst v1  }
0x44: {  	v59 =	vld.idx.msk [tilespmem:v0+s24+$0xFFFFFFE0 ss:$0x1], $0xffff;
	[tilespmem:s25+$0x10] =	vst v2  }
0x45: {  	v60 =	vld.idx.msk [tilespmem:v0+s24+$0xFFFFFFF0 ss:$0x1], $0xffff;
	s31 =	sadd.s32 $0x400, s25;
	[tilespmem:s25+$0x20] =	vst v6  }
0x46: {  	v61 =	vld.idx.msk [tilespmem:v0+s24+$0x0 ss:$0x1], $0xffff;
	[tilespmem:s31+$0x30] =	vst v56  }
0x47: {  	v62 =	vld.idx.msk [tilespmem:v0+s24+$0x10 ss:$0x1], $0xffff;
	s23 =	sadd.s32 $0x1, s23;
	[tilespmem:s31+$0xFFFFFFC0] =	vst v57  }
0x48: {  	v63 =	vld.idx.msk [tilespmem:v0+s24+$0x20 ss:$0x1], $0xffff;
	p1 =	sne.s32 s23, $0x8;
	[tilespmem:s31+$0xFFFFFFD0] =	vst v58  }
.Ltmp4:
0x49: {  	[tilespmem:s31+$0xFFFFFFE0] =	vst v59;
	(pc) =	sbr.rel @p1 .LBB1_3-.Ltmp4, $4  }
0x4a: {  	[tilespmem:s31+$0xFFFFFFF0] =	vst v60  }
0x4b: {  	[tilespmem:s31+$0x0] =	vst v61  }
0x4c: {  	[tilespmem:s31+$0x10] =	vst v62  }
0x4d: {  	s21 =	sadd.s32 $0x80, s21;
	s22 =	sadd.s32 $0x200, s22;
	[tilespmem:s31+$0x20] =	vst v63  }
0x4e: {  	s19 =	smul.u32 $0x9C400, s19  }
0x4f: {  	s18 =	sand.u32 $0x1FFFFFF, s18;
	s17 =	smul.u32 $0x3200, s17  }
0x50: {  	s21 =	smulhi.u32 $0x6666667, s18  }
0x51: {  	s16 =	smul.u32 $0x280, s16  }
0x52: {  	s21 =	smul.u32 $0x28, s21  }
.Ltmp5:
0x53: {  	s19 =	sadd.s32 s4, s19;
	(pc) =	sbr.rel .LBB1_7-.Ltmp5, $4  }
0x54: {  	s17 =	sadd.s32 s17, s19;
	s18 =	ssub.s32 s18, s21  }
0x55: {  	s16 =	sadd.s32 s16, s17;
	s18 =	sshll.u32 s18, $0x4  }
0x56: {  	s16 =	sadd.s32 s18, s16  }
0x57: {  	[hbm4b:s16+s9] =	stream.strided.scatter [tilespmem:s20], [sflag:$0x2], $0x1000, s10, s9, $0x38;
	[tilespmem:$0x4000] =	vst v63  }
.LBB1_8:
0x58: {  	_ =	sfence.sel $0x180000  }
0x59: {  	s1 =	simm.s32 $0x1;
	[bflag:$0x0] =	sbarrier.arrive $0xFFFF  }
0x5a: {  	s31 =	simm.s32 $0x2;
	[sflag:s1] =	ssyncpa.u1 $0x1  }
0x5b: {  	[sflag:s31] =	ssyncpa.u1 $0x1  }
0x5c: {  	p0 =	sne.s32 s0, $0x0;
	_ =	strace $0x9000004A  }
0x5d: {  	s0 =	sadd.s32 @!p0 $0x100000, s2;
	[bflag:$0x2] =	sbarrier.arrive $0xFFFF  }
0x5e: {  	[sflag:s0] =	ssyncadd.tile.s32 @!p0 $0x1;
	_ =	shalt  }
.Lfunc_end1:
_tile_overlayer_lowered:
.L_overlay_start_2:
0x5f: {  	(tag) =	ssettag $0x2  }
0x60: {  	s0 =	rddreg [dreg:$0x0];
	s2 =	stileid.u32  }
0x61: {  	s1 =	rddreg [dreg:$0x1];
	p0 =	sne.s32 s2, $0x0  }
0x62: {  	s3 =	rddreg [dreg:$0x2];
	[bflag:$0x3] =	sbarrier.arrive $0xFFFF;
	s2 =	simm.s32 @!p0 $0x1C01  }
0x63: {  	[timem:s3], [sflag:s2] =	dma.local @!p0 [hbm:s0], s1  }
0x64: {  	s0 =	simm.s32 @!p0 $0x1  }
0x65: {  	_ =	swait.ge @!p0 [sflag:s0], s1  }
0x66: {  	s1 =	ssub.s32 @!p0 $0x0, s1;
	[sflag:s0] =	ssyncset.done @!p0 $0x0  }
0x67: {  	[sflag:s0] =	ssyncadd.s32 @!p0 s1  }
0x68: {  	[bflag:$0x3] =	sbarrier.arrive $0xFFFF  }
0x69: {  	_ =	shalt  }

</sc_bundles>
